<compile_context>
chip_gen: v7x
topology: tpu7x:2x2x1
jax: 0.10.2.dev20260603
libtpu: 0.0.44.dev20260713+nightly
codegen_flags: <defaults>
</compile_context>

<pallas_src>
import functools

import jax
import jax.numpy as jnp
from jax.experimental import pallas as pl
from jax.experimental.pallas import tpu as pltpu

_MAXI = 8192


def _lase_kernel(n, d, inv_np1, keep,
                 x_ref, w0_ref, w1_ref, wq_ref, wk_ref, wv_ref, wo_ref,
                 codes1_ref, n1_ref, codes2_ref, n2_ref, scale2_ref,
                 out_ref, xw1_ref, u_ref, vo_ref):
    x = x_ref[:]
    out_ref[:] = (jnp.dot(x, w0_ref[:], preferred_element_type=jnp.float32)
                  * inv_np1 + x * keep)
    xw1_ref[:] = (jnp.dot(x, w1_ref[:], preferred_element_type=jnp.float32)
                  * inv_np1)
    m = jnp.dot(wk_ref[:], wq_ref[:].T, preferred_element_type=jnp.float32)
    u_ref[:] = jnp.dot(x, m, preferred_element_type=jnp.float32)
    wvo = jnp.dot(wv_ref[:], wo_ref[:], preferred_element_type=jnp.float32)
    vo_ref[:] = jnp.dot(x, wvo, preferred_element_type=jnp.float32)

    def body1(e, carry):
        code = codes1_ref[e]
        s = code // n
        t = code - s * n
        out_ref[pl.ds(t, 1), :] += xw1_ref[pl.ds(s, 1), :]
        return carry

    jax.lax.fori_loop(0, n1_ref[0, 0], body1, 0)

    sc = scale2_ref[0, 0]

    def body2(e, carry):
        code = codes2_ref[e]
        s = code // n
        t = code - s * n
        w = jnp.sum(u_ref[pl.ds(s, 1), :] * x_ref[pl.ds(t, 1), :])
        out_ref[pl.ds(t, 1), :] -= (sc * w) * vo_ref[pl.ds(s, 1), :]
        return carry

    jax.lax.fori_loop(0, n2_ref[0, 0], body2, 0)


def kernel(input, edge_index, edge_index_2, mask, W0, W1, Wq, Wk, Wv, Wo):
    n, d = input.shape
    e = edge_index.shape[1]

    big = jnp.int32(2147483647)
    cm = (mask[0] * n + mask[1]).astype(jnp.int32)
    bm = jnp.zeros((n * n,), jnp.int8).at[cm].set(1, mode='drop')

    c1 = (edge_index[0] * n + edge_index[1]).astype(jnp.int32)
    c2 = (edge_index_2[0] * n + edge_index_2[1]).astype(jnp.int32)
    fb = bm[jnp.concatenate([c1, c2])] == 1

    def prep(c, f):
        idx = jnp.nonzero(f, size=_MAXI, fill_value=e)[0]
        codes = jnp.where(idx < e, c[jnp.clip(idx, 0, e - 1)], big)
        cs = jnp.sort(codes)
        uniq = jnp.concatenate(
            [jnp.ones((1,), bool), cs[1:] != cs[:-1]]) & (cs < big)
        idx2 = jnp.nonzero(uniq, size=_MAXI, fill_value=_MAXI - 1)[0]
        final = jnp.where(jnp.arange(_MAXI) < jnp.sum(uniq),
                          cs[jnp.clip(idx2, 0, _MAXI - 1)], -1)
        cnt = jnp.sum(uniq).astype(jnp.int32)
        return final.astype(jnp.int32), cnt.reshape(1, 1)

    codes1, n1 = prep(c1, fb[:e])
    codes2, n2 = prep(c2, fb[e:])

    np1 = float(e) / float(n)
    inv_np1 = 1.0 / np1
    keep = (np1 - 1.0) / np1
    scale2 = (n / jnp.sqrt(jnp.float32(d))
              / jnp.maximum(n2, 1).astype(jnp.float32)).reshape(1, 1)

    body = functools.partial(_lase_kernel, n, d, inv_np1, keep)
    smem = pl.BlockSpec(memory_space=pltpu.SMEM)
    return pl.pallas_call(
        body,
        out_shape=jax.ShapeDtypeStruct((n, d), jnp.float32),
        in_specs=[pl.BlockSpec(memory_space=pltpu.VMEM)] * 7
        + [smem, smem, smem, smem, smem],
        out_specs=pl.BlockSpec(memory_space=pltpu.VMEM),
        scratch_shapes=[
            pltpu.VMEM((n, d), jnp.float32),
            pltpu.VMEM((n, d), jnp.float32),
            pltpu.VMEM((n, d), jnp.float32),
        ],
    )(input.astype(jnp.float32), W0, W1, Wq, Wk, Wv, Wo,
      codes1, n1, codes2, n2, scale2)

# --- scband reference (transcript-rebuilt; emitter-appended) ---
"""Pipeline reference for scband-lase-block-42571715838401 (READ-ONLY COPY).

The authoritative reference and input builder live on the scoring server;
editing this copy changes nothing except your own understanding.
"""

import jax, jax.numpy as jnp
import numpy as np

N = 10000
D = 128
E = 320000


def dense_adj(ei, n):
    # to_dense_adj: adj[src, dst] accumulates edge multiplicity
    return jnp.zeros((n, n), jnp.float32).at[ei[0], ei[1]].add(1.0)


def setup_inputs(seed: int = 0) -> dict:
    key = jax.random.key(seed)
    ks = jax.random.split(key, 12)
    inp = {}
    inp['input'] = jax.random.normal(ks[0], (N, D), dtype=jnp.float32)
    inp['edge_index'] = jax.random.randint(ks[1], (2, E), 0, N, dtype=jnp.int64)
    inp['edge_index_2'] = jax.random.randint(ks[2], (2, E), 0, N, dtype=jnp.int64)
    inp['mask'] = jax.random.randint(ks[3], (2, E), 0, N, dtype=jnp.int64)
    s = 1.0 / np.sqrt(D)
    # TAGConv(K=1, normalize=False, bias=False): two hop-wise linear layers
    inp['W0'] = jax.random.uniform(ks[4], (D, D), jnp.float32, -s, s)
    inp['W1'] = jax.random.uniform(ks[5], (D, D), jnp.float32, -s, s)
    # Transformer_Block: q/k/v/out projections
    inp['Wq'] = jax.random.uniform(ks[6], (D, D), jnp.float32, -s, s)
    inp['Wk'] = jax.random.uniform(ks[7], (D, D), jnp.float32, -s, s)
    inp['Wv'] = jax.random.uniform(ks[8], (D, D), jnp.float32, -s, s)
    inp['Wo'] = jax.random.uniform(ks[9], (D, D), jnp.float32, -s, s)
    return inp


def reference(input, edge_index, edge_index_2, mask, W0, W1, Wq, Wk, Wv, Wo):
    n = input.shape[0]
    d = input.shape[1]
    Am = dense_adj(mask, n)
    # edge_index = (to_dense_adj(e) * to_dense_adj(mask)).nonzero() -> binary intersection
    A1 = ((dense_adj(edge_index, n) * Am) != 0).astype(jnp.float32)
    A2 = ((dense_adj(edge_index_2, n) * Am) != 0).astype(jnp.float32)
    p1 = mask.shape[1] / float(n ** 2)
    e2_count = A2.sum()  # == edge_index_2.shape[1] after intersection
    p2 = e2_count / float(n ** 2)
    # TAGConv K=1, normalize=False, bias=False: x @ W0 + (A^T x) @ W1  (src->dst aggregation)
    gcn = input @ W0 + (A1.T @ input) @ W1
    x1 = gcn / (n * p1) + (n * p1 - 1.0) / (n * p1) * input
    # Transformer_Block with use_softmax=False: unnormalized masked attention
    q = input @ Wq
    k = input @ Wk
    v = input @ Wv
    scores = (q @ k.T) / jnp.sqrt(jnp.float32(d))  # scores[j, i] = q_j . k_i
    attn = scores * A2.T  # keep only edges i->j
    gat = (attn @ v) @ Wo
    x2 = gat / (n * p2)
    return x1 - x2

if __name__ == "__main__":
    import jax
    _d = setup_inputs()
    print(jax.jit(kernel)(*tuple(_d.values())))

</pallas_src>

<mosaic_0001>
module attributes {stable_mosaic.version = 14 : i64} {
  func.func @_lase_kernel(%arg0: memref<10000x128xf32, #tpu.memory_space<vmem>>, %arg1: memref<128x128xf32, #tpu.memory_space<vmem>>, %arg2: memref<128x128xf32, #tpu.memory_space<vmem>>, %arg3: memref<128x128xf32, #tpu.memory_space<vmem>>, %arg4: memref<128x128xf32, #tpu.memory_space<vmem>>, %arg5: memref<128x128xf32, #tpu.memory_space<vmem>>, %arg6: memref<128x128xf32, #tpu.memory_space<vmem>>, %arg7: memref<8192xi32, #tpu.memory_space<smem>>, %arg8: memref<1x1xi32, #tpu.memory_space<smem>>, %arg9: memref<8192xi32, #tpu.memory_space<smem>>, %arg10: memref<1x1xi32, #tpu.memory_space<smem>>, %arg11: memref<1x1xf32, #tpu.memory_space<smem>>, %arg12: memref<10000x128xf32, #tpu.memory_space<vmem>>, %arg13: memref<10000x128xf32, #tpu.memory_space<vmem>>, %arg14: memref<10000x128xf32, #tpu.memory_space<vmem>>, %arg15: memref<10000x128xf32, #tpu.memory_space<vmem>>) attributes {dimension_semantics = [], scalar_prefetch = 0 : i64, scratch_operands = 3 : i64, tpu.core_type = #tpu.core_type<tc>} {
    %get3A = arith.constant 0 : index
    %get3A_0 = arith.constant 0 : index
    %get3A_1 = vector.load %arg0[%get3A, %get3A_0] : memref<10000x128xf32, #tpu.memory_space<vmem>>, vector<10000x128xf32>
    %get3A_2 = arith.constant 0 : index
    %get3A_3 = arith.constant 0 : index
    %get3A_4 = vector.load %arg1[%get3A_2, %get3A_3] : memref<128x128xf32, #tpu.memory_space<vmem>>, vector<128x128xf32>
    %dot_general3A = arith.constant dense<0.000000e+00> : vector<10000x128xf32>
    %dot_general3A_5 = tpu.matmul %get3A_1, %get3A_4, %dot_general3A {dimension_numbers = #tpu.dot_dimension_numbers<[1], [0], [0], [1], [0, 0, 1, 1], [], []>, transpose_lhs_hint = false} : vector<10000x128xf32>, vector<128x128xf32>, vector<10000x128xf32> -> vector<10000x128xf32>
    %mul3A = arith.constant 3.125000e-02 : f32
    %mul3A_6 = vector.broadcast %mul3A : f32 to vector<10000x128xf32>
    %mul3A_7 = arith.mulf %dot_general3A_5, %mul3A_6 : vector<10000x128xf32>
    %mul3A_8 = arith.constant 9.687500e-01 : f32
    %mul3A_9 = vector.broadcast %mul3A_8 : f32 to vector<10000x128xf32>
    %mul3A_10 = arith.mulf %get3A_1, %mul3A_9 : vector<10000x128xf32>
    %add3A = arith.addf %mul3A_7, %mul3A_10 : vector<10000x128xf32>
    %swap3A = arith.constant 0 : index
    %swap3A_11 = arith.constant 0 : index
    %swap3A_12 = vector.load %arg12[%swap3A, %swap3A_11] : memref<10000x128xf32, #tpu.memory_space<vmem>>, vector<10000x128xf32>
    tpu.vector_store %arg12[%swap3A, %swap3A_11], %add3A {strides = array<i32>} : memref<10000x128xf32, #tpu.memory_space<vmem>>, vector<10000x128xf32>,
    %get3A_13 = arith.constant 0 : index
    %get3A_14 = arith.constant 0 : index
    %get3A_15 = vector.load %arg2[%get3A_13, %get3A_14] : memref<128x128xf32, #tpu.memory_space<vmem>>, vector<128x128xf32>
    %dot_general3A_16 = arith.constant dense<0.000000e+00> : vector<10000x128xf32>
    %dot_general3A_17 = tpu.matmul %get3A_1, %get3A_15, %dot_general3A_16 {dimension_numbers = #tpu.dot_dimension_numbers<[1], [0], [0], [1], [0, 0, 1, 1], [], []>, transpose_lhs_hint = false} : vector<10000x128xf32>, vector<128x128xf32>, vector<10000x128xf32> -> vector<10000x128xf32>
    %mul3A_18 = arith.constant 3.125000e-02 : f32
    %mul3A_19 = vector.broadcast %mul3A_18 : f32 to vector<10000x128xf32>
    %mul3A_20 = arith.mulf %dot_general3A_17, %mul3A_19 : vector<10000x128xf32>
    %swap3A_21 = arith.constant 0 : index
    %swap3A_22 = arith.constant 0 : index
    %swap3A_23 = vector.load %arg13[%swap3A_21, %swap3A_22] : memref<10000x128xf32, #tpu.memory_space<vmem>>, vector<10000x128xf32>
    tpu.vector_store %arg13[%swap3A_21, %swap3A_22], %mul3A_20 {strides = array<i32>} : memref<10000x128xf32, #tpu.memory_space<vmem>>, vector<10000x128xf32>,
    %get3A_24 = arith.constant 0 : index
    %get3A_25 = arith.constant 0 : index
    %get3A_26 = vector.load %arg4[%get3A_24, %get3A_25] : memref<128x128xf32, #tpu.memory_space<vmem>>, vector<128x128xf32>
    %get3A_27 = arith.constant 0 : index
    %get3A_28 = arith.constant 0 : index
    %get3A_29 = vector.load %arg3[%get3A_27, %get3A_28] : memref<128x128xf32, #tpu.memory_space<vmem>>, vector<128x128xf32>
    %transpose3A = tpu.transpose %get3A_29, [1, 0] : vector<128x128xf32> -> vector<128x128xf32>
    %dot_general3A_30 = arith.constant dense<0.000000e+00> : vector<128x128xf32>
    %dot_general3A_31 = tpu.matmul %get3A_26, %transpose3A, %dot_general3A_30 {dimension_numbers = #tpu.dot_dimension_numbers<[1], [0], [0], [1], [0, 0, 1, 1], [], []>, transpose_lhs_hint = false} : vector<128x128xf32>, vector<128x128xf32>, vector<128x128xf32> -> vector<128x128xf32>
    %dot_general3A_32 = arith.constant dense<0.000000e+00> : vector<10000x128xf32>
    %dot_general3A_33 = tpu.matmul %get3A_1, %dot_general3A_31, %dot_general3A_32 {dimension_numbers = #tpu.dot_dimension_numbers<[1], [0], [0], [1], [0, 0, 1, 1], [], []>, transpose_lhs_hint = false} : vector<10000x128xf32>, vector<128x128xf32>, vector<10000x128xf32> -> vector<10000x128xf32>
    %swap3A_34 = arith.constant 0 : index
    %swap3A_35 = arith.constant 0 : index
    %swap3A_36 = vector.load %arg14[%swap3A_34, %swap3A_35] : memref<10000x128xf32, #tpu.memory_space<vmem>>, vector<10000x128xf32>
    tpu.vector_store %arg14[%swap3A_34, %swap3A_35], %dot_general3A_33 {strides = array<i32>} : memref<10000x128xf32, #tpu.memory_space<vmem>>, vector<10000x128xf32>,
    %get3A_37 = arith.constant 0 : index
    %get3A_38 = arith.constant 0 : index
    %get3A_39 = vector.load %arg5[%get3A_37, %get3A_38] : memref<128x128xf32, #tpu.memory_space<vmem>>, vector<128x128xf32>
    %get3A_40 = arith.constant 0 : index
    %get3A_41 = arith.constant 0 : index
    %get3A_42 = vector.load %arg6[%get3A_40, %get3A_41] : memref<128x128xf32, #tpu.memory_space<vmem>>, vector<128x128xf32>
    %dot_general3A_43 = arith.constant dense<0.000000e+00> : vector<128x128xf32>
    %dot_general3A_44 = tpu.matmul %get3A_39, %get3A_42, %dot_general3A_43 {dimension_numbers = #tpu.dot_dimension_numbers<[1], [0], [0], [1], [0, 0, 1, 1], [], []>, transpose_lhs_hint = false} : vector<128x128xf32>, vector<128x128xf32>, vector<128x128xf32> -> vector<128x128xf32>
    %dot_general3A_45 = arith.constant dense<0.000000e+00> : vector<10000x128xf32>
    %dot_general3A_46 = tpu.matmul %get3A_1, %dot_general3A_44, %dot_general3A_45 {dimension_numbers = #tpu.dot_dimension_numbers<[1], [0], [0], [1], [0, 0, 1, 1], [], []>, transpose_lhs_hint = false} : vector<10000x128xf32>, vector<128x128xf32>, vector<10000x128xf32> -> vector<10000x128xf32>
    %swap3A_47 = arith.constant 0 : index
    %swap3A_48 = arith.constant 0 : index
    %swap3A_49 = vector.load %arg15[%swap3A_47, %swap3A_48] : memref<10000x128xf32, #tpu.memory_space<vmem>>, vector<10000x128xf32>
    tpu.vector_store %arg15[%swap3A_47, %swap3A_48], %dot_general3A_46 {strides = array<i32>} : memref<10000x128xf32, #tpu.memory_space<vmem>>, vector<10000x128xf32>,
    %get3A_50 = arith.constant 0 : index
    %get3A_51 = arith.constant 0 : index
    %get3A_52 = memref.load %arg8[%get3A_50, %get3A_51] : memref<1x1xi32, #tpu.memory_space<smem>>
    %while3A = arith.constant 0 : i32
    %while3A_53 = arith.constant 0 : i32
    %while3A_54 = arith.subi %get3A_52, %while3A_53 : i32
    %while3A_55 = arith.addi %while3A_53, %while3A_54 : i32
    %while3A_56 = arith.constant 1 : i32
    %while3A_57 = arith.divsi %while3A_54, %while3A_56 : i32
    %while3A_58 = arith.muli %while3A_57, %while3A_56 : i32
    %while3A_59 = arith.addi %while3A_53, %while3A_58 : i32
    %while3A_60 = arith.constant 1 : i32
    scf.for %while3A_78 = %while3A_53 to %while3A_59 step %while3A_60  : i32 {
      %get3A_79 = arith.index_cast %while3A_78 : i32 to index
      %get3A_80 = memref.load %arg7[%get3A_79] : memref<8192xi32, #tpu.memory_space<smem>>
      %jit3A = arith.constant 10000 : i32
      %div3A = arith.divsi %get3A_80, %jit3A : i32
      %sign3A = arith.constant 0 : i32
      %sign3A_81 = arith.cmpi sgt, %get3A_80, %sign3A : i32
      %sign3A_82 = arith.extui %sign3A_81 : i1 to i32
      %sign3A_83 = arith.constant 0 : i32
      %sign3A_84 = arith.cmpi slt, %get3A_80, %sign3A_83 : i32
      %sign3A_85 = arith.extui %sign3A_84 : i1 to i32
      %sign3A_86 = arith.subi %sign3A_82, %sign3A_85 : i32
      %sign3A_87 = arith.constant 0 : i32
      %sign3A_88 = arith.cmpi sgt, %jit3A, %sign3A_87 : i32
      %sign3A_89 = arith.extui %sign3A_88 : i1 to i32
      %sign3A_90 = arith.constant 0 : i32
      %sign3A_91 = arith.cmpi slt, %jit3A, %sign3A_90 : i32
      %sign3A_92 = arith.extui %sign3A_91 : i1 to i32
      %sign3A_93 = arith.subi %sign3A_89, %sign3A_92 : i32
      %ne3A = arith.cmpi ne, %sign3A_86, %sign3A_93 : i32
      %rem3A = arith.remsi %get3A_80, %jit3A : i32
      %ne3A_94 = arith.constant 0 : i32
      %ne3A_95 = arith.cmpi ne, %rem3A, %ne3A_94 : i32
      %and3A = arith.andi %ne3A, %ne3A_95 : i1
      %sub3A = arith.constant 1 : i32
      %sub3A_96 = arith.subi %div3A, %sub3A : i32
      %select_n3A = arith.select %and3A, %sub3A_96, %div3A : i32
      %mul3A_97 = arith.constant 10000 : i32
      %mul3A_98 = arith.muli %select_n3A, %mul3A_97 : i32
      %sub3A_99 = arith.subi %get3A_80, %mul3A_98 : i32
      %get3A_100 = arith.index_cast %sub3A_99 : i32 to index
      %get3A_101 = arith.constant 0 : index
      %get3A_102 = vector.load %arg12[%get3A_100, %get3A_101] : memref<10000x128xf32, #tpu.memory_space<vmem>>, vector<1x128xf32>
      %get3A_103 = arith.index_cast %select_n3A : i32 to index
      %get3A_104 = arith.constant 0 : index
      %get3A_105 = vector.load %arg13[%get3A_103, %get3A_104] : memref<10000x128xf32, #tpu.memory_space<vmem>>, vector<1x128xf32>
      %add3A_106 = arith.addf %get3A_102, %get3A_105 : vector<1x128xf32>
      %swap3A_107 = arith.index_cast %sub3A_99 : i32 to index
      %swap3A_108 = arith.constant 0 : index
      %swap3A_109 = vector.load %arg12[%swap3A_107, %swap3A_108] : memref<10000x128xf32, #tpu.memory_space<vmem>>, vector<1x128xf32>
      tpu.vector_store %arg12[%swap3A_107, %swap3A_108], %add3A_106 {strides = array<i32>} : memref<10000x128xf32, #tpu.memory_space<vmem>>, vector<1x128xf32>,
    }
    %while3A_61 = arith.constant 1 : i32
    scf.for %while3A_78 = %while3A_59 to %while3A_55 step %while3A_61  : i32 {
      %get3A_79 = arith.index_cast %while3A_78 : i32 to index
      %get3A_80 = memref.load %arg7[%get3A_79] : memref<8192xi32, #tpu.memory_space<smem>>
      %jit3A = arith.constant 10000 : i32
      %div3A = arith.divsi %get3A_80, %jit3A : i32
      %sign3A = arith.constant 0 : i32
      %sign3A_81 = arith.cmpi sgt, %get3A_80, %sign3A : i32
      %sign3A_82 = arith.extui %sign3A_81 : i1 to i32
      %sign3A_83 = arith.constant 0 : i32
      %sign3A_84 = arith.cmpi slt, %get3A_80, %sign3A_83 : i32
      %sign3A_85 = arith.extui %sign3A_84 : i1 to i32
      %sign3A_86 = arith.subi %sign3A_82, %sign3A_85 : i32
      %sign3A_87 = arith.constant 0 : i32
      %sign3A_88 = arith.cmpi sgt, %jit3A, %sign3A_87 : i32
      %sign3A_89 = arith.extui %sign3A_88 : i1 to i32
      %sign3A_90 = arith.constant 0 : i32
      %sign3A_91 = arith.cmpi slt, %jit3A, %sign3A_90 : i32
      %sign3A_92 = arith.extui %sign3A_91 : i1 to i32
      %sign3A_93 = arith.subi %sign3A_89, %sign3A_92 : i32
      %ne3A = arith.cmpi ne, %sign3A_86, %sign3A_93 : i32
      %rem3A = arith.remsi %get3A_80, %jit3A : i32
      %ne3A_94 = arith.constant 0 : i32
      %ne3A_95 = arith.cmpi ne, %rem3A, %ne3A_94 : i32
      %and3A = arith.andi %ne3A, %ne3A_95 : i1
      %sub3A = arith.constant 1 : i32
      %sub3A_96 = arith.subi %div3A, %sub3A : i32
      %select_n3A = arith.select %and3A, %sub3A_96, %div3A : i32
      %mul3A_97 = arith.constant 10000 : i32
      %mul3A_98 = arith.muli %select_n3A, %mul3A_97 : i32
      %sub3A_99 = arith.subi %get3A_80, %mul3A_98 : i32
      %get3A_100 = arith.index_cast %sub3A_99 : i32 to index
      %get3A_101 = arith.constant 0 : index
      %get3A_102 = vector.load %arg12[%get3A_100, %get3A_101] : memref<10000x128xf32, #tpu.memory_space<vmem>>, vector<1x128xf32>
      %get3A_103 = arith.index_cast %select_n3A : i32 to index
      %get3A_104 = arith.constant 0 : index
      %get3A_105 = vector.load %arg13[%get3A_103, %get3A_104] : memref<10000x128xf32, #tpu.memory_space<vmem>>, vector<1x128xf32>
      %add3A_106 = arith.addf %get3A_102, %get3A_105 : vector<1x128xf32>
      %swap3A_107 = arith.index_cast %sub3A_99 : i32 to index
      %swap3A_108 = arith.constant 0 : index
      %swap3A_109 = vector.load %arg12[%swap3A_107, %swap3A_108] : memref<10000x128xf32, #tpu.memory_space<vmem>>, vector<1x128xf32>
      tpu.vector_store %arg12[%swap3A_107, %swap3A_108], %add3A_106 {strides = array<i32>} : memref<10000x128xf32, #tpu.memory_space<vmem>>, vector<1x128xf32>,
    }
    %get3A_62 = arith.constant 0 : index
    %get3A_63 = arith.constant 0 : index
    %get3A_64 = memref.load %arg11[%get3A_62, %get3A_63] : memref<1x1xf32, #tpu.memory_space<smem>>
    %get3A_65 = arith.constant 0 : index
    %get3A_66 = arith.constant 0 : index
    %get3A_67 = memref.load %arg10[%get3A_65, %get3A_66] : memref<1x1xi32, #tpu.memory_space<smem>>
    %while3A_68 = arith.constant 0 : i32
    %while3A_69 = arith.constant 0 : i32
    %while3A_70 = arith.subi %get3A_67, %while3A_69 : i32
    %while3A_71 = arith.addi %while3A_69, %while3A_70 : i32
    %while3A_72 = arith.constant 1 : i32
    %while3A_73 = arith.divsi %while3A_70, %while3A_72 : i32
    %while3A_74 = arith.muli %while3A_73, %while3A_72 : i32
    %while3A_75 = arith.addi %while3A_69, %while3A_74 : i32
    %while3A_76 = arith.constant 1 : i32
    scf.for %while3A_78 = %while3A_69 to %while3A_75 step %while3A_76  : i32 {
      %get3A_79 = arith.index_cast %while3A_78 : i32 to index
      %get3A_80 = memref.load %arg9[%get3A_79] : memref<8192xi32, #tpu.memory_space<smem>>
      %jit3A = arith.constant 10000 : i32
      %div3A = arith.divsi %get3A_80, %jit3A : i32
      %sign3A = arith.constant 0 : i32
      %sign3A_81 = arith.cmpi sgt, %get3A_80, %sign3A : i32
      %sign3A_82 = arith.extui %sign3A_81 : i1 to i32
      %sign3A_83 = arith.constant 0 : i32
      %sign3A_84 = arith.cmpi slt, %get3A_80, %sign3A_83 : i32
      %sign3A_85 = arith.extui %sign3A_84 : i1 to i32
      %sign3A_86 = arith.subi %sign3A_82, %sign3A_85 : i32
      %sign3A_87 = arith.constant 0 : i32
      %sign3A_88 = arith.cmpi sgt, %jit3A, %sign3A_87 : i32
      %sign3A_89 = arith.extui %sign3A_88 : i1 to i32
      %sign3A_90 = arith.constant 0 : i32
      %sign3A_91 = arith.cmpi slt, %jit3A, %sign3A_90 : i32
      %sign3A_92 = arith.extui %sign3A_91 : i1 to i32
      %sign3A_93 = arith.subi %sign3A_89, %sign3A_92 : i32
      %ne3A = arith.cmpi ne, %sign3A_86, %sign3A_93 : i32
      %rem3A = arith.remsi %get3A_80, %jit3A : i32
      %ne3A_94 = arith.constant 0 : i32
      %ne3A_95 = arith.cmpi ne, %rem3A, %ne3A_94 : i32
      %and3A = arith.andi %ne3A, %ne3A_95 : i1
      %sub3A = arith.constant 1 : i32
      %sub3A_96 = arith.subi %div3A, %sub3A : i32
      %select_n3A = arith.select %and3A, %sub3A_96, %div3A : i32
      %mul3A_97 = arith.constant 10000 : i32
      %mul3A_98 = arith.muli %select_n3A, %mul3A_97 : i32
      %sub3A_99 = arith.subi %get3A_80, %mul3A_98 : i32
      %get3A_100 = arith.index_cast %select_n3A : i32 to index
      %get3A_101 = arith.constant 0 : index
      %get3A_102 = vector.load %arg14[%get3A_100, %get3A_101] : memref<10000x128xf32, #tpu.memory_space<vmem>>, vector<1x128xf32>
      %get3A_103 = arith.index_cast %sub3A_99 : i32 to index
      %get3A_104 = arith.constant 0 : index
      %get3A_105 = vector.load %arg0[%get3A_103, %get3A_104] : memref<10000x128xf32, #tpu.memory_space<vmem>>, vector<1x128xf32>
      %mul3A_106 = arith.mulf %get3A_102, %get3A_105 : vector<1x128xf32>
      %reduce_sum3A = vector.shape_cast %mul3A_106 : vector<1x128xf32> to vector<1x1x128xf32>
      %reduce_sum3A_107 = arith.constant dense<0.000000e+00> : vector<1xf32>
      %reduce_sum3A_108 = vector.multi_reduction <add>, %reduce_sum3A, %reduce_sum3A_107 [1, 2] : vector<1x1x128xf32> to vector<1xf32>
      %reduce_sum3A_109 = vector.shape_cast %reduce_sum3A_108 : vector<1xf32> to vector<1x1x1xf32>
      %reduce_sum3A_110 = vector.extract %reduce_sum3A_109[0, 0, 0] : f32 from vector<1x1x1xf32>
      %get3A_111 = arith.index_cast %sub3A_99 : i32 to index
      %get3A_112 = arith.constant 0 : index
      %get3A_113 = vector.load %arg12[%get3A_111, %get3A_112] : memref<10000x128xf32, #tpu.memory_space<vmem>>, vector<1x128xf32>
      %mul3A_114 = arith.mulf %get3A_64, %reduce_sum3A_110 : f32
      %get3A_115 = arith.index_cast %select_n3A : i32 to index
      %get3A_116 = arith.constant 0 : index
      %get3A_117 = vector.load %arg15[%get3A_115, %get3A_116] : memref<10000x128xf32, #tpu.memory_space<vmem>>, vector<1x128xf32>
      %mul3A_118 = vector.broadcast %mul3A_114 : f32 to vector<1x128xf32>
      %mul3A_119 = arith.mulf %mul3A_118, %get3A_117 : vector<1x128xf32>
      %sub3A_120 = arith.subf %get3A_113, %mul3A_119 : vector<1x128xf32>
      %swap3A_121 = arith.index_cast %sub3A_99 : i32 to index
      %swap3A_122 = arith.constant 0 : index
      %swap3A_123 = vector.load %arg12[%swap3A_121, %swap3A_122] : memref<10000x128xf32, #tpu.memory_space<vmem>>, vector<1x128xf32>
      tpu.vector_store %arg12[%swap3A_121, %swap3A_122], %sub3A_120 {strides = array<i32>} : memref<10000x128xf32, #tpu.memory_space<vmem>>, vector<1x128xf32>,
    }
    %while3A_77 = arith.constant 1 : i32
    scf.for %while3A_78 = %while3A_75 to %while3A_71 step %while3A_77  : i32 {
      %get3A_79 = arith.index_cast %while3A_78 : i32 to index
      %get3A_80 = memref.load %arg9[%get3A_79] : memref<8192xi32, #tpu.memory_space<smem>>
      %jit3A = arith.constant 10000 : i32
      %div3A = arith.divsi %get3A_80, %jit3A : i32
      %sign3A = arith.constant 0 : i32
      %sign3A_81 = arith.cmpi sgt, %get3A_80, %sign3A : i32
      %sign3A_82 = arith.extui %sign3A_81 : i1 to i32
      %sign3A_83 = arith.constant 0 : i32
      %sign3A_84 = arith.cmpi slt, %get3A_80, %sign3A_83 : i32
      %sign3A_85 = arith.extui %sign3A_84 : i1 to i32
      %sign3A_86 = arith.subi %sign3A_82, %sign3A_85 : i32
      %sign3A_87 = arith.constant 0 : i32
      %sign3A_88 = arith.cmpi sgt, %jit3A, %sign3A_87 : i32
      %sign3A_89 = arith.extui %sign3A_88 : i1 to i32
      %sign3A_90 = arith.constant 0 : i32
      %sign3A_91 = arith.cmpi slt, %jit3A, %sign3A_90 : i32
      %sign3A_92 = arith.extui %sign3A_91 : i1 to i32
      %sign3A_93 = arith.subi %sign3A_89, %sign3A_92 : i32
      %ne3A = arith.cmpi ne, %sign3A_86, %sign3A_93 : i32
      %rem3A = arith.remsi %get3A_80, %jit3A : i32
      %ne3A_94 = arith.constant 0 : i32
      %ne3A_95 = arith.cmpi ne, %rem3A, %ne3A_94 : i32
      %and3A = arith.andi %ne3A, %ne3A_95 : i1
      %sub3A = arith.constant 1 : i32
      %sub3A_96 = arith.subi %div3A, %sub3A : i32
      %select_n3A = arith.select %and3A, %sub3A_96, %div3A : i32
      %mul3A_97 = arith.constant 10000 : i32
      %mul3A_98 = arith.muli %select_n3A, %mul3A_97 : i32
      %sub3A_99 = arith.subi %get3A_80, %mul3A_98 : i32
      %get3A_100 = arith.index_cast %select_n3A : i32 to index
      %get3A_101 = arith.constant 0 : index
      %get3A_102 = vector.load %arg14[%get3A_100, %get3A_101] : memref<10000x128xf32, #tpu.memory_space<vmem>>, vector<1x128xf32>
      %get3A_103 = arith.index_cast %sub3A_99 : i32 to index
      %get3A_104 = arith.constant 0 : index
      %get3A_105 = vector.load %arg0[%get3A_103, %get3A_104] : memref<10000x128xf32, #tpu.memory_space<vmem>>, vector<1x128xf32>
      %mul3A_106 = arith.mulf %get3A_102, %get3A_105 : vector<1x128xf32>
      %reduce_sum3A = vector.shape_cast %mul3A_106 : vector<1x128xf32> to vector<1x1x128xf32>
      %reduce_sum3A_107 = arith.constant dense<0.000000e+00> : vector<1xf32>
      %reduce_sum3A_108 = vector.multi_reduction <add>, %reduce_sum3A, %reduce_sum3A_107 [1, 2] : vector<1x1x128xf32> to vector<1xf32>
      %reduce_sum3A_109 = vector.shape_cast %reduce_sum3A_108 : vector<1xf32> to vector<1x1x1xf32>
      %reduce_sum3A_110 = vector.extract %reduce_sum3A_109[0, 0, 0] : f32 from vector<1x1x1xf32>
      %get3A_111 = arith.index_cast %sub3A_99 : i32 to index
      %get3A_112 = arith.constant 0 : index
      %get3A_113 = vector.load %arg12[%get3A_111, %get3A_112] : memref<10000x128xf32, #tpu.memory_space<vmem>>, vector<1x128xf32>
      %mul3A_114 = arith.mulf %get3A_64, %reduce_sum3A_110 : f32
      %get3A_115 = arith.index_cast %select_n3A : i32 to index
      %get3A_116 = arith.constant 0 : index
      %get3A_117 = vector.load %arg15[%get3A_115, %get3A_116] : memref<10000x128xf32, #tpu.memory_space<vmem>>, vector<1x128xf32>
      %mul3A_118 = vector.broadcast %mul3A_114 : f32 to vector<1x128xf32>
      %mul3A_119 = arith.mulf %mul3A_118, %get3A_117 : vector<1x128xf32>
      %sub3A_120 = arith.subf %get3A_113, %mul3A_119 : vector<1x128xf32>
      %swap3A_121 = arith.index_cast %sub3A_99 : i32 to index
      %swap3A_122 = arith.constant 0 : index
      %swap3A_123 = vector.load %arg12[%swap3A_121, %swap3A_122] : memref<10000x128xf32, #tpu.memory_space<vmem>>, vector<1x128xf32>
      tpu.vector_store %arg12[%swap3A_121, %swap3A_122], %sub3A_120 {strides = array<i32>} : memref<10000x128xf32, #tpu.memory_space<vmem>>, vector<1x128xf32>,
    }
    return
  }
}

</mosaic_0001>

<sc_bundles>
// kernel: gather_offload_async_start.1
scs
__scs_entry_jumppad:
0x0: {  	(pc) =	sbr.rel $0x88, $3  }
0x1: {  	(tag) =	ssettag $0x0;
	lr =	simm.s32 $0x1  }
0x2: {  	[smem:$0x3F97] =	sst lr;
	_ =	strace $0xD0000000  }
0x3: {  	_ = 	snop  }
0x4: {  	_ = 	snop  }
0x5: {  	_ = 	snop  }
0x6: {  	_ = 	snop  }
0x7: {  	_ = 	snop  }
__scs_overlays_trampoline_lowered:
0x8: {  	[smem:$0x3FA6] =	sst s0  }
0x9: {  	[smem:$0x3FA7] =	sst s1  }
0xa: {  	[smem:$0x3FA8] =	sst s2  }
0xb: {  	[smem:$0x3FA9] =	sst s3  }
0xc: {  	[smem:$0x3FAA] =	sst s4  }
0xd: {  	[smem:$0x3FAB] =	sst s5  }
0xe: {  	[smem:$0x3FAC] =	sst s6  }
0xf: {  	[smem:$0x3FAD] =	sst s7  }
0x10: {  	[smem:$0x3FAE] =	sst s8  }
0x11: {  	[smem:$0x3FAF] =	sst s9;
	s0 =	simm.s32 @!p0 $0x0  }
0x12: {  	s1 =	sld [smem:$0x3F95];
	s0 =	simm.s32 @p0 $0x1  }
0x13: {  	[smem:$0x3FB0] =	sst s0;
	s0 =	simm.s32 @!p1 $0x0  }
0x14: {  	s2 =	sld [smem:$0x3F94];
	s0 =	simm.s32 @p1 $0x1  }
0x15: {  	[smem:$0x3FB1] =	sst s0;
	s0 =	simm.s32 @!p2 $0x0  }
0x16: {  	s3 =	sld [smem:$0x3FDB];
	s0 =	simm.s32 @p2 $0x1  }
0x17: {  	s4 =	simm.s32 $0x1BF5;
	[smem:$0x3FB3] =	sst s0  }
0x18: {  	s0 =	sld [smem:$0x3F96];
	_ =	swait.ge [sflag:s4], $0x0  }
0x19: {  	s7 =	sld [smem:$0x3F97]  }
0x1a: {  	s8 =	sadd.s32 $0xFFFFE003, lr  }
0x1b: {  	s9 =	sadd.s32 $0xFFFFFEF7, lr;
	s5 =	simm.s32 $0xFFFFFFFF;
	p2 =	slt.u32 s8, $0xFFFFF086  }
0x1c: {  	p1 =	slt.u32 s9, $0xF7A;
	s5 =	simm.s32 @!p2 $0x0  }
0x1d: {  	s5 =	simm.s32 @p1 $0x1;
	p0 =	seq.s32 s7, s2  }
0x1e: {  	s7 =	smul.u32 @!p0 $0xF7A, s2;
	p2 =	seq.s32 @!p0 s5, $0x0  }
0x1f: {  	s9 =	smul.u32 $0xF7A, s1;
	s8 =	simm.s32 @!p0 $0x1BF5;
	p2 =	por !p2, p0  }
0x20: {  	[sflag:s8] =	ssyncset.s32 @!p0 $0xFFFFF086;
	s6 =	sadd.s32 @!p0 s3, s7;
	s7 =	simm.s32 @!p0 $0x108  }
0x21: {  	s3 =	sadd.s32 s3, s9;
	s6 =	sadd.s32 @!p0 $0x88, s6;
	s7 =	simm.s32 @p2 $0x1082  }
0x22: {  	[simem:s7], [sflag:s8] =	dma.local @!p0 [hbm:s6], $0xF7A  }
0x23: {  	s9 =	sor.u32 $0xD0000000, s2;
	s6 =	simm.s32 $0x108;
	_ =	swait.ge @!p0 [sflag:s8], $0x0  }
0x24: {  	s3 =	sadd.s32 $0x88, s3;
	s6 =	simm.s32 @!p1 $0x1082;
	[sflag:s4] =	ssyncset.s32 $0xFFFFF086  }
0x25: {  	[simem:s6], [sflag:s4] =	dma.local [hbm:s3], $0xF7A  }
0x26: {  	[smem:$0x3F97] =	sst s1;
	(tag) =	ssettag s2;
	_ =	strace s9  }
0x27: {  	s1 =	sld [smem:$0x3FA7]  }
0x28: {  	s2 =	sld [smem:$0x3FA8]  }
0x29: {  	s4 =	sld [smem:$0x3FAA]  }
0x2a: {  	p0 =	seq.s32 s5, $0x0;
	s5 =	sld [smem:$0x3FAB]  }
0x2b: {  	s6 =	sld [smem:$0x3FAC]  }
0x2c: {  	s7 =	sld [smem:$0x3FAD]  }
0x2d: {  	s3 =	simm.s32 $0x108;
	s8 =	sld [smem:$0x3FAE]  }
0x2e: {  	s3 =	simm.s32 @!p0 $0x1082;
	s9 =	sld [smem:$0x3FAF]  }
0x2f: {  	lr =	sadd.s32 s0, s3;
	s0 =	sld [smem:$0x3FA6]  }
0x30: {  	s3 =	sld [smem:$0x3FA9]  }
0x31: {  	[smem:$0x3FB2] =	sst s10  }
0x32: {  	s10 =	sld [smem:$0x3FB0];
	_ =	sdelay $0x3  }
0x33: {  	p0 =	seq.s32 s10, $0x1;
	s10 =	sld [smem:$0x3FB2];
	_ =	sdelay $0x3  }
0x34: {  	[smem:$0x3FB2] =	sst s10  }
0x35: {  	s10 =	sld [smem:$0x3FB1];
	_ =	sdelay $0x3  }
0x36: {  	p1 =	seq.s32 s10, $0x1;
	s10 =	sld [smem:$0x3FB2];
	_ =	sdelay $0x3  }
0x37: {  	[smem:$0x3FB2] =	sst s10  }
0x38: {  	s10 =	sld [smem:$0x3FB3]  }
0x39: {  	_ = 	snop;
	(pc) =	sbr.ind lr, $3  }
0x3a: {  	_ = 	snop  }
0x3b: {  	_ = 	snop  }
0x3c: {  	p2 =	seq.s32 s10, $0x1;
	s10 =	sld [smem:$0x3FB2]  }
0x3d: {  	_ =	shalt  }
0x3e: {  	_ =	shalt  }
0x3f: {  	_ =	shalt  }
0x40: {  	_ =	shalt  }
0x41: {  	_ =	shalt  }
0x42: {  	_ =	shalt  }
0x43: {  	_ =	shalt  }
0x44: {  	_ =	shalt  }
0x45: {  	_ =	shalt  }
0x46: {  	_ =	shalt  }
0x47: {  	_ =	shalt  }
0x48: {  	_ =	shalt  }
0x49: {  	_ =	shalt  }
0x4a: {  	_ =	shalt  }
0x4b: {  	_ =	shalt  }
0x4c: {  	_ =	shalt  }
0x4d: {  	_ =	shalt  }
0x4e: {  	_ =	shalt  }
0x4f: {  	_ =	shalt  }
0x50: {  	_ =	shalt  }
0x51: {  	_ =	shalt  }
0x52: {  	_ =	shalt  }
0x53: {  	_ =	shalt  }
0x54: {  	_ =	shalt  }
0x55: {  	_ =	shalt  }
0x56: {  	_ =	shalt  }
0x57: {  	_ =	shalt  }
0x58: {  	_ =	shalt  }
0x59: {  	_ =	shalt  }
0x5a: {  	_ =	shalt  }
0x5b: {  	_ =	shalt  }
0x5c: {  	_ =	shalt  }
0x5d: {  	_ =	shalt  }
0x5e: {  	_ =	shalt  }
0x5f: {  	_ =	shalt  }
0x60: {  	_ =	shalt  }
0x61: {  	_ =	shalt  }
0x62: {  	_ =	shalt  }
0x63: {  	_ =	shalt  }
0x64: {  	_ =	shalt  }
0x65: {  	_ =	shalt  }
0x66: {  	_ =	shalt  }
0x67: {  	_ =	shalt  }
0x68: {  	_ =	shalt  }
0x69: {  	_ =	shalt  }
0x6a: {  	_ =	shalt  }
0x6b: {  	_ =	shalt  }
0x6c: {  	_ =	shalt  }
0x6d: {  	_ =	shalt  }
0x6e: {  	_ =	shalt  }
0x6f: {  	_ =	shalt  }
0x70: {  	_ =	shalt  }
0x71: {  	_ =	shalt  }
0x72: {  	_ =	shalt  }
0x73: {  	_ =	shalt  }
0x74: {  	_ =	shalt  }
0x75: {  	_ =	shalt  }
0x76: {  	_ =	shalt  }
0x77: {  	_ =	shalt  }
0x78: {  	_ =	shalt  }
0x79: {  	_ =	shalt  }
0x7a: {  	_ =	shalt  }
0x7b: {  	_ =	shalt  }
0x7c: {  	_ =	shalt  }
0x7d: {  	_ =	shalt  }
0x7e: {  	_ =	shalt  }
0x7f: {  	_ =	shalt  }
0x80: {  	_ =	shalt  }
0x81: {  	_ =	shalt  }
0x82: {  	_ =	shalt  }
0x83: {  	_ =	shalt  }
0x84: {  	_ =	shalt  }
0x85: {  	_ =	shalt  }
0x86: {  	_ =	shalt  }
0x87: {  	_ =	shalt  }
.Lfunc_end0:
.L_simem_size_0:
called_computation.5_lowered:
.L_overlay_start_0:
0x88: {  	s2 =	sld [smem:$0x3FD9]  }
0x89: {  	s3 =	sld [smem:$0x3FFE];
	_ =	sdelay $0x1  }
0x8a: {  	s1 =	srdreg.scid  }
0x8b: {  	s0 =	sand.u32 $0x1, s1  }
0x8c: {  	s17 =	sshll.u32 s0, $0xA;
	s2 =	sadd.s32 s3, s2  }
0x8d: {  	s2 =	sadd.s32 s2, s17  }
0x8e: {  	[smem:$0x3FBE] =	sst s2  }
0x8f: {  	_ = 	snop  }
0x90: {  	s2 =	sld [smem:$0x3FD0];
	(tm) =	ssettm $0x1  }
0x91: {  	s18 =	sld [smem:$0x3FFB];
	_ =	sdelay $0x3  }
0x92: {  	_ =	strace s18  }
0x93: {  	s3 =	sld [smem:$0x3FFC];
	_ =	sdelay $0x3  }
0x94: {  	_ =	strace s3  }
0x95: {  	s3 =	sld [smem:$0x3FFD];
	_ =	sdelay $0x3  }
0x96: {  	_ =	strace s3  }
0x97: {  	_ =	strace $0x8FFFFFFF  }
0x98: {  	s19 =	sld [smem:$0x3FDB];
	_ =	sdelay $0x1  }
0x99: {  	s4 =	simm.s32 $_scs_section_size  }
0x9a: {  	s5 =	simm.s32 $_size__tile_overlayer_lowered;
	s6 =	simm.s32 $_tile_overlayer_lowered  }
0x9b: {  	s22 =	simm.s32 $0x1BFF;
	s21 =	sshll.u32 s6, $0x1;
	s3 =	sadd.s32 s4, s19  }
0x9c: {  	s7 =	simm.s32 $0x0;
	s20 =	sshll.u32 s5, $0x1;
	s5 =	sadd.s32 s21, s3  }
0x9d: {  	[timem:s7], [sflag:s22] =	dma.local [hbm:s5], s20  }
0x9e: {  	_ =	swait.ge [sflag:s22], s20  }
0x9f: {  	s4 =	ssub.s32 $0x0, s20;
	[sflag:s22] =	ssyncset.done $0x0  }
0xa0: {  	[sflag:s22] =	ssyncadd.s32 s4;
	_ =	sdelay $0x1  }
0xa1: {  	s23 =	simm.s32 $0x1B8B  }
0xa2: {  	_ =	swait.ge [sflag:s23], $0x1  }
0xa3: {  	[sflag:s23] =	ssyncset.done $0x0  }
0xa4: {  	s25 =	simm.s32 $0x1B8E;
	s24 =	sld [smem:$0x3FFE];
	[sflag:s23] =	ssyncadd.s32 $0xFFFFFFFF  }
0xa5: {  	s26 =	simm.s32 $execute0_lowered;
	[smem:$0x3FD2] =	sst s25  }
0xa6: {  	s5 =	sshll.u32 s26, $0x1;
	_ =	strace $0x80000058;
	[dreg:$0x1] =	wrdreg $0xFFFFFFFF  }
0xa7: {  	s28 =	simm.s32 $_size_execute0_lowered;
	s3 =	sadd.s32 s3, s5;
	[dreg:$0x0] =	wrdreg $0x0  }
0xa8: {  	s5 =	sshll.u32 s28, $0x1;
	[dreg:$0x2] =	wrdreg s3  }
0xa9: {  	[dreg:$0x3] =	wrdreg s5  }
0xaa: {  	[dreg:$0x4] =	wrdreg $0xC0  }
0xab: {  	_ =	task [dreg:s7], $0x5FFFF  }
0xac: {  	[dreg:$0x1] =	wrdreg $0xFFFFFFFF  }
0xad: {  	[dreg:$0x0] =	wrdreg $0x60  }
0xae: {  	[dreg:$0x2] =	wrdreg s24  }
0xaf: {  	[dreg:$0x3] =	wrdreg s2  }
0xb0: {  	[dreg:$0x4] =	wrdreg $0x9  }
0xb1: {  	_ =	task.clear_ibuf [dreg:s7], $0x5FFFF;
	_ =	strace $0x90000058  }
0xb2: {  	s29 =	simm.s32 $0x9;
	_ =	strace $0x8000005A  }
0xb3: {  	_ =	swait.ge [sflag:s29], $0x1  }
0xb4: {  	[sflag:s29] =	ssyncadd.s32 $0xFFFFFFFF  }
0xb5: {  	_ =	strace $0x9000005A  }
0xb6: {  	_ =	sfence  }
0xb7: {  	s30 =	sld [smem:$0x0];
	_ =	sdelay $0x2  }
0xb8: {  	s31 =	sshll.u32 s1, $0xD;
	s1 =	sshrl.u32 s1, $0x2  }
0xb9: {  	s3 =	sand.u32 $0x4000, s31;
	s1 =	sadd.s32 s1, s30  }
0xba: {  	s0 =	sor.u32 s3, s0;
	s1 =	sshll.u32 s1, $0x11  }
0xbb: {  	s0 =	sor.u32 s1, s0  }
0xbc: {  	s0 =	sadd.s32 $0x8F2B, s0  }
0xbd: {  	[sflag:s0] =	ssyncadd.remote.s32 $0x1  }
0xbe: {  	_ =	sfence.sel $0xFFFF  }
0xbf: {  	[dreg:$0x0] =	wrdreg $0xFFFFFFFF;
	(pc) =	sbr.abs _section_cstart, $3  }
0xc0: {  	[dreg:$0x1] =	wrdreg $0xFFFFFFFF  }
0xc1: {  	_ =	task.clear_ibuf [dreg:s7], $0x2FFFF;
	_ =	strace $0x9FFFFFFF  }
0xc2: {  	(tm) =	ssettm $0x7FFFFFFF  }
0xc3: {  	_ =	shalt  }
tec
execute0_lowered:
.L_overlay_start_1:
0x0: {  	(tag) =	ssettag $0x1  }
0x1: {  	s1 =	srdreg.scid;
	s5 =	rddreg [dreg:$0x0]  }
0x2: {  	s0 =	stileid.u32;
	s2 =	rddreg [dreg:$0x1];
	s6 =	simm.s32 $0x1  }
0x3: {  	s9 =	simm.s32 $0x1;
	s10 =	simm.s32 $0x3;
	s1 =	sshll.u32 s1, $0x7  }
0x4: {  	s13 =	simm.s32 $0x0;
	s3 =	sshll.u32 s0, $0x8;
	s4 =	sand.u32 $0x80, s1  }
0x5: {  	s12 =	simm.s32 $0x0;
	s1 =	rddreg [dreg:$0x2];
	s3 =	sor.u32 s3, s4  }
0x6: {  	_ =	strace $0x80000059;
	s4 =	sadd.s32 $0x9E00, s5;
	s8 =	ssub.s32 $0x2000, s3  }
.Ltmp0:
0x7: {  	s5 =	sadd.s32 $0x400, s5;
	s7 =	sand.u32 $0xF80, s8;
	(pc) =	sbr.rel .LBB2_1-.Ltmp0, $4  }
0x8: {  	[sflag:s6] =	ssyncpa.u1 $0x0;
	s11 =	smov.u32 s3;
	p0 =	sne.s32 s7, $0x0  }
0x9: {  	s8 =	sshrl.u32 s8, $0xC;
	s7 =	simm.s32 $0x2;
	s9 =	simm.s32 @!p0 $0x0  }
0xa: {  	[sflag:s7] =	ssyncpa.u1 $0x0;
	p0 =	por $0x0, $0x0;
	s8 =	sadd.s32 s9, s8  }
0xb: {  	vm0 =	vmmov $0xffff;
	[sflag:s10] =	ssyncpa.u1 $0x0;
	s10 =	simm.s32 $0x0;
	s9 =	sadd.s32 $0x1, s8  }
.LBB2_4:
0xc: {  	v2 =	vnsel vm1, $0x0, v2  }
0xd: {  	vm1 =	vgt.s32 v0, $0x0;
	v2 =	vmin.u32 v2, $0x4E1FF  }
0xe: {  	v0 =	vnsel vm1, $0x0, v0  }
0xf: {  	v0 =	vmin.u32 v0, $0x4E1FF  }
0x10: {  	[tilespmem:s15], [sflag:$0x1] =	stream.indirect_vreg.gather [hbm4b:s4+s10], $0x1, v1, vm0, $0x4038;
	[tilespmem:$0x200] =	vst v63  }
0x11: {  	(ifvalue) =	ssetifvalue $0x7FFFFFFF  }
0x12: {  	[tilespmem:s16], [sflag:$0x1] =	stream.indirect_vreg.gather [hbm4b:s4+s10], $0x1, v2, vm0, $0x4038;
	[tilespmem:$0x200] =	vst v63  }
0x13: {  	s29 =	sadd.s32 $0x10, s16;
	(ifvalue) =	ssetifvalue $0x7FFFFFFF  }
0x14: {  	[tilespmem:s29], [sflag:$0x1] =	stream.indirect_vreg.gather [hbm4b:s4+s10], $0x1, v0, vm0, $0x4038;
	[tilespmem:$0x200] =	vst v63  }
0x15: {  	_ =	swait.ge [sflag:s6], $0x80  }
0x16: {  	s30 =	sshrl.u32 s13, $0x3;
	[sflag:s6] =	ssyncset.done $0x0  }
0x17: {  	s31 =	sand.u32 $0x7, s13;
	s15 =	sadd.s32 s5, s30;
	[sflag:s6] =	ssyncadd.s32 $0xFFFFFF80  }
0x18: {  	[hbm4b:s15+s31] =	stream.linear.scatter [tilespmem:s14], [sflag:$0x3], $0x80, $0x38;
	[tilespmem:$0x200] =	vst v63  }
.LBB2_5:
0x19: {  	s15 =	sadd.s32 $0x1000, s11  }
0x1a: {  	p2 =	sgt.s32 s15, $0x1FFF  }
0x1b: {  	s15 =	smov.u32 @p2 s3;
	p2 =	sne.s32 s12, s9  }
.Ltmp1:
0x1c: {  	p1 =	slt.u32 s12, $0x2;
	(pc) =	sbr.rel @!p2 .LBB2_6-.Ltmp1, $4  }
0x1d: {  	s14 =	simm.s32 @!p1 $0x3  }
0x1e: {  	s16 =	sadd.s32 $0x1, s12;
	_ =	swait.ge @!p1 [sflag:s14], $0x80  }
0x1f: {  	s13 =	smov.u32 s11;
	p0 =	por !p0, !p0;
	[sflag:s14] =	ssyncset.done @!p1 $0x0  }
0x20: {  	s12 =	smov.u32 s16;
	s11 =	smov.u32 s15;
	[sflag:s14] =	ssyncadd.s32 @!p1 $0xFFFFFF80  }
.LBB2_1:
0x21: {  	p1 =	sge.u32 s12, s8  }
0x22: {  	s14 =	sxor.u32 @!p1 $0xFFFFFFFF, s12  }
0x23: {  	s31 =	sadd.s32 $0xFFFFFFFF, s12;
	s15 =	sshrl.u32 @!p1 s11, $0x3;
	s14 =	sshll.u32 @!p1 s14, $0x7  }
0x24: {  	s16 =	sand.u32 @!p1 $0x7, s11;
	s15 =	sadd.s32 @!p1 s2, s15;
	s14 =	sand.u32 @!p1 $0x80, s14  }
0x25: {  	[tilespmem:s14], [sflag:$0x2] =	stream.linear.gather @!p1 [hbm4b:s15+s16], $0x80, $0x38;
	[tilespmem:$0x200] =	vst v63  }
0x26: {  	p1 =	sge.u32 s31, s8  }
.Ltmp2:
0x27: {  	_ = 	snop;
	(pc) =	sbr.rel @p1 .LBB2_5-.Ltmp2, $1  }
0x28: {  	_ =	sdelay $0x3  }
0x29: {  	s14 =	simm.s32 $0x1  }
0x2a: {  	_ =	swait.ge [sflag:s7], $0x80;
	s14 =	simm.s32 @!p0 $0x0  }
0x2b: {  	[sflag:s7] =	ssyncset.done $0x0;
	s14 =	sshll.u32 s14, $0x7  }
0x2c: {  	[sflag:s7] =	ssyncadd.s32 $0xFFFFFF80;
	(ifvalue) =	ssetifvalue $0x7FFFFFFF;
	v0 =	vld.msk [tilespmem:s14+$0x0 ss:$0x1], $0xffff;
	_ =	sdelay $0x4  }
0x2d: {  	s15 =	sadd.s32 $0x10, s14;
	vm1 =	vgt.s32 v0, $0x0  }
0x2e: {  	v2 =	vld.msk [tilespmem:s15+$0x0 ss:$0x1], $0xffff;
	v1 =	vnsel vm1, $0x0, v0  }
0x2f: {  	v1 =	vmin.u32 v1, $0x4E1FF;
	_ =	sdelay $0x1  }
0x30: {  	s16 =	sshll.u32 s12, $0x7;
	s18 =	simm.s32 $0x20  }
0x31: {  	s16 =	sand.u32 $0x80, s16;
	s17 =	sadd.s32 $0x10, s15;
	s15 =	sor.u32 $0x100, s14  }
0x32: {  	s14 =	sor.u32 $0x100, s16;
	s16 =	sadd.s32 $0x10, s15;
	v0 =	vld.msk [tilespmem:s17+$0x0 ss:$0x1], $0xffff;
	vm1 =	vgt.s32 v2, $0x0;
	(ifvalue) =	ssetifvalue $0x7FFFFFFF  }
.LBB2_3:
0x33: {  	[tilespmem:s15], [sflag:$0x1] =	stream.indirect_vreg.gather [hbm4b:s4+s10], $0x1, v1, vm0, $0x4038;
	[tilespmem:$0x200] =	vst v63  }
0x34: {  	s18 =	sadd.s32 $0x10, s18  }
0x35: {  	v2 =	vnsel vm1, $0x0, v2;
	p1 =	slt.u32 s18, $0x70  }
.Ltmp3:
0x36: {  	s15 =	smov.u32 s16;
	v1 =	vmin.u32 v2, $0x4E1FF;
	(pc) =	sbr.rel @p1 .LBB2_3-.Ltmp3, $3  }
0x37: {  	_ =	sdelay $0x1  }
0x38: {  	s17 =	sadd.s32 $0x10, s17  }
0x39: {  	vm1 =	vgt.s32 v0, $0x0;
	s16 =	sadd.s32 $0x10, s16;
	v2 =	vmov v0;
	(ifvalue) =	ssetifvalue $0x7FFFFFFF;
	v0 =	vld.msk [tilespmem:s17+$0x0 ss:$0x1], $0xffff  }
.Ltmp4:
0x3a: {  	_ = 	snop;
	(pc) =	sbr.rel .LBB2_4-.Ltmp4, $1  }
0x3b: {  	_ =	sdelay $0x3  }
.LBB2_6:
0x3c: {  	_ =	sfence.sel $0x180000  }
0x3d: {  	s2 =	simm.s32 $0x2;
	[bflag:$0x0] =	sbarrier.arrive $0xFFFF  }
0x3e: {  	s30 =	simm.s32 $0x3;
	[sflag:s2] =	ssyncpa.u1 $0x1  }
0x3f: {  	s31 =	simm.s32 $0x1;
	[sflag:s30] =	ssyncpa.u1 $0x1  }
0x40: {  	[sflag:s31] =	ssyncpa.u1 $0x1  }
0x41: {  	p0 =	sne.s32 s0, $0x0;
	_ =	strace $0x90000059  }
0x42: {  	s0 =	sadd.s32 @!p0 $0x100000, s1;
	[bflag:$0x2] =	sbarrier.arrive $0xFFFF  }
0x43: {  	[sflag:s0] =	ssyncadd.tile.s32 @!p0 $0x1;
	_ =	shalt  }
.Lfunc_end2:
_tile_overlayer_lowered:
.L_overlay_start_2:
0x44: {  	(tag) =	ssettag $0x2  }
0x45: {  	s0 =	rddreg [dreg:$0x0];
	s2 =	stileid.u32  }
0x46: {  	s1 =	rddreg [dreg:$0x1];
	p0 =	sne.s32 s2, $0x0  }
0x47: {  	s3 =	rddreg [dreg:$0x2];
	[bflag:$0x3] =	sbarrier.arrive $0xFFFF;
	s2 =	simm.s32 @!p0 $0x1C01  }
0x48: {  	[timem:s3], [sflag:s2] =	dma.local @!p0 [hbm:s0], s1  }
0x49: {  	s0 =	simm.s32 @!p0 $0x1  }
0x4a: {  	_ =	swait.ge @!p0 [sflag:s0], s1  }
0x4b: {  	s1 =	ssub.s32 @!p0 $0x0, s1;
	[sflag:s0] =	ssyncset.done @!p0 $0x0  }
0x4c: {  	[sflag:s0] =	ssyncadd.s32 @!p0 s1  }
0x4d: {  	[bflag:$0x3] =	sbarrier.arrive $0xFFFF  }
0x4e: {  	_ =	shalt  }

// kernel: gather_offload_async_start.2
scs
__scs_entry_jumppad:
0x0: {  	(pc) =	sbr.rel $0x88, $3  }
0x1: {  	(tag) =	ssettag $0x0;
	lr =	simm.s32 $0x1  }
0x2: {  	[smem:$0x3F97] =	sst lr;
	_ =	strace $0xD0000000  }
0x3: {  	_ = 	snop  }
0x4: {  	_ = 	snop  }
0x5: {  	_ = 	snop  }
0x6: {  	_ = 	snop  }
0x7: {  	_ = 	snop  }
__scs_overlays_trampoline_lowered:
0x8: {  	[smem:$0x3FA6] =	sst s0  }
0x9: {  	[smem:$0x3FA7] =	sst s1  }
0xa: {  	[smem:$0x3FA8] =	sst s2  }
0xb: {  	[smem:$0x3FA9] =	sst s3  }
0xc: {  	[smem:$0x3FAA] =	sst s4  }
0xd: {  	[smem:$0x3FAB] =	sst s5  }
0xe: {  	[smem:$0x3FAC] =	sst s6  }
0xf: {  	[smem:$0x3FAD] =	sst s7  }
0x10: {  	[smem:$0x3FAE] =	sst s8  }
0x11: {  	[smem:$0x3FAF] =	sst s9;
	s0 =	simm.s32 @!p0 $0x0  }
0x12: {  	s1 =	sld [smem:$0x3F95];
	s0 =	simm.s32 @p0 $0x1  }
0x13: {  	[smem:$0x3FB0] =	sst s0;
	s0 =	simm.s32 @!p1 $0x0  }
0x14: {  	s2 =	sld [smem:$0x3F94];
	s0 =	simm.s32 @p1 $0x1  }
0x15: {  	[smem:$0x3FB1] =	sst s0;
	s0 =	simm.s32 @!p2 $0x0  }
0x16: {  	s3 =	sld [smem:$0x3FDB];
	s0 =	simm.s32 @p2 $0x1  }
0x17: {  	s4 =	simm.s32 $0x1BF5;
	[smem:$0x3FB3] =	sst s0  }
0x18: {  	s0 =	sld [smem:$0x3F96];
	_ =	swait.ge [sflag:s4], $0x0  }
0x19: {  	s7 =	sld [smem:$0x3F97]  }
0x1a: {  	s8 =	sadd.s32 $0xFFFFE003, lr  }
0x1b: {  	s9 =	sadd.s32 $0xFFFFFEF7, lr;
	s5 =	simm.s32 $0xFFFFFFFF;
	p2 =	slt.u32 s8, $0xFFFFF086  }
0x1c: {  	p1 =	slt.u32 s9, $0xF7A;
	s5 =	simm.s32 @!p2 $0x0  }
0x1d: {  	s5 =	simm.s32 @p1 $0x1;
	p0 =	seq.s32 s7, s2  }
0x1e: {  	s7 =	smul.u32 @!p0 $0xF7A, s2;
	p2 =	seq.s32 @!p0 s5, $0x0  }
0x1f: {  	s9 =	smul.u32 $0xF7A, s1;
	s8 =	simm.s32 @!p0 $0x1BF5;
	p2 =	por !p2, p0  }
0x20: {  	[sflag:s8] =	ssyncset.s32 @!p0 $0xFFFFF086;
	s6 =	sadd.s32 @!p0 s3, s7;
	s7 =	simm.s32 @!p0 $0x108  }
0x21: {  	s3 =	sadd.s32 s3, s9;
	s6 =	sadd.s32 @!p0 $0x88, s6;
	s7 =	simm.s32 @p2 $0x1082  }
0x22: {  	[simem:s7], [sflag:s8] =	dma.local @!p0 [hbm:s6], $0xF7A  }
0x23: {  	s9 =	sor.u32 $0xD0000000, s2;
	s6 =	simm.s32 $0x108;
	_ =	swait.ge @!p0 [sflag:s8], $0x0  }
0x24: {  	s3 =	sadd.s32 $0x88, s3;
	s6 =	simm.s32 @!p1 $0x1082;
	[sflag:s4] =	ssyncset.s32 $0xFFFFF086  }
0x25: {  	[simem:s6], [sflag:s4] =	dma.local [hbm:s3], $0xF7A  }
0x26: {  	[smem:$0x3F97] =	sst s1;
	(tag) =	ssettag s2;
	_ =	strace s9  }
0x27: {  	s1 =	sld [smem:$0x3FA7]  }
0x28: {  	s2 =	sld [smem:$0x3FA8]  }
0x29: {  	s4 =	sld [smem:$0x3FAA]  }
0x2a: {  	p0 =	seq.s32 s5, $0x0;
	s5 =	sld [smem:$0x3FAB]  }
0x2b: {  	s6 =	sld [smem:$0x3FAC]  }
0x2c: {  	s7 =	sld [smem:$0x3FAD]  }
0x2d: {  	s3 =	simm.s32 $0x108;
	s8 =	sld [smem:$0x3FAE]  }
0x2e: {  	s3 =	simm.s32 @!p0 $0x1082;
	s9 =	sld [smem:$0x3FAF]  }
0x2f: {  	lr =	sadd.s32 s0, s3;
	s0 =	sld [smem:$0x3FA6]  }
0x30: {  	s3 =	sld [smem:$0x3FA9]  }
0x31: {  	[smem:$0x3FB2] =	sst s10  }
0x32: {  	s10 =	sld [smem:$0x3FB0];
	_ =	sdelay $0x3  }
0x33: {  	p0 =	seq.s32 s10, $0x1;
	s10 =	sld [smem:$0x3FB2];
	_ =	sdelay $0x3  }
0x34: {  	[smem:$0x3FB2] =	sst s10  }
0x35: {  	s10 =	sld [smem:$0x3FB1];
	_ =	sdelay $0x3  }
0x36: {  	p1 =	seq.s32 s10, $0x1;
	s10 =	sld [smem:$0x3FB2];
	_ =	sdelay $0x3  }
0x37: {  	[smem:$0x3FB2] =	sst s10  }
0x38: {  	s10 =	sld [smem:$0x3FB3]  }
0x39: {  	_ = 	snop;
	(pc) =	sbr.ind lr, $3  }
0x3a: {  	_ = 	snop  }
0x3b: {  	_ = 	snop  }
0x3c: {  	p2 =	seq.s32 s10, $0x1;
	s10 =	sld [smem:$0x3FB2]  }
0x3d: {  	_ =	shalt  }
0x3e: {  	_ =	shalt  }
0x3f: {  	_ =	shalt  }
0x40: {  	_ =	shalt  }
0x41: {  	_ =	shalt  }
0x42: {  	_ =	shalt  }
0x43: {  	_ =	shalt  }
0x44: {  	_ =	shalt  }
0x45: {  	_ =	shalt  }
0x46: {  	_ =	shalt  }
0x47: {  	_ =	shalt  }
0x48: {  	_ =	shalt  }
0x49: {  	_ =	shalt  }
0x4a: {  	_ =	shalt  }
0x4b: {  	_ =	shalt  }
0x4c: {  	_ =	shalt  }
0x4d: {  	_ =	shalt  }
0x4e: {  	_ =	shalt  }
0x4f: {  	_ =	shalt  }
0x50: {  	_ =	shalt  }
0x51: {  	_ =	shalt  }
0x52: {  	_ =	shalt  }
0x53: {  	_ =	shalt  }
0x54: {  	_ =	shalt  }
0x55: {  	_ =	shalt  }
0x56: {  	_ =	shalt  }
0x57: {  	_ =	shalt  }
0x58: {  	_ =	shalt  }
0x59: {  	_ =	shalt  }
0x5a: {  	_ =	shalt  }
0x5b: {  	_ =	shalt  }
0x5c: {  	_ =	shalt  }
0x5d: {  	_ =	shalt  }
0x5e: {  	_ =	shalt  }
0x5f: {  	_ =	shalt  }
0x60: {  	_ =	shalt  }
0x61: {  	_ =	shalt  }
0x62: {  	_ =	shalt  }
0x63: {  	_ =	shalt  }
0x64: {  	_ =	shalt  }
0x65: {  	_ =	shalt  }
0x66: {  	_ =	shalt  }
0x67: {  	_ =	shalt  }
0x68: {  	_ =	shalt  }
0x69: {  	_ =	shalt  }
0x6a: {  	_ =	shalt  }
0x6b: {  	_ =	shalt  }
0x6c: {  	_ =	shalt  }
0x6d: {  	_ =	shalt  }
0x6e: {  	_ =	shalt  }
0x6f: {  	_ =	shalt  }
0x70: {  	_ =	shalt  }
0x71: {  	_ =	shalt  }
0x72: {  	_ =	shalt  }
0x73: {  	_ =	shalt  }
0x74: {  	_ =	shalt  }
0x75: {  	_ =	shalt  }
0x76: {  	_ =	shalt  }
0x77: {  	_ =	shalt  }
0x78: {  	_ =	shalt  }
0x79: {  	_ =	shalt  }
0x7a: {  	_ =	shalt  }
0x7b: {  	_ =	shalt  }
0x7c: {  	_ =	shalt  }
0x7d: {  	_ =	shalt  }
0x7e: {  	_ =	shalt  }
0x7f: {  	_ =	shalt  }
0x80: {  	_ =	shalt  }
0x81: {  	_ =	shalt  }
0x82: {  	_ =	shalt  }
0x83: {  	_ =	shalt  }
0x84: {  	_ =	shalt  }
0x85: {  	_ =	shalt  }
0x86: {  	_ =	shalt  }
0x87: {  	_ =	shalt  }
.Lfunc_end0:
.L_simem_size_0:
called_computation.6_lowered:
.L_overlay_start_0:
0x88: {  	s2 =	sld [smem:$0x3FD9]  }
0x89: {  	s3 =	sld [smem:$0x3FFE];
	_ =	sdelay $0x1  }
0x8a: {  	s1 =	srdreg.scid  }
0x8b: {  	s0 =	sand.u32 $0x1, s1  }
0x8c: {  	s17 =	sshll.u32 s0, $0xA;
	s2 =	sadd.s32 s3, s2  }
0x8d: {  	s2 =	sadd.s32 s2, s17  }
0x8e: {  	[smem:$0x3FBE] =	sst s2  }
0x8f: {  	_ = 	snop  }
0x90: {  	s18 =	sld [smem:$0x3FD0];
	(tm) =	ssettm $0x1  }
0x91: {  	s19 =	sld [smem:$0x3FFB];
	_ =	sdelay $0x3  }
0x92: {  	_ =	strace s19  }
0x93: {  	s2 =	sld [smem:$0x3FFC];
	_ =	sdelay $0x3  }
0x94: {  	_ =	strace s2  }
0x95: {  	s2 =	sld [smem:$0x3FFD];
	_ =	sdelay $0x3  }
0x96: {  	_ =	strace s2  }
0x97: {  	_ =	strace $0x8FFFFFFF  }
0x98: {  	s20 =	sld [smem:$0x3FDB];
	_ =	sdelay $0x1  }
0x99: {  	s4 =	simm.s32 $_scs_section_size  }
0x9a: {  	s5 =	simm.s32 $_size__tile_overlayer_lowered;
	s6 =	simm.s32 $_tile_overlayer_lowered  }
0x9b: {  	s7 =	simm.s32 $0x1BFF;
	s21 =	sshll.u32 s6, $0x1;
	s4 =	sadd.s32 s4, s20  }
0x9c: {  	s22 =	simm.s32 $0x0;
	s5 =	sshll.u32 s5, $0x1;
	s6 =	sadd.s32 s21, s4  }
0x9d: {  	[timem:s22], [sflag:s7] =	dma.local [hbm:s6], s5  }
0x9e: {  	_ =	swait.ge [sflag:s7], s5  }
0x9f: {  	s5 =	ssub.s32 $0x0, s5;
	[sflag:s7] =	ssyncset.done $0x0  }
0xa0: {  	[sflag:s7] =	ssyncadd.s32 s5;
	_ =	sdelay $0x1  }
0xa1: {  	s23 =	simm.s32 $0x1B8B  }
0xa2: {  	_ =	swait.ge [sflag:s23], $0x1  }
0xa3: {  	[sflag:s23] =	ssyncset.done $0x0  }
0xa4: {  	[sflag:s23] =	ssyncadd.s32 $0xFFFFFFFF  }
0xa5: {  	s5 =	sld [smem:$0x0]  }
0xa6: {  	s6 =	sand.u32 $0xFFFFFFFE, s1  }
0xa7: {  	p0 =	sne.s32 s1, s6  }
0xa8: {  	s6 =	sshll.u32 @p0 s6, $0xE  }
0xa9: {  	s6 =	sadd.s32 @p0 $0x11B8D, s6;
	s7 =	sshll.u32 @p0 s5, $0x11  }
0xaa: {  	s6 =	sor.u32 @p0 s7, s6  }
0xab: {  	[sflag:s6] =	ssyncadd.remote.s32 @p0 $0x1;
	_ =	sdelay $0x1  }
0xac: {  	s6 =	simm.s32 @p0 $0x1B8D  }
0xad: {  	_ =	swait.eq @p0 [sflag:s6], $0x1  }
0xae: {  	[sflag:s6] =	ssyncadd.s32 @p0 $0xFFFFFFFF  }
0xaf: {  	s7 =	sshll.u32 @!p0 s1, $0xE  }
0xb0: {  	s7 =	sor.u32 @!p0 $0x4000, s7;
	s6 =	simm.s32 @!p0 $0x1B8D  }
0xb1: {  	s5 =	sshll.u32 @!p0 s5, $0x11;
	s7 =	sadd.s32 @!p0 $0x11B8D, s7;
	_ =	swait.eq @!p0 [sflag:s6], $0x1  }
0xb2: {  	s5 =	sor.u32 @!p0 s5, s7;
	[sflag:s6] =	ssyncadd.s32 @!p0 $0xFFFFFFFF  }
0xb3: {  	s25 =	simm.s32 $0x1B8E;
	s24 =	sld [smem:$0x3FFE];
	[sflag:s5] =	ssyncadd.remote.s32 @!p0 $0x1  }
0xb4: {  	s26 =	simm.s32 $execute0_lowered;
	[smem:$0x3FD2] =	sst s25  }
0xb5: {  	s6 =	sshll.u32 s26, $0x1;
	_ =	strace $0x80000067;
	[dreg:$0x1] =	wrdreg $0xFFFFFFFF  }
0xb6: {  	s28 =	simm.s32 $_size_execute0_lowered;
	s4 =	sadd.s32 s4, s6;
	[dreg:$0x0] =	wrdreg $0x0  }
0xb7: {  	s6 =	sshll.u32 s28, $0x1;
	[dreg:$0x2] =	wrdreg s4  }
0xb8: {  	[dreg:$0x3] =	wrdreg s6  }
0xb9: {  	[dreg:$0x4] =	wrdreg $0xC0  }
0xba: {  	_ =	task [dreg:s22], $0x5FFFF  }
0xbb: {  	[dreg:$0x1] =	wrdreg $0xFFFFFFFF  }
0xbc: {  	[dreg:$0x0] =	wrdreg $0x60  }
0xbd: {  	[dreg:$0x2] =	wrdreg s18  }
0xbe: {  	[dreg:$0x3] =	wrdreg s24  }
0xbf: {  	[dreg:$0x4] =	wrdreg $0x9  }
0xc0: {  	_ =	task.clear_ibuf [dreg:s22], $0x5FFFF;
	_ =	strace $0x90000067  }
0xc1: {  	s29 =	simm.s32 $0x9;
	_ =	strace $0x80000069  }
0xc2: {  	_ =	swait.ge [sflag:s29], $0x1  }
0xc3: {  	[sflag:s29] =	ssyncadd.s32 $0xFFFFFFFF  }
0xc4: {  	_ =	strace $0x90000069  }
0xc5: {  	_ =	sfence  }
0xc6: {  	s30 =	sld [smem:$0x0];
	_ =	sdelay $0x2  }
0xc7: {  	s31 =	sshll.u32 s1, $0xD;
	s1 =	sshrl.u32 s1, $0x2  }
0xc8: {  	s4 =	sand.u32 $0x4000, s31;
	s1 =	sadd.s32 s1, s30  }
0xc9: {  	s0 =	sor.u32 s4, s0;
	s1 =	sshll.u32 s1, $0x11  }
0xca: {  	s0 =	sor.u32 s1, s0  }
0xcb: {  	s0 =	sadd.s32 $0x8F2B, s0  }
0xcc: {  	[sflag:s0] =	ssyncadd.remote.s32 $0x1  }
0xcd: {  	_ =	sfence.sel $0xFFFF  }
0xce: {  	[dreg:$0x0] =	wrdreg $0xFFFFFFFF;
	(pc) =	sbr.abs _section_cstart, $3  }
0xcf: {  	[dreg:$0x1] =	wrdreg $0xFFFFFFFF  }
0xd0: {  	_ =	task.clear_ibuf [dreg:s22], $0x2FFFF;
	_ =	strace $0x9FFFFFFF  }
0xd1: {  	(tm) =	ssettm $0x7FFFFFFF  }
tec
execute0_lowered:
.L_overlay_start_1:
0x0: {  	(tag) =	ssettag $0x1  }
0x1: {  	s1 =	srdreg.scid;
	s2 =	rddreg [dreg:$0x0]  }
0x2: {  	s0 =	stileid.u32;
	s5 =	rddreg [dreg:$0x1];
	s6 =	simm.s32 $0x1  }
0x3: {  	s9 =	simm.s32 $0x1;
	s10 =	simm.s32 $0x3;
	s1 =	sshll.u32 s1, $0x7  }
0x4: {  	s13 =	simm.s32 $0x0;
	s3 =	sshll.u32 s0, $0x8;
	s4 =	sand.u32 $0x80, s1  }
0x5: {  	s12 =	simm.s32 $0x0;
	s1 =	rddreg [dreg:$0x2];
	s3 =	sor.u32 s3, s4  }
0x6: {  	_ =	strace $0x80000068;
	s4 =	sadd.s32 $0x600, s5;
	s8 =	ssub.s32 $0x2000, s3  }
.Ltmp0:
0x7: {  	s5 =	sadd.s32 $0xA00, s5;
	s7 =	sand.u32 $0xF80, s8;
	(pc) =	sbr.rel .LBB2_1-.Ltmp0, $4  }
0x8: {  	[sflag:s6] =	ssyncpa.u1 $0x0;
	s11 =	smov.u32 s3;
	p0 =	sne.s32 s7, $0x0  }
0x9: {  	s8 =	sshrl.u32 s8, $0xC;
	s7 =	simm.s32 $0x2;
	s9 =	simm.s32 @!p0 $0x0  }
0xa: {  	[sflag:s7] =	ssyncpa.u1 $0x0;
	p0 =	por $0x0, $0x0;
	s8 =	sadd.s32 s9, s8  }
0xb: {  	vm0 =	vmmov $0xffff;
	[sflag:s10] =	ssyncpa.u1 $0x0;
	s10 =	simm.s32 $0x0;
	s9 =	sadd.s32 $0x1, s8  }
.LBB2_4:
0xc: {  	v2 =	vnsel vm1, $0x0, v2  }
0xd: {  	vm1 =	vgt.s32 v0, $0x0;
	v2 =	vmin.u32 v2, $0x1FFF  }
0xe: {  	v0 =	vnsel vm1, $0x0, v0  }
0xf: {  	v0 =	vmin.u32 v0, $0x1FFF  }
0x10: {  	[tilespmem:s15], [sflag:$0x1] =	stream.indirect_vreg.gather [hbm4b:s2+s10], $0x1, v1, vm0, $0x4038;
	[tilespmem:$0x200] =	vst v63  }
0x11: {  	(ifvalue) =	ssetifvalue $0x7FFFFFFF  }
0x12: {  	[tilespmem:s16], [sflag:$0x1] =	stream.indirect_vreg.gather [hbm4b:s2+s10], $0x1, v2, vm0, $0x4038;
	[tilespmem:$0x200] =	vst v63  }
0x13: {  	s29 =	sadd.s32 $0x10, s16;
	(ifvalue) =	ssetifvalue $0x7FFFFFFF  }
0x14: {  	[tilespmem:s29], [sflag:$0x1] =	stream.indirect_vreg.gather [hbm4b:s2+s10], $0x1, v0, vm0, $0x4038;
	[tilespmem:$0x200] =	vst v63  }
0x15: {  	_ =	swait.ge [sflag:s6], $0x80  }
0x16: {  	s30 =	sshrl.u32 s13, $0x3;
	[sflag:s6] =	ssyncset.done $0x0  }
0x17: {  	s31 =	sand.u32 $0x7, s13;
	s15 =	sadd.s32 s5, s30;
	[sflag:s6] =	ssyncadd.s32 $0xFFFFFF80  }
0x18: {  	[hbm4b:s15+s31] =	stream.linear.scatter [tilespmem:s14], [sflag:$0x3], $0x80, $0x38;
	[tilespmem:$0x200] =	vst v63  }
.LBB2_5:
0x19: {  	s15 =	sadd.s32 $0x1000, s11  }
0x1a: {  	p2 =	sgt.s32 s15, $0x1FFF  }
0x1b: {  	s15 =	smov.u32 @p2 s3;
	p2 =	sne.s32 s12, s9  }
.Ltmp1:
0x1c: {  	p1 =	slt.u32 s12, $0x2;
	(pc) =	sbr.rel @!p2 .LBB2_6-.Ltmp1, $4  }
0x1d: {  	s14 =	simm.s32 @!p1 $0x3  }
0x1e: {  	s16 =	sadd.s32 $0x1, s12;
	_ =	swait.ge @!p1 [sflag:s14], $0x80  }
0x1f: {  	s13 =	smov.u32 s11;
	p0 =	por !p0, !p0;
	[sflag:s14] =	ssyncset.done @!p1 $0x0  }
0x20: {  	s12 =	smov.u32 s16;
	s11 =	smov.u32 s15;
	[sflag:s14] =	ssyncadd.s32 @!p1 $0xFFFFFF80  }
.LBB2_1:
0x21: {  	p1 =	sge.u32 s12, s8  }
0x22: {  	s14 =	sxor.u32 @!p1 $0xFFFFFFFF, s12  }
0x23: {  	s31 =	sadd.s32 $0xFFFFFFFF, s12;
	s15 =	sshrl.u32 @!p1 s11, $0x3;
	s14 =	sshll.u32 @!p1 s14, $0x7  }
0x24: {  	s16 =	sand.u32 @!p1 $0x7, s11;
	s15 =	sadd.s32 @!p1 s4, s15;
	s14 =	sand.u32 @!p1 $0x80, s14  }
0x25: {  	[tilespmem:s14], [sflag:$0x2] =	stream.linear.gather @!p1 [hbm4b:s15+s16], $0x80, $0x38;
	[tilespmem:$0x200] =	vst v63  }
0x26: {  	p1 =	sge.u32 s31, s8  }
.Ltmp2:
0x27: {  	_ = 	snop;
	(pc) =	sbr.rel @p1 .LBB2_5-.Ltmp2, $1  }
0x28: {  	_ =	sdelay $0x3  }
0x29: {  	s14 =	simm.s32 $0x1  }
0x2a: {  	_ =	swait.ge [sflag:s7], $0x80;
	s14 =	simm.s32 @!p0 $0x0  }
0x2b: {  	[sflag:s7] =	ssyncset.done $0x0;
	s14 =	sshll.u32 s14, $0x7  }
0x2c: {  	[sflag:s7] =	ssyncadd.s32 $0xFFFFFF80;
	(ifvalue) =	ssetifvalue $0x7FFFFFFF;
	v0 =	vld.msk [tilespmem:s14+$0x0 ss:$0x1], $0xffff;
	_ =	sdelay $0x4  }
0x2d: {  	s15 =	sadd.s32 $0x10, s14;
	vm1 =	vgt.s32 v0, $0x0  }
0x2e: {  	v2 =	vld.msk [tilespmem:s15+$0x0 ss:$0x1], $0xffff;
	v1 =	vnsel vm1, $0x0, v0  }
0x2f: {  	v1 =	vmin.u32 v1, $0x1FFF;
	_ =	sdelay $0x1  }
0x30: {  	s16 =	sshll.u32 s12, $0x7;
	s18 =	simm.s32 $0x20  }
0x31: {  	s16 =	sand.u32 $0x80, s16;
	s17 =	sadd.s32 $0x10, s15;
	s15 =	sor.u32 $0x100, s14  }
0x32: {  	s14 =	sor.u32 $0x100, s16;
	s16 =	sadd.s32 $0x10, s15;
	v0 =	vld.msk [tilespmem:s17+$0x0 ss:$0x1], $0xffff;
	vm1 =	vgt.s32 v2, $0x0;
	(ifvalue) =	ssetifvalue $0x7FFFFFFF  }
.LBB2_3:
0x33: {  	[tilespmem:s15], [sflag:$0x1] =	stream.indirect_vreg.gather [hbm4b:s2+s10], $0x1, v1, vm0, $0x4038;
	[tilespmem:$0x200] =	vst v63  }
0x34: {  	s18 =	sadd.s32 $0x10, s18  }
0x35: {  	v2 =	vnsel vm1, $0x0, v2;
	p1 =	slt.u32 s18, $0x70  }
.Ltmp3:
0x36: {  	s15 =	smov.u32 s16;
	v1 =	vmin.u32 v2, $0x1FFF;
	(pc) =	sbr.rel @p1 .LBB2_3-.Ltmp3, $3  }
0x37: {  	_ =	sdelay $0x1  }
0x38: {  	s17 =	sadd.s32 $0x10, s17  }
0x39: {  	vm1 =	vgt.s32 v0, $0x0;
	s16 =	sadd.s32 $0x10, s16;
	v2 =	vmov v0;
	(ifvalue) =	ssetifvalue $0x7FFFFFFF;
	v0 =	vld.msk [tilespmem:s17+$0x0 ss:$0x1], $0xffff  }
.Ltmp4:
0x3a: {  	_ = 	snop;
	(pc) =	sbr.rel .LBB2_4-.Ltmp4, $1  }
0x3b: {  	_ =	sdelay $0x3  }
.LBB2_6:
0x3c: {  	_ =	sfence.sel $0x180000  }
0x3d: {  	s2 =	simm.s32 $0x2;
	[bflag:$0x0] =	sbarrier.arrive $0xFFFF  }
0x3e: {  	s30 =	simm.s32 $0x3;
	[sflag:s2] =	ssyncpa.u1 $0x1  }
0x3f: {  	s31 =	simm.s32 $0x1;
	[sflag:s30] =	ssyncpa.u1 $0x1  }
0x40: {  	[sflag:s31] =	ssyncpa.u1 $0x1  }
0x41: {  	p0 =	sne.s32 s0, $0x0;
	_ =	strace $0x90000068  }
0x42: {  	s0 =	sadd.s32 @!p0 $0x100000, s1;
	[bflag:$0x2] =	sbarrier.arrive $0xFFFF  }
0x43: {  	[sflag:s0] =	ssyncadd.tile.s32 @!p0 $0x1;
	_ =	shalt  }
.Lfunc_end2:
_tile_overlayer_lowered:
.L_overlay_start_2:
0x44: {  	(tag) =	ssettag $0x2  }
0x45: {  	s0 =	rddreg [dreg:$0x0];
	s2 =	stileid.u32  }
0x46: {  	s1 =	rddreg [dreg:$0x1];
	p0 =	sne.s32 s2, $0x0  }
0x47: {  	s3 =	rddreg [dreg:$0x2];
	[bflag:$0x3] =	sbarrier.arrive $0xFFFF;
	s2 =	simm.s32 @!p0 $0x1C01  }
0x48: {  	[timem:s3], [sflag:s2] =	dma.local @!p0 [hbm:s0], s1  }
0x49: {  	s0 =	simm.s32 @!p0 $0x1  }
0x4a: {  	_ =	swait.ge @!p0 [sflag:s0], s1  }
0x4b: {  	s1 =	ssub.s32 @!p0 $0x0, s1;
	[sflag:s0] =	ssyncset.done @!p0 $0x0  }
0x4c: {  	[sflag:s0] =	ssyncadd.s32 @!p0 s1  }
0x4d: {  	[bflag:$0x3] =	sbarrier.arrive $0xFFFF  }
0x4e: {  	_ =	shalt  }

// kernel: gather_offload_async_start.3
scs
__scs_entry_jumppad:
0x0: {  	(pc) =	sbr.rel $0x88, $3  }
0x1: {  	(tag) =	ssettag $0x0;
	lr =	simm.s32 $0x1  }
0x2: {  	[smem:$0x3F97] =	sst lr;
	_ =	strace $0xD0000000  }
0x3: {  	_ = 	snop  }
0x4: {  	_ = 	snop  }
0x5: {  	_ = 	snop  }
0x6: {  	_ = 	snop  }
0x7: {  	_ = 	snop  }
__scs_overlays_trampoline_lowered:
0x8: {  	[smem:$0x3FA6] =	sst s0  }
0x9: {  	[smem:$0x3FA7] =	sst s1  }
0xa: {  	[smem:$0x3FA8] =	sst s2  }
0xb: {  	[smem:$0x3FA9] =	sst s3  }
0xc: {  	[smem:$0x3FAA] =	sst s4  }
0xd: {  	[smem:$0x3FAB] =	sst s5  }
0xe: {  	[smem:$0x3FAC] =	sst s6  }
0xf: {  	[smem:$0x3FAD] =	sst s7  }
0x10: {  	[smem:$0x3FAE] =	sst s8  }
0x11: {  	[smem:$0x3FAF] =	sst s9;
	s0 =	simm.s32 @!p0 $0x0  }
0x12: {  	s1 =	sld [smem:$0x3F95];
	s0 =	simm.s32 @p0 $0x1  }
0x13: {  	[smem:$0x3FB0] =	sst s0;
	s0 =	simm.s32 @!p1 $0x0  }
0x14: {  	s2 =	sld [smem:$0x3F94];
	s0 =	simm.s32 @p1 $0x1  }
0x15: {  	[smem:$0x3FB1] =	sst s0;
	s0 =	simm.s32 @!p2 $0x0  }
0x16: {  	s3 =	sld [smem:$0x3FDB];
	s0 =	simm.s32 @p2 $0x1  }
0x17: {  	s4 =	simm.s32 $0x1BF5;
	[smem:$0x3FB3] =	sst s0  }
0x18: {  	s0 =	sld [smem:$0x3F96];
	_ =	swait.ge [sflag:s4], $0x0  }
0x19: {  	s7 =	sld [smem:$0x3F97]  }
0x1a: {  	s8 =	sadd.s32 $0xFFFFE003, lr  }
0x1b: {  	s9 =	sadd.s32 $0xFFFFFEF7, lr;
	s5 =	simm.s32 $0xFFFFFFFF;
	p2 =	slt.u32 s8, $0xFFFFF086  }
0x1c: {  	p1 =	slt.u32 s9, $0xF7A;
	s5 =	simm.s32 @!p2 $0x0  }
0x1d: {  	s5 =	simm.s32 @p1 $0x1;
	p0 =	seq.s32 s7, s2  }
0x1e: {  	s7 =	smul.u32 @!p0 $0xF7A, s2;
	p2 =	seq.s32 @!p0 s5, $0x0  }
0x1f: {  	s9 =	smul.u32 $0xF7A, s1;
	s8 =	simm.s32 @!p0 $0x1BF5;
	p2 =	por !p2, p0  }
0x20: {  	[sflag:s8] =	ssyncset.s32 @!p0 $0xFFFFF086;
	s6 =	sadd.s32 @!p0 s3, s7;
	s7 =	simm.s32 @!p0 $0x108  }
0x21: {  	s3 =	sadd.s32 s3, s9;
	s6 =	sadd.s32 @!p0 $0x88, s6;
	s7 =	simm.s32 @p2 $0x1082  }
0x22: {  	[simem:s7], [sflag:s8] =	dma.local @!p0 [hbm:s6], $0xF7A  }
0x23: {  	s9 =	sor.u32 $0xD0000000, s2;
	s6 =	simm.s32 $0x108;
	_ =	swait.ge @!p0 [sflag:s8], $0x0  }
0x24: {  	s3 =	sadd.s32 $0x88, s3;
	s6 =	simm.s32 @!p1 $0x1082;
	[sflag:s4] =	ssyncset.s32 $0xFFFFF086  }
0x25: {  	[simem:s6], [sflag:s4] =	dma.local [hbm:s3], $0xF7A  }
0x26: {  	[smem:$0x3F97] =	sst s1;
	(tag) =	ssettag s2;
	_ =	strace s9  }
0x27: {  	s1 =	sld [smem:$0x3FA7]  }
0x28: {  	s2 =	sld [smem:$0x3FA8]  }
0x29: {  	s4 =	sld [smem:$0x3FAA]  }
0x2a: {  	p0 =	seq.s32 s5, $0x0;
	s5 =	sld [smem:$0x3FAB]  }
0x2b: {  	s6 =	sld [smem:$0x3FAC]  }
0x2c: {  	s7 =	sld [smem:$0x3FAD]  }
0x2d: {  	s3 =	simm.s32 $0x108;
	s8 =	sld [smem:$0x3FAE]  }
0x2e: {  	s3 =	simm.s32 @!p0 $0x1082;
	s9 =	sld [smem:$0x3FAF]  }
0x2f: {  	lr =	sadd.s32 s0, s3;
	s0 =	sld [smem:$0x3FA6]  }
0x30: {  	s3 =	sld [smem:$0x3FA9]  }
0x31: {  	[smem:$0x3FB2] =	sst s10  }
0x32: {  	s10 =	sld [smem:$0x3FB0];
	_ =	sdelay $0x3  }
0x33: {  	p0 =	seq.s32 s10, $0x1;
	s10 =	sld [smem:$0x3FB2];
	_ =	sdelay $0x3  }
0x34: {  	[smem:$0x3FB2] =	sst s10  }
0x35: {  	s10 =	sld [smem:$0x3FB1];
	_ =	sdelay $0x3  }
0x36: {  	p1 =	seq.s32 s10, $0x1;
	s10 =	sld [smem:$0x3FB2];
	_ =	sdelay $0x3  }
0x37: {  	[smem:$0x3FB2] =	sst s10  }
0x38: {  	s10 =	sld [smem:$0x3FB3]  }
0x39: {  	_ = 	snop;
	(pc) =	sbr.ind lr, $3  }
0x3a: {  	_ = 	snop  }
0x3b: {  	_ = 	snop  }
0x3c: {  	p2 =	seq.s32 s10, $0x1;
	s10 =	sld [smem:$0x3FB2]  }
0x3d: {  	_ =	shalt  }
0x3e: {  	_ =	shalt  }
0x3f: {  	_ =	shalt  }
0x40: {  	_ =	shalt  }
0x41: {  	_ =	shalt  }
0x42: {  	_ =	shalt  }
0x43: {  	_ =	shalt  }
0x44: {  	_ =	shalt  }
0x45: {  	_ =	shalt  }
0x46: {  	_ =	shalt  }
0x47: {  	_ =	shalt  }
0x48: {  	_ =	shalt  }
0x49: {  	_ =	shalt  }
0x4a: {  	_ =	shalt  }
0x4b: {  	_ =	shalt  }
0x4c: {  	_ =	shalt  }
0x4d: {  	_ =	shalt  }
0x4e: {  	_ =	shalt  }
0x4f: {  	_ =	shalt  }
0x50: {  	_ =	shalt  }
0x51: {  	_ =	shalt  }
0x52: {  	_ =	shalt  }
0x53: {  	_ =	shalt  }
0x54: {  	_ =	shalt  }
0x55: {  	_ =	shalt  }
0x56: {  	_ =	shalt  }
0x57: {  	_ =	shalt  }
0x58: {  	_ =	shalt  }
0x59: {  	_ =	shalt  }
0x5a: {  	_ =	shalt  }
0x5b: {  	_ =	shalt  }
0x5c: {  	_ =	shalt  }
0x5d: {  	_ =	shalt  }
0x5e: {  	_ =	shalt  }
0x5f: {  	_ =	shalt  }
0x60: {  	_ =	shalt  }
0x61: {  	_ =	shalt  }
0x62: {  	_ =	shalt  }
0x63: {  	_ =	shalt  }
0x64: {  	_ =	shalt  }
0x65: {  	_ =	shalt  }
0x66: {  	_ =	shalt  }
0x67: {  	_ =	shalt  }
0x68: {  	_ =	shalt  }
0x69: {  	_ =	shalt  }
0x6a: {  	_ =	shalt  }
0x6b: {  	_ =	shalt  }
0x6c: {  	_ =	shalt  }
0x6d: {  	_ =	shalt  }
0x6e: {  	_ =	shalt  }
0x6f: {  	_ =	shalt  }
0x70: {  	_ =	shalt  }
0x71: {  	_ =	shalt  }
0x72: {  	_ =	shalt  }
0x73: {  	_ =	shalt  }
0x74: {  	_ =	shalt  }
0x75: {  	_ =	shalt  }
0x76: {  	_ =	shalt  }
0x77: {  	_ =	shalt  }
0x78: {  	_ =	shalt  }
0x79: {  	_ =	shalt  }
0x7a: {  	_ =	shalt  }
0x7b: {  	_ =	shalt  }
0x7c: {  	_ =	shalt  }
0x7d: {  	_ =	shalt  }
0x7e: {  	_ =	shalt  }
0x7f: {  	_ =	shalt  }
0x80: {  	_ =	shalt  }
0x81: {  	_ =	shalt  }
0x82: {  	_ =	shalt  }
0x83: {  	_ =	shalt  }
0x84: {  	_ =	shalt  }
0x85: {  	_ =	shalt  }
0x86: {  	_ =	shalt  }
0x87: {  	_ =	shalt  }
.Lfunc_end0:
.L_simem_size_0:
called_computation.7_lowered:
.L_overlay_start_0:
0x88: {  	s2 =	sld [smem:$0x3FD9]  }
0x89: {  	s3 =	sld [smem:$0x3FFE];
	_ =	sdelay $0x1  }
0x8a: {  	s1 =	srdreg.scid  }
0x8b: {  	s0 =	sand.u32 $0x1, s1  }
0x8c: {  	s16 =	sshll.u32 s0, $0xA;
	s2 =	sadd.s32 s3, s2  }
0x8d: {  	s2 =	sadd.s32 s2, s16  }
0x8e: {  	[smem:$0x3FBE] =	sst s2  }
0x8f: {  	_ = 	snop  }
0x90: {  	(tm) =	ssettm $0x1  }
0x91: {  	s17 =	sld [smem:$0x3FFB];
	_ =	sdelay $0x3  }
0x92: {  	_ =	strace s17  }
0x93: {  	s2 =	sld [smem:$0x3FFC];
	_ =	sdelay $0x3  }
0x94: {  	_ =	strace s2  }
0x95: {  	s2 =	sld [smem:$0x3FFD];
	_ =	sdelay $0x3  }
0x96: {  	_ =	strace s2  }
0x97: {  	_ =	strace $0x8FFFFFFF  }
0x98: {  	s18 =	sld [smem:$0x3FDB];
	_ =	sdelay $0x1  }
0x99: {  	s19 =	simm.s32 $_scs_section_size  }
0x9a: {  	s4 =	simm.s32 $_size__tile_overlayer_lowered;
	s5 =	simm.s32 $_tile_overlayer_lowered  }
0x9b: {  	s22 =	simm.s32 $0x1BFF;
	s21 =	sshll.u32 s5, $0x1;
	s2 =	sadd.s32 s19, s18  }
0x9c: {  	s6 =	simm.s32 $0x0;
	s20 =	sshll.u32 s4, $0x1;
	s4 =	sadd.s32 s21, s2  }
0x9d: {  	[timem:s6], [sflag:s22] =	dma.local [hbm:s4], s20  }
0x9e: {  	_ =	swait.ge [sflag:s22], s20  }
0x9f: {  	s3 =	ssub.s32 $0x0, s20;
	[sflag:s22] =	ssyncset.done $0x0  }
0xa0: {  	[sflag:s22] =	ssyncadd.s32 s3;
	_ =	sdelay $0x1  }
0xa1: {  	s23 =	simm.s32 $0x1B8B  }
0xa2: {  	_ =	swait.ge [sflag:s23], $0x1  }
0xa3: {  	[sflag:s23] =	ssyncset.done $0x0  }
0xa4: {  	s25 =	simm.s32 $0x1B8E;
	s24 =	sld [smem:$0x3FFE];
	[sflag:s23] =	ssyncadd.s32 $0xFFFFFFFF  }
0xa5: {  	s26 =	simm.s32 $execute0_lowered;
	[smem:$0x3FD2] =	sst s25  }
0xa6: {  	s4 =	sshll.u32 s26, $0x1;
	_ =	strace $0x80000055;
	[dreg:$0x1] =	wrdreg $0xFFFFFFFF  }
0xa7: {  	s28 =	simm.s32 $_size_execute0_lowered;
	s2 =	sadd.s32 s2, s4;
	[dreg:$0x0] =	wrdreg $0x0  }
0xa8: {  	s4 =	sshll.u32 s28, $0x1;
	[dreg:$0x2] =	wrdreg s2  }
0xa9: {  	[dreg:$0x3] =	wrdreg s4  }
0xaa: {  	[dreg:$0x4] =	wrdreg $0xC0  }
0xab: {  	_ =	task [dreg:s6], $0x5FFFF  }
0xac: {  	[dreg:$0x1] =	wrdreg $0xFFFFFFFF  }
0xad: {  	[dreg:$0x0] =	wrdreg $0x60  }
0xae: {  	[dreg:$0x2] =	wrdreg s24  }
0xaf: {  	[dreg:$0x3] =	wrdreg $0x9  }
0xb0: {  	_ =	task.clear_ibuf [dreg:s6], $0x4FFFF;
	_ =	strace $0x90000055  }
0xb1: {  	s29 =	simm.s32 $0x9;
	_ =	strace $0x80000057  }
0xb2: {  	_ =	swait.ge [sflag:s29], $0x1  }
0xb3: {  	[sflag:s29] =	ssyncadd.s32 $0xFFFFFFFF  }
0xb4: {  	_ =	strace $0x90000057  }
0xb5: {  	_ =	sfence  }
0xb6: {  	s30 =	sld [smem:$0x0];
	_ =	sdelay $0x2  }
0xb7: {  	s31 =	sshll.u32 s1, $0xD;
	s1 =	sshrl.u32 s1, $0x2  }
0xb8: {  	s3 =	sand.u32 $0x4000, s31;
	s1 =	sadd.s32 s1, s30  }
0xb9: {  	s0 =	sor.u32 s3, s0;
	s1 =	sshll.u32 s1, $0x11  }
0xba: {  	s0 =	sor.u32 s1, s0  }
0xbb: {  	s0 =	sadd.s32 $0x8F2B, s0  }
0xbc: {  	[sflag:s0] =	ssyncadd.remote.s32 $0x1  }
0xbd: {  	_ =	sfence.sel $0xFFFF  }
0xbe: {  	[dreg:$0x0] =	wrdreg $0xFFFFFFFF;
	(pc) =	sbr.abs _section_cstart, $3  }
0xbf: {  	[dreg:$0x1] =	wrdreg $0xFFFFFFFF  }
0xc0: {  	_ =	task.clear_ibuf [dreg:s6], $0x2FFFF;
	_ =	strace $0x9FFFFFFF  }
0xc1: {  	(tm) =	ssettm $0x7FFFFFFF  }
tec
execute0_lowered:
.L_overlay_start_1:
0x0: {  	(tag) =	ssettag $0x1  }
0x1: {  	s1 =	srdreg.scid  }
0x2: {  	s0 =	stileid.u32;
	s2 =	rddreg [dreg:$0x0];
	s6 =	simm.s32 $0x1  }
0x3: {  	s9 =	simm.s32 $0x1;
	s10 =	simm.s32 $0x3;
	s1 =	sshll.u32 s1, $0x7  }
0x4: {  	s13 =	simm.s32 $0x0;
	s3 =	sshll.u32 s0, $0x8;
	s4 =	sand.u32 $0x80, s1  }
0x5: {  	s12 =	simm.s32 $0x0;
	s5 =	sadd.s32 $0x14200, s2;
	s3 =	sor.u32 s3, s4  }
0x6: {  	s1 =	rddreg [dreg:$0x1];
	_ =	strace $0x80000056;
	s8 =	ssub.s32 $0x2000, s3  }
.Ltmp0:
0x7: {  	s4 =	sadd.s32 $0x14600, s2;
	s7 =	sand.u32 $0xF80, s8;
	(pc) =	sbr.rel .LBB2_1-.Ltmp0, $4  }
0x8: {  	[sflag:s6] =	ssyncpa.u1 $0x0;
	s11 =	smov.u32 s3;
	p0 =	sne.s32 s7, $0x0  }
0x9: {  	s8 =	sshrl.u32 s8, $0xC;
	s7 =	simm.s32 $0x2;
	s9 =	simm.s32 @!p0 $0x0  }
0xa: {  	[sflag:s7] =	ssyncpa.u1 $0x0;
	p0 =	por $0x0, $0x0;
	s8 =	sadd.s32 s9, s8  }
0xb: {  	vm0 =	vmmov $0xffff;
	[sflag:s10] =	ssyncpa.u1 $0x0;
	s10 =	simm.s32 $0x0;
	s9 =	sadd.s32 $0x1, s8  }
.LBB2_4:
0xc: {  	v2 =	vnsel vm1, $0x0, v2  }
0xd: {  	vm1 =	vgt.s32 v0, $0x0;
	v2 =	vmin.u32 v2, $0x4E1FF  }
0xe: {  	v0 =	vnsel vm1, $0x0, v0  }
0xf: {  	v0 =	vmin.u32 v0, $0x4E1FF  }
0x10: {  	[tilespmem:s15], [sflag:$0x1] =	stream.indirect_vreg.gather [hbm4b:s2+s10], $0x1, v1, vm0, $0x4038;
	[tilespmem:$0x200] =	vst v63  }
0x11: {  	(ifvalue) =	ssetifvalue $0x7FFFFFFF  }
0x12: {  	[tilespmem:s16], [sflag:$0x1] =	stream.indirect_vreg.gather [hbm4b:s2+s10], $0x1, v2, vm0, $0x4038;
	[tilespmem:$0x200] =	vst v63  }
0x13: {  	s29 =	sadd.s32 $0x10, s16;
	(ifvalue) =	ssetifvalue $0x7FFFFFFF  }
0x14: {  	[tilespmem:s29], [sflag:$0x1] =	stream.indirect_vreg.gather [hbm4b:s2+s10], $0x1, v0, vm0, $0x4038;
	[tilespmem:$0x200] =	vst v63  }
0x15: {  	_ =	swait.ge [sflag:s6], $0x80  }
0x16: {  	s30 =	sshrl.u32 s13, $0x3;
	[sflag:s6] =	ssyncset.done $0x0  }
0x17: {  	s31 =	sand.u32 $0x7, s13;
	s15 =	sadd.s32 s5, s30;
	[sflag:s6] =	ssyncadd.s32 $0xFFFFFF80  }
0x18: {  	[hbm4b:s15+s31] =	stream.linear.scatter [tilespmem:s14], [sflag:$0x3], $0x80, $0x38;
	[tilespmem:$0x200] =	vst v63  }
.LBB2_5:
0x19: {  	s15 =	sadd.s32 $0x1000, s11  }
0x1a: {  	p2 =	sgt.s32 s15, $0x1FFF  }
0x1b: {  	s15 =	smov.u32 @p2 s3;
	p2 =	sne.s32 s12, s9  }
.Ltmp1:
0x1c: {  	p1 =	slt.u32 s12, $0x2;
	(pc) =	sbr.rel @!p2 .LBB2_6-.Ltmp1, $4  }
0x1d: {  	s14 =	simm.s32 @!p1 $0x3  }
0x1e: {  	s16 =	sadd.s32 $0x1, s12;
	_ =	swait.ge @!p1 [sflag:s14], $0x80  }
0x1f: {  	s13 =	smov.u32 s11;
	p0 =	por !p0, !p0;
	[sflag:s14] =	ssyncset.done @!p1 $0x0  }
0x20: {  	s12 =	smov.u32 s16;
	s11 =	smov.u32 s15;
	[sflag:s14] =	ssyncadd.s32 @!p1 $0xFFFFFF80  }
.LBB2_1:
0x21: {  	p1 =	sge.u32 s12, s8  }
0x22: {  	s14 =	sxor.u32 @!p1 $0xFFFFFFFF, s12  }
0x23: {  	s31 =	sadd.s32 $0xFFFFFFFF, s12;
	s15 =	sshrl.u32 @!p1 s11, $0x3;
	s14 =	sshll.u32 @!p1 s14, $0x7  }
0x24: {  	s16 =	sand.u32 @!p1 $0x7, s11;
	s15 =	sadd.s32 @!p1 s4, s15;
	s14 =	sand.u32 @!p1 $0x80, s14  }
0x25: {  	[tilespmem:s14], [sflag:$0x2] =	stream.linear.gather @!p1 [hbm4b:s15+s16], $0x80, $0x38;
	[tilespmem:$0x200] =	vst v63  }
0x26: {  	p1 =	sge.u32 s31, s8  }
.Ltmp2:
0x27: {  	_ = 	snop;
	(pc) =	sbr.rel @p1 .LBB2_5-.Ltmp2, $1  }
0x28: {  	_ =	sdelay $0x3  }
0x29: {  	s14 =	simm.s32 $0x1  }
0x2a: {  	_ =	swait.ge [sflag:s7], $0x80;
	s14 =	simm.s32 @!p0 $0x0  }
0x2b: {  	[sflag:s7] =	ssyncset.done $0x0;
	s14 =	sshll.u32 s14, $0x7  }
0x2c: {  	[sflag:s7] =	ssyncadd.s32 $0xFFFFFF80;
	(ifvalue) =	ssetifvalue $0x7FFFFFFF;
	v0 =	vld.msk [tilespmem:s14+$0x0 ss:$0x1], $0xffff;
	_ =	sdelay $0x4  }
0x2d: {  	s15 =	sadd.s32 $0x10, s14;
	vm1 =	vgt.s32 v0, $0x0  }
0x2e: {  	v2 =	vld.msk [tilespmem:s15+$0x0 ss:$0x1], $0xffff;
	v1 =	vnsel vm1, $0x0, v0  }
0x2f: {  	v1 =	vmin.u32 v1, $0x4E1FF;
	_ =	sdelay $0x1  }
0x30: {  	s16 =	sshll.u32 s12, $0x7;
	s18 =	simm.s32 $0x20  }
0x31: {  	s16 =	sand.u32 $0x80, s16;
	s17 =	sadd.s32 $0x10, s15;
	s15 =	sor.u32 $0x100, s14  }
0x32: {  	s14 =	sor.u32 $0x100, s16;
	s16 =	sadd.s32 $0x10, s15;
	v0 =	vld.msk [tilespmem:s17+$0x0 ss:$0x1], $0xffff;
	vm1 =	vgt.s32 v2, $0x0;
	(ifvalue) =	ssetifvalue $0x7FFFFFFF  }
.LBB2_3:
0x33: {  	[tilespmem:s15], [sflag:$0x1] =	stream.indirect_vreg.gather [hbm4b:s2+s10], $0x1, v1, vm0, $0x4038;
	[tilespmem:$0x200] =	vst v63  }
0x34: {  	s18 =	sadd.s32 $0x10, s18  }
0x35: {  	v2 =	vnsel vm1, $0x0, v2;
	p1 =	slt.u32 s18, $0x70  }
.Ltmp3:
0x36: {  	s15 =	smov.u32 s16;
	v1 =	vmin.u32 v2, $0x4E1FF;
	(pc) =	sbr.rel @p1 .LBB2_3-.Ltmp3, $3  }
0x37: {  	_ =	sdelay $0x1  }
0x38: {  	s17 =	sadd.s32 $0x10, s17  }
0x39: {  	vm1 =	vgt.s32 v0, $0x0;
	s16 =	sadd.s32 $0x10, s16;
	v2 =	vmov v0;
	(ifvalue) =	ssetifvalue $0x7FFFFFFF;
	v0 =	vld.msk [tilespmem:s17+$0x0 ss:$0x1], $0xffff  }
.Ltmp4:
0x3a: {  	_ = 	snop;
	(pc) =	sbr.rel .LBB2_4-.Ltmp4, $1  }
0x3b: {  	_ =	sdelay $0x3  }
.LBB2_6:
0x3c: {  	_ =	sfence.sel $0x180000  }
0x3d: {  	s2 =	simm.s32 $0x2;
	[bflag:$0x0] =	sbarrier.arrive $0xFFFF  }
0x3e: {  	s30 =	simm.s32 $0x3;
	[sflag:s2] =	ssyncpa.u1 $0x1  }
0x3f: {  	s31 =	simm.s32 $0x1;
	[sflag:s30] =	ssyncpa.u1 $0x1  }
0x40: {  	[sflag:s31] =	ssyncpa.u1 $0x1  }
0x41: {  	p0 =	sne.s32 s0, $0x0;
	_ =	strace $0x90000056  }
0x42: {  	s0 =	sadd.s32 @!p0 $0x100000, s1;
	[bflag:$0x2] =	sbarrier.arrive $0xFFFF  }
0x43: {  	[sflag:s0] =	ssyncadd.tile.s32 @!p0 $0x1;
	_ =	shalt  }
.Lfunc_end2:
_tile_overlayer_lowered:
.L_overlay_start_2:
0x44: {  	(tag) =	ssettag $0x2  }
0x45: {  	s0 =	rddreg [dreg:$0x0];
	s2 =	stileid.u32  }
0x46: {  	s1 =	rddreg [dreg:$0x1];
	p0 =	sne.s32 s2, $0x0  }
0x47: {  	s3 =	rddreg [dreg:$0x2];
	[bflag:$0x3] =	sbarrier.arrive $0xFFFF;
	s2 =	simm.s32 @!p0 $0x1C01  }
0x48: {  	[timem:s3], [sflag:s2] =	dma.local @!p0 [hbm:s0], s1  }
0x49: {  	s0 =	simm.s32 @!p0 $0x1  }
0x4a: {  	_ =	swait.ge @!p0 [sflag:s0], s1  }
0x4b: {  	s1 =	ssub.s32 @!p0 $0x0, s1;
	[sflag:s0] =	ssyncset.done @!p0 $0x0  }
0x4c: {  	[sflag:s0] =	ssyncadd.s32 @!p0 s1  }
0x4d: {  	[bflag:$0x3] =	sbarrier.arrive $0xFFFF  }
0x4e: {  	_ =	shalt  }

// kernel: gather_offload_async_start.4
scs
__scs_entry_jumppad:
0x0: {  	(pc) =	sbr.rel $0x88, $3  }
0x1: {  	(tag) =	ssettag $0x0;
	lr =	simm.s32 $0x1  }
0x2: {  	[smem:$0x3F97] =	sst lr;
	_ =	strace $0xD0000000  }
0x3: {  	_ = 	snop  }
0x4: {  	_ = 	snop  }
0x5: {  	_ = 	snop  }
0x6: {  	_ = 	snop  }
0x7: {  	_ = 	snop  }
__scs_overlays_trampoline_lowered:
0x8: {  	[smem:$0x3FA6] =	sst s0  }
0x9: {  	[smem:$0x3FA7] =	sst s1  }
0xa: {  	[smem:$0x3FA8] =	sst s2  }
0xb: {  	[smem:$0x3FA9] =	sst s3  }
0xc: {  	[smem:$0x3FAA] =	sst s4  }
0xd: {  	[smem:$0x3FAB] =	sst s5  }
0xe: {  	[smem:$0x3FAC] =	sst s6  }
0xf: {  	[smem:$0x3FAD] =	sst s7  }
0x10: {  	[smem:$0x3FAE] =	sst s8  }
0x11: {  	[smem:$0x3FAF] =	sst s9;
	s0 =	simm.s32 @!p0 $0x0  }
0x12: {  	s1 =	sld [smem:$0x3F95];
	s0 =	simm.s32 @p0 $0x1  }
0x13: {  	[smem:$0x3FB0] =	sst s0;
	s0 =	simm.s32 @!p1 $0x0  }
0x14: {  	s2 =	sld [smem:$0x3F94];
	s0 =	simm.s32 @p1 $0x1  }
0x15: {  	[smem:$0x3FB1] =	sst s0;
	s0 =	simm.s32 @!p2 $0x0  }
0x16: {  	s3 =	sld [smem:$0x3FDB];
	s0 =	simm.s32 @p2 $0x1  }
0x17: {  	s4 =	simm.s32 $0x1BF5;
	[smem:$0x3FB3] =	sst s0  }
0x18: {  	s0 =	sld [smem:$0x3F96];
	_ =	swait.ge [sflag:s4], $0x0  }
0x19: {  	s7 =	sld [smem:$0x3F97]  }
0x1a: {  	s8 =	sadd.s32 $0xFFFFE003, lr  }
0x1b: {  	s9 =	sadd.s32 $0xFFFFFEF7, lr;
	s5 =	simm.s32 $0xFFFFFFFF;
	p2 =	slt.u32 s8, $0xFFFFF086  }
0x1c: {  	p1 =	slt.u32 s9, $0xF7A;
	s5 =	simm.s32 @!p2 $0x0  }
0x1d: {  	s5 =	simm.s32 @p1 $0x1;
	p0 =	seq.s32 s7, s2  }
0x1e: {  	s7 =	smul.u32 @!p0 $0xF7A, s2;
	p2 =	seq.s32 @!p0 s5, $0x0  }
0x1f: {  	s9 =	smul.u32 $0xF7A, s1;
	s8 =	simm.s32 @!p0 $0x1BF5;
	p2 =	por !p2, p0  }
0x20: {  	[sflag:s8] =	ssyncset.s32 @!p0 $0xFFFFF086;
	s6 =	sadd.s32 @!p0 s3, s7;
	s7 =	simm.s32 @!p0 $0x108  }
0x21: {  	s3 =	sadd.s32 s3, s9;
	s6 =	sadd.s32 @!p0 $0x88, s6;
	s7 =	simm.s32 @p2 $0x1082  }
0x22: {  	[simem:s7], [sflag:s8] =	dma.local @!p0 [hbm:s6], $0xF7A  }
0x23: {  	s9 =	sor.u32 $0xD0000000, s2;
	s6 =	simm.s32 $0x108;
	_ =	swait.ge @!p0 [sflag:s8], $0x0  }
0x24: {  	s3 =	sadd.s32 $0x88, s3;
	s6 =	simm.s32 @!p1 $0x1082;
	[sflag:s4] =	ssyncset.s32 $0xFFFFF086  }
0x25: {  	[simem:s6], [sflag:s4] =	dma.local [hbm:s3], $0xF7A  }
0x26: {  	[smem:$0x3F97] =	sst s1;
	(tag) =	ssettag s2;
	_ =	strace s9  }
0x27: {  	s1 =	sld [smem:$0x3FA7]  }
0x28: {  	s2 =	sld [smem:$0x3FA8]  }
0x29: {  	s4 =	sld [smem:$0x3FAA]  }
0x2a: {  	p0 =	seq.s32 s5, $0x0;
	s5 =	sld [smem:$0x3FAB]  }
0x2b: {  	s6 =	sld [smem:$0x3FAC]  }
0x2c: {  	s7 =	sld [smem:$0x3FAD]  }
0x2d: {  	s3 =	simm.s32 $0x108;
	s8 =	sld [smem:$0x3FAE]  }
0x2e: {  	s3 =	simm.s32 @!p0 $0x1082;
	s9 =	sld [smem:$0x3FAF]  }
0x2f: {  	lr =	sadd.s32 s0, s3;
	s0 =	sld [smem:$0x3FA6]  }
0x30: {  	s3 =	sld [smem:$0x3FA9]  }
0x31: {  	[smem:$0x3FB2] =	sst s10  }
0x32: {  	s10 =	sld [smem:$0x3FB0];
	_ =	sdelay $0x3  }
0x33: {  	p0 =	seq.s32 s10, $0x1;
	s10 =	sld [smem:$0x3FB2];
	_ =	sdelay $0x3  }
0x34: {  	[smem:$0x3FB2] =	sst s10  }
0x35: {  	s10 =	sld [smem:$0x3FB1];
	_ =	sdelay $0x3  }
0x36: {  	p1 =	seq.s32 s10, $0x1;
	s10 =	sld [smem:$0x3FB2];
	_ =	sdelay $0x3  }
0x37: {  	[smem:$0x3FB2] =	sst s10  }
0x38: {  	s10 =	sld [smem:$0x3FB3]  }
0x39: {  	_ = 	snop;
	(pc) =	sbr.ind lr, $3  }
0x3a: {  	_ = 	snop  }
0x3b: {  	_ = 	snop  }
0x3c: {  	p2 =	seq.s32 s10, $0x1;
	s10 =	sld [smem:$0x3FB2]  }
0x3d: {  	_ =	shalt  }
0x3e: {  	_ =	shalt  }
0x3f: {  	_ =	shalt  }
0x40: {  	_ =	shalt  }
0x41: {  	_ =	shalt  }
0x42: {  	_ =	shalt  }
0x43: {  	_ =	shalt  }
0x44: {  	_ =	shalt  }
0x45: {  	_ =	shalt  }
0x46: {  	_ =	shalt  }
0x47: {  	_ =	shalt  }
0x48: {  	_ =	shalt  }
0x49: {  	_ =	shalt  }
0x4a: {  	_ =	shalt  }
0x4b: {  	_ =	shalt  }
0x4c: {  	_ =	shalt  }
0x4d: {  	_ =	shalt  }
0x4e: {  	_ =	shalt  }
0x4f: {  	_ =	shalt  }
0x50: {  	_ =	shalt  }
0x51: {  	_ =	shalt  }
0x52: {  	_ =	shalt  }
0x53: {  	_ =	shalt  }
0x54: {  	_ =	shalt  }
0x55: {  	_ =	shalt  }
0x56: {  	_ =	shalt  }
0x57: {  	_ =	shalt  }
0x58: {  	_ =	shalt  }
0x59: {  	_ =	shalt  }
0x5a: {  	_ =	shalt  }
0x5b: {  	_ =	shalt  }
0x5c: {  	_ =	shalt  }
0x5d: {  	_ =	shalt  }
0x5e: {  	_ =	shalt  }
0x5f: {  	_ =	shalt  }
0x60: {  	_ =	shalt  }
0x61: {  	_ =	shalt  }
0x62: {  	_ =	shalt  }
0x63: {  	_ =	shalt  }
0x64: {  	_ =	shalt  }
0x65: {  	_ =	shalt  }
0x66: {  	_ =	shalt  }
0x67: {  	_ =	shalt  }
0x68: {  	_ =	shalt  }
0x69: {  	_ =	shalt  }
0x6a: {  	_ =	shalt  }
0x6b: {  	_ =	shalt  }
0x6c: {  	_ =	shalt  }
0x6d: {  	_ =	shalt  }
0x6e: {  	_ =	shalt  }
0x6f: {  	_ =	shalt  }
0x70: {  	_ =	shalt  }
0x71: {  	_ =	shalt  }
0x72: {  	_ =	shalt  }
0x73: {  	_ =	shalt  }
0x74: {  	_ =	shalt  }
0x75: {  	_ =	shalt  }
0x76: {  	_ =	shalt  }
0x77: {  	_ =	shalt  }
0x78: {  	_ =	shalt  }
0x79: {  	_ =	shalt  }
0x7a: {  	_ =	shalt  }
0x7b: {  	_ =	shalt  }
0x7c: {  	_ =	shalt  }
0x7d: {  	_ =	shalt  }
0x7e: {  	_ =	shalt  }
0x7f: {  	_ =	shalt  }
0x80: {  	_ =	shalt  }
0x81: {  	_ =	shalt  }
0x82: {  	_ =	shalt  }
0x83: {  	_ =	shalt  }
0x84: {  	_ =	shalt  }
0x85: {  	_ =	shalt  }
0x86: {  	_ =	shalt  }
0x87: {  	_ =	shalt  }
.Lfunc_end0:
.L_simem_size_0:
called_computation.8_lowered:
.L_overlay_start_0:
0x88: {  	s2 =	sld [smem:$0x3FD9]  }
0x89: {  	s3 =	sld [smem:$0x3FFE];
	_ =	sdelay $0x1  }
0x8a: {  	s1 =	srdreg.scid  }
0x8b: {  	s0 =	sand.u32 $0x1, s1  }
0x8c: {  	s16 =	sshll.u32 s0, $0xA;
	s2 =	sadd.s32 s3, s2  }
0x8d: {  	s2 =	sadd.s32 s2, s16  }
0x8e: {  	[smem:$0x3FBE] =	sst s2  }
0x8f: {  	_ = 	snop  }
0x90: {  	(tm) =	ssettm $0x1  }
0x91: {  	s17 =	sld [smem:$0x3FFB];
	_ =	sdelay $0x3  }
0x92: {  	_ =	strace s17  }
0x93: {  	s2 =	sld [smem:$0x3FFC];
	_ =	sdelay $0x3  }
0x94: {  	_ =	strace s2  }
0x95: {  	s2 =	sld [smem:$0x3FFD];
	_ =	sdelay $0x3  }
0x96: {  	_ =	strace s2  }
0x97: {  	_ =	strace $0x8FFFFFFF  }
0x98: {  	s18 =	sld [smem:$0x3FDB];
	_ =	sdelay $0x1  }
0x99: {  	s19 =	simm.s32 $_scs_section_size  }
0x9a: {  	s4 =	simm.s32 $_size__tile_overlayer_lowered;
	s5 =	simm.s32 $_tile_overlayer_lowered  }
0x9b: {  	s22 =	simm.s32 $0x1BFF;
	s21 =	sshll.u32 s5, $0x1;
	s2 =	sadd.s32 s19, s18  }
0x9c: {  	s6 =	simm.s32 $0x0;
	s20 =	sshll.u32 s4, $0x1;
	s4 =	sadd.s32 s21, s2  }
0x9d: {  	[timem:s6], [sflag:s22] =	dma.local [hbm:s4], s20  }
0x9e: {  	_ =	swait.ge [sflag:s22], s20  }
0x9f: {  	s3 =	ssub.s32 $0x0, s20;
	[sflag:s22] =	ssyncset.done $0x0  }
0xa0: {  	[sflag:s22] =	ssyncadd.s32 s3;
	_ =	sdelay $0x1  }
0xa1: {  	s23 =	simm.s32 $0x1B8B  }
0xa2: {  	_ =	swait.ge [sflag:s23], $0x1  }
0xa3: {  	[sflag:s23] =	ssyncset.done $0x0  }
0xa4: {  	s25 =	simm.s32 $0x1B8E;
	s24 =	sld [smem:$0x3FFE];
	[sflag:s23] =	ssyncadd.s32 $0xFFFFFFFF  }
0xa5: {  	s26 =	simm.s32 $execute0_lowered;
	[smem:$0x3FD2] =	sst s25  }
0xa6: {  	s4 =	sshll.u32 s26, $0x1;
	_ =	strace $0x80000064;
	[dreg:$0x1] =	wrdreg $0xFFFFFFFF  }
0xa7: {  	s28 =	simm.s32 $_size_execute0_lowered;
	s2 =	sadd.s32 s2, s4;
	[dreg:$0x0] =	wrdreg $0x0  }
0xa8: {  	s4 =	sshll.u32 s28, $0x1;
	[dreg:$0x2] =	wrdreg s2  }
0xa9: {  	[dreg:$0x3] =	wrdreg s4  }
0xaa: {  	[dreg:$0x4] =	wrdreg $0xC0  }
0xab: {  	_ =	task [dreg:s6], $0x5FFFF  }
0xac: {  	[dreg:$0x1] =	wrdreg $0xFFFFFFFF  }
0xad: {  	[dreg:$0x0] =	wrdreg $0x60  }
0xae: {  	[dreg:$0x2] =	wrdreg s24  }
0xaf: {  	[dreg:$0x3] =	wrdreg $0xA  }
0xb0: {  	_ =	task.clear_ibuf [dreg:s6], $0x4FFFF;
	_ =	strace $0x90000064  }
0xb1: {  	s29 =	simm.s32 $0xA;
	_ =	strace $0x80000066  }
0xb2: {  	_ =	swait.ge [sflag:s29], $0x1  }
0xb3: {  	[sflag:s29] =	ssyncadd.s32 $0xFFFFFFFF  }
0xb4: {  	_ =	strace $0x90000066  }
0xb5: {  	_ =	sfence  }
0xb6: {  	s30 =	sld [smem:$0x0];
	_ =	sdelay $0x2  }
0xb7: {  	s31 =	sshll.u32 s1, $0xD;
	s1 =	sshrl.u32 s1, $0x2  }
0xb8: {  	s3 =	sand.u32 $0x4000, s31;
	s1 =	sadd.s32 s1, s30  }
0xb9: {  	s0 =	sor.u32 s3, s0;
	s1 =	sshll.u32 s1, $0x11  }
0xba: {  	s0 =	sor.u32 s1, s0  }
0xbb: {  	s0 =	sadd.s32 $0x8F2B, s0  }
0xbc: {  	[sflag:s0] =	ssyncadd.remote.s32 $0x1  }
0xbd: {  	_ =	sfence.sel $0xFFFF  }
0xbe: {  	[dreg:$0x0] =	wrdreg $0xFFFFFFFF;
	(pc) =	sbr.abs _section_cstart, $3  }
0xbf: {  	[dreg:$0x1] =	wrdreg $0xFFFFFFFF  }
0xc0: {  	_ =	task.clear_ibuf [dreg:s6], $0x2FFFF;
	_ =	strace $0x9FFFFFFF  }
0xc1: {  	(tm) =	ssettm $0x7FFFFFFF  }
tec
execute0_lowered:
.L_overlay_start_1:
0x0: {  	(tag) =	ssettag $0x1  }
0x1: {  	s1 =	srdreg.scid  }
0x2: {  	s0 =	stileid.u32;
	s2 =	rddreg [dreg:$0x0];
	s6 =	simm.s32 $0x1  }
0x3: {  	s9 =	simm.s32 $0x1;
	s10 =	simm.s32 $0x3;
	s1 =	sshll.u32 s1, $0x7  }
0x4: {  	s13 =	simm.s32 $0x0;
	s3 =	sshll.u32 s0, $0x8;
	s4 =	sand.u32 $0x80, s1  }
0x5: {  	s12 =	simm.s32 $0x0;
	s5 =	sadd.s32 $0x13E00, s2;
	s3 =	sor.u32 s3, s4  }
0x6: {  	s1 =	rddreg [dreg:$0x1];
	_ =	strace $0x80000065;
	s8 =	ssub.s32 $0x2000, s3  }
.Ltmp0:
0x7: {  	s4 =	sadd.s32 $0x14200, s2;
	s7 =	sand.u32 $0xF80, s8;
	(pc) =	sbr.rel .LBB2_1-.Ltmp0, $4  }
0x8: {  	[sflag:s6] =	ssyncpa.u1 $0x0;
	s11 =	smov.u32 s3;
	p0 =	sne.s32 s7, $0x0  }
0x9: {  	s8 =	sshrl.u32 s8, $0xC;
	s7 =	simm.s32 $0x2;
	s9 =	simm.s32 @!p0 $0x0  }
0xa: {  	[sflag:s7] =	ssyncpa.u1 $0x0;
	p0 =	por $0x0, $0x0;
	s8 =	sadd.s32 s9, s8  }
0xb: {  	vm0 =	vmmov $0xffff;
	[sflag:s10] =	ssyncpa.u1 $0x0;
	s10 =	simm.s32 $0x0;
	s9 =	sadd.s32 $0x1, s8  }
.LBB2_4:
0xc: {  	v2 =	vnsel vm1, $0x0, v2  }
0xd: {  	vm1 =	vgt.s32 v0, $0x0;
	v2 =	vmin.u32 v2, $0x1FFF  }
0xe: {  	v0 =	vnsel vm1, $0x0, v0  }
0xf: {  	v0 =	vmin.u32 v0, $0x1FFF  }
0x10: {  	[tilespmem:s15], [sflag:$0x1] =	stream.indirect_vreg.gather [hbm4b:s2+s10], $0x1, v1, vm0, $0x4038;
	[tilespmem:$0x200] =	vst v63  }
0x11: {  	(ifvalue) =	ssetifvalue $0x7FFFFFFF  }
0x12: {  	[tilespmem:s16], [sflag:$0x1] =	stream.indirect_vreg.gather [hbm4b:s2+s10], $0x1, v2, vm0, $0x4038;
	[tilespmem:$0x200] =	vst v63  }
0x13: {  	s29 =	sadd.s32 $0x10, s16;
	(ifvalue) =	ssetifvalue $0x7FFFFFFF  }
0x14: {  	[tilespmem:s29], [sflag:$0x1] =	stream.indirect_vreg.gather [hbm4b:s2+s10], $0x1, v0, vm0, $0x4038;
	[tilespmem:$0x200] =	vst v63  }
0x15: {  	_ =	swait.ge [sflag:s6], $0x80  }
0x16: {  	s30 =	sshrl.u32 s13, $0x3;
	[sflag:s6] =	ssyncset.done $0x0  }
0x17: {  	s31 =	sand.u32 $0x7, s13;
	s15 =	sadd.s32 s5, s30;
	[sflag:s6] =	ssyncadd.s32 $0xFFFFFF80  }
0x18: {  	[hbm4b:s15+s31] =	stream.linear.scatter [tilespmem:s14], [sflag:$0x3], $0x80, $0x38;
	[tilespmem:$0x200] =	vst v63  }
.LBB2_5:
0x19: {  	s15 =	sadd.s32 $0x1000, s11  }
0x1a: {  	p2 =	sgt.s32 s15, $0x1FFF  }
0x1b: {  	s15 =	smov.u32 @p2 s3;
	p2 =	sne.s32 s12, s9  }
.Ltmp1:
0x1c: {  	p1 =	slt.u32 s12, $0x2;
	(pc) =	sbr.rel @!p2 .LBB2_6-.Ltmp1, $4  }
0x1d: {  	s14 =	simm.s32 @!p1 $0x3  }
0x1e: {  	s16 =	sadd.s32 $0x1, s12;
	_ =	swait.ge @!p1 [sflag:s14], $0x80  }
0x1f: {  	s13 =	smov.u32 s11;
	p0 =	por !p0, !p0;
	[sflag:s14] =	ssyncset.done @!p1 $0x0  }
0x20: {  	s12 =	smov.u32 s16;
	s11 =	smov.u32 s15;
	[sflag:s14] =	ssyncadd.s32 @!p1 $0xFFFFFF80  }
.LBB2_1:
0x21: {  	p1 =	sge.u32 s12, s8  }
0x22: {  	s14 =	sxor.u32 @!p1 $0xFFFFFFFF, s12  }
0x23: {  	s31 =	sadd.s32 $0xFFFFFFFF, s12;
	s15 =	sshrl.u32 @!p1 s11, $0x3;
	s14 =	sshll.u32 @!p1 s14, $0x7  }
0x24: {  	s16 =	sand.u32 @!p1 $0x7, s11;
	s15 =	sadd.s32 @!p1 s4, s15;
	s14 =	sand.u32 @!p1 $0x80, s14  }
0x25: {  	[tilespmem:s14], [sflag:$0x2] =	stream.linear.gather @!p1 [hbm4b:s15+s16], $0x80, $0x38;
	[tilespmem:$0x200] =	vst v63  }
0x26: {  	p1 =	sge.u32 s31, s8  }
.Ltmp2:
0x27: {  	_ = 	snop;
	(pc) =	sbr.rel @p1 .LBB2_5-.Ltmp2, $1  }
0x28: {  	_ =	sdelay $0x3  }
0x29: {  	s14 =	simm.s32 $0x1  }
0x2a: {  	_ =	swait.ge [sflag:s7], $0x80;
	s14 =	simm.s32 @!p0 $0x0  }
0x2b: {  	[sflag:s7] =	ssyncset.done $0x0;
	s14 =	sshll.u32 s14, $0x7  }
0x2c: {  	[sflag:s7] =	ssyncadd.s32 $0xFFFFFF80;
	(ifvalue) =	ssetifvalue $0x7FFFFFFF;
	v0 =	vld.msk [tilespmem:s14+$0x0 ss:$0x1], $0xffff;
	_ =	sdelay $0x4  }
0x2d: {  	s15 =	sadd.s32 $0x10, s14;
	vm1 =	vgt.s32 v0, $0x0  }
0x2e: {  	v2 =	vld.msk [tilespmem:s15+$0x0 ss:$0x1], $0xffff;
	v1 =	vnsel vm1, $0x0, v0  }
0x2f: {  	v1 =	vmin.u32 v1, $0x1FFF;
	_ =	sdelay $0x1  }
0x30: {  	s16 =	sshll.u32 s12, $0x7;
	s18 =	simm.s32 $0x20  }
0x31: {  	s16 =	sand.u32 $0x80, s16;
	s17 =	sadd.s32 $0x10, s15;
	s15 =	sor.u32 $0x100, s14  }
0x32: {  	s14 =	sor.u32 $0x100, s16;
	s16 =	sadd.s32 $0x10, s15;
	v0 =	vld.msk [tilespmem:s17+$0x0 ss:$0x1], $0xffff;
	vm1 =	vgt.s32 v2, $0x0;
	(ifvalue) =	ssetifvalue $0x7FFFFFFF  }
.LBB2_3:
0x33: {  	[tilespmem:s15], [sflag:$0x1] =	stream.indirect_vreg.gather [hbm4b:s2+s10], $0x1, v1, vm0, $0x4038;
	[tilespmem:$0x200] =	vst v63  }
0x34: {  	s18 =	sadd.s32 $0x10, s18  }
0x35: {  	v2 =	vnsel vm1, $0x0, v2;
	p1 =	slt.u32 s18, $0x70  }
.Ltmp3:
0x36: {  	s15 =	smov.u32 s16;
	v1 =	vmin.u32 v2, $0x1FFF;
	(pc) =	sbr.rel @p1 .LBB2_3-.Ltmp3, $3  }
0x37: {  	_ =	sdelay $0x1  }
0x38: {  	s17 =	sadd.s32 $0x10, s17  }
0x39: {  	vm1 =	vgt.s32 v0, $0x0;
	s16 =	sadd.s32 $0x10, s16;
	v2 =	vmov v0;
	(ifvalue) =	ssetifvalue $0x7FFFFFFF;
	v0 =	vld.msk [tilespmem:s17+$0x0 ss:$0x1], $0xffff  }
.Ltmp4:
0x3a: {  	_ = 	snop;
	(pc) =	sbr.rel .LBB2_4-.Ltmp4, $1  }
0x3b: {  	_ =	sdelay $0x3  }
.LBB2_6:
0x3c: {  	_ =	sfence.sel $0x180000  }
0x3d: {  	s2 =	simm.s32 $0x2;
	[bflag:$0x0] =	sbarrier.arrive $0xFFFF  }
0x3e: {  	s30 =	simm.s32 $0x3;
	[sflag:s2] =	ssyncpa.u1 $0x1  }
0x3f: {  	s31 =	simm.s32 $0x1;
	[sflag:s30] =	ssyncpa.u1 $0x1  }
0x40: {  	[sflag:s31] =	ssyncpa.u1 $0x1  }
0x41: {  	p0 =	sne.s32 s0, $0x0;
	_ =	strace $0x90000065  }
0x42: {  	s0 =	sadd.s32 @!p0 $0x100000, s1;
	[bflag:$0x2] =	sbarrier.arrive $0xFFFF  }
0x43: {  	[sflag:s0] =	ssyncadd.tile.s32 @!p0 $0x1;
	_ =	shalt  }
.Lfunc_end2:
_tile_overlayer_lowered:
.L_overlay_start_2:
0x44: {  	(tag) =	ssettag $0x2  }
0x45: {  	s0 =	rddreg [dreg:$0x0];
	s2 =	stileid.u32  }
0x46: {  	s1 =	rddreg [dreg:$0x1];
	p0 =	sne.s32 s2, $0x0  }
0x47: {  	s3 =	rddreg [dreg:$0x2];
	[bflag:$0x3] =	sbarrier.arrive $0xFFFF;
	s2 =	simm.s32 @!p0 $0x1C01  }
0x48: {  	[timem:s3], [sflag:s2] =	dma.local @!p0 [hbm:s0], s1  }
0x49: {  	s0 =	simm.s32 @!p0 $0x1  }
0x4a: {  	_ =	swait.ge @!p0 [sflag:s0], s1  }
0x4b: {  	s1 =	ssub.s32 @!p0 $0x0, s1;
	[sflag:s0] =	ssyncset.done @!p0 $0x0  }
0x4c: {  	[sflag:s0] =	ssyncadd.s32 @!p0 s1  }
0x4d: {  	[bflag:$0x3] =	sbarrier.arrive $0xFFFF  }
0x4e: {  	_ =	shalt  }

// kernel: gather_offload_async_start
scs
__scs_entry_jumppad:
0x0: {  	(pc) =	sbr.rel $0x88, $3  }
0x1: {  	(tag) =	ssettag $0x0;
	lr =	simm.s32 $0x1  }
0x2: {  	[smem:$0x3F97] =	sst lr;
	_ =	strace $0xD0000000  }
0x3: {  	_ = 	snop  }
0x4: {  	_ = 	snop  }
0x5: {  	_ = 	snop  }
0x6: {  	_ = 	snop  }
0x7: {  	_ = 	snop  }
__scs_overlays_trampoline_lowered:
0x8: {  	[smem:$0x3FA6] =	sst s0  }
0x9: {  	[smem:$0x3FA7] =	sst s1  }
0xa: {  	[smem:$0x3FA8] =	sst s2  }
0xb: {  	[smem:$0x3FA9] =	sst s3  }
0xc: {  	[smem:$0x3FAA] =	sst s4  }
0xd: {  	[smem:$0x3FAB] =	sst s5  }
0xe: {  	[smem:$0x3FAC] =	sst s6  }
0xf: {  	[smem:$0x3FAD] =	sst s7  }
0x10: {  	[smem:$0x3FAE] =	sst s8  }
0x11: {  	[smem:$0x3FAF] =	sst s9;
	s0 =	simm.s32 @!p0 $0x0  }
0x12: {  	s1 =	sld [smem:$0x3F95];
	s0 =	simm.s32 @p0 $0x1  }
0x13: {  	[smem:$0x3FB0] =	sst s0;
	s0 =	simm.s32 @!p1 $0x0  }
0x14: {  	s2 =	sld [smem:$0x3F94];
	s0 =	simm.s32 @p1 $0x1  }
0x15: {  	[smem:$0x3FB1] =	sst s0;
	s0 =	simm.s32 @!p2 $0x0  }
0x16: {  	s3 =	sld [smem:$0x3FDB];
	s0 =	simm.s32 @p2 $0x1  }
0x17: {  	s4 =	simm.s32 $0x1BF5;
	[smem:$0x3FB3] =	sst s0  }
0x18: {  	s0 =	sld [smem:$0x3F96];
	_ =	swait.ge [sflag:s4], $0x0  }
0x19: {  	s7 =	sld [smem:$0x3F97]  }
0x1a: {  	s8 =	sadd.s32 $0xFFFFE003, lr  }
0x1b: {  	s9 =	sadd.s32 $0xFFFFFEF7, lr;
	s5 =	simm.s32 $0xFFFFFFFF;
	p2 =	slt.u32 s8, $0xFFFFF086  }
0x1c: {  	p1 =	slt.u32 s9, $0xF7A;
	s5 =	simm.s32 @!p2 $0x0  }
0x1d: {  	s5 =	simm.s32 @p1 $0x1;
	p0 =	seq.s32 s7, s2  }
0x1e: {  	s7 =	smul.u32 @!p0 $0xF7A, s2;
	p2 =	seq.s32 @!p0 s5, $0x0  }
0x1f: {  	s9 =	smul.u32 $0xF7A, s1;
	s8 =	simm.s32 @!p0 $0x1BF5;
	p2 =	por !p2, p0  }
0x20: {  	[sflag:s8] =	ssyncset.s32 @!p0 $0xFFFFF086;
	s6 =	sadd.s32 @!p0 s3, s7;
	s7 =	simm.s32 @!p0 $0x108  }
0x21: {  	s3 =	sadd.s32 s3, s9;
	s6 =	sadd.s32 @!p0 $0x88, s6;
	s7 =	simm.s32 @p2 $0x1082  }
0x22: {  	[simem:s7], [sflag:s8] =	dma.local @!p0 [hbm:s6], $0xF7A  }
0x23: {  	s9 =	sor.u32 $0xD0000000, s2;
	s6 =	simm.s32 $0x108;
	_ =	swait.ge @!p0 [sflag:s8], $0x0  }
0x24: {  	s3 =	sadd.s32 $0x88, s3;
	s6 =	simm.s32 @!p1 $0x1082;
	[sflag:s4] =	ssyncset.s32 $0xFFFFF086  }
0x25: {  	[simem:s6], [sflag:s4] =	dma.local [hbm:s3], $0xF7A  }
0x26: {  	[smem:$0x3F97] =	sst s1;
	(tag) =	ssettag s2;
	_ =	strace s9  }
0x27: {  	s1 =	sld [smem:$0x3FA7]  }
0x28: {  	s2 =	sld [smem:$0x3FA8]  }
0x29: {  	s4 =	sld [smem:$0x3FAA]  }
0x2a: {  	p0 =	seq.s32 s5, $0x0;
	s5 =	sld [smem:$0x3FAB]  }
0x2b: {  	s6 =	sld [smem:$0x3FAC]  }
0x2c: {  	s7 =	sld [smem:$0x3FAD]  }
0x2d: {  	s3 =	simm.s32 $0x108;
	s8 =	sld [smem:$0x3FAE]  }
0x2e: {  	s3 =	simm.s32 @!p0 $0x1082;
	s9 =	sld [smem:$0x3FAF]  }
0x2f: {  	lr =	sadd.s32 s0, s3;
	s0 =	sld [smem:$0x3FA6]  }
0x30: {  	s3 =	sld [smem:$0x3FA9]  }
0x31: {  	[smem:$0x3FB2] =	sst s10  }
0x32: {  	s10 =	sld [smem:$0x3FB0];
	_ =	sdelay $0x3  }
0x33: {  	p0 =	seq.s32 s10, $0x1;
	s10 =	sld [smem:$0x3FB2];
	_ =	sdelay $0x3  }
0x34: {  	[smem:$0x3FB2] =	sst s10  }
0x35: {  	s10 =	sld [smem:$0x3FB1];
	_ =	sdelay $0x3  }
0x36: {  	p1 =	seq.s32 s10, $0x1;
	s10 =	sld [smem:$0x3FB2];
	_ =	sdelay $0x3  }
0x37: {  	[smem:$0x3FB2] =	sst s10  }
0x38: {  	s10 =	sld [smem:$0x3FB3]  }
0x39: {  	_ = 	snop;
	(pc) =	sbr.ind lr, $3  }
0x3a: {  	_ = 	snop  }
0x3b: {  	_ = 	snop  }
0x3c: {  	p2 =	seq.s32 s10, $0x1;
	s10 =	sld [smem:$0x3FB2]  }
0x3d: {  	_ =	shalt  }
0x3e: {  	_ =	shalt  }
0x3f: {  	_ =	shalt  }
0x40: {  	_ =	shalt  }
0x41: {  	_ =	shalt  }
0x42: {  	_ =	shalt  }
0x43: {  	_ =	shalt  }
0x44: {  	_ =	shalt  }
0x45: {  	_ =	shalt  }
0x46: {  	_ =	shalt  }
0x47: {  	_ =	shalt  }
0x48: {  	_ =	shalt  }
0x49: {  	_ =	shalt  }
0x4a: {  	_ =	shalt  }
0x4b: {  	_ =	shalt  }
0x4c: {  	_ =	shalt  }
0x4d: {  	_ =	shalt  }
0x4e: {  	_ =	shalt  }
0x4f: {  	_ =	shalt  }
0x50: {  	_ =	shalt  }
0x51: {  	_ =	shalt  }
0x52: {  	_ =	shalt  }
0x53: {  	_ =	shalt  }
0x54: {  	_ =	shalt  }
0x55: {  	_ =	shalt  }
0x56: {  	_ =	shalt  }
0x57: {  	_ =	shalt  }
0x58: {  	_ =	shalt  }
0x59: {  	_ =	shalt  }
0x5a: {  	_ =	shalt  }
0x5b: {  	_ =	shalt  }
0x5c: {  	_ =	shalt  }
0x5d: {  	_ =	shalt  }
0x5e: {  	_ =	shalt  }
0x5f: {  	_ =	shalt  }
0x60: {  	_ =	shalt  }
0x61: {  	_ =	shalt  }
0x62: {  	_ =	shalt  }
0x63: {  	_ =	shalt  }
0x64: {  	_ =	shalt  }
0x65: {  	_ =	shalt  }
0x66: {  	_ =	shalt  }
0x67: {  	_ =	shalt  }
0x68: {  	_ =	shalt  }
0x69: {  	_ =	shalt  }
0x6a: {  	_ =	shalt  }
0x6b: {  	_ =	shalt  }
0x6c: {  	_ =	shalt  }
0x6d: {  	_ =	shalt  }
0x6e: {  	_ =	shalt  }
0x6f: {  	_ =	shalt  }
0x70: {  	_ =	shalt  }
0x71: {  	_ =	shalt  }
0x72: {  	_ =	shalt  }
0x73: {  	_ =	shalt  }
0x74: {  	_ =	shalt  }
0x75: {  	_ =	shalt  }
0x76: {  	_ =	shalt  }
0x77: {  	_ =	shalt  }
0x78: {  	_ =	shalt  }
0x79: {  	_ =	shalt  }
0x7a: {  	_ =	shalt  }
0x7b: {  	_ =	shalt  }
0x7c: {  	_ =	shalt  }
0x7d: {  	_ =	shalt  }
0x7e: {  	_ =	shalt  }
0x7f: {  	_ =	shalt  }
0x80: {  	_ =	shalt  }
0x81: {  	_ =	shalt  }
0x82: {  	_ =	shalt  }
0x83: {  	_ =	shalt  }
0x84: {  	_ =	shalt  }
0x85: {  	_ =	shalt  }
0x86: {  	_ =	shalt  }
0x87: {  	_ =	shalt  }
.Lfunc_end0:
.L_simem_size_0:
called_computation.4_lowered:
.L_overlay_start_0:
0x88: {  	s2 =	sld [smem:$0x3FD9]  }
0x89: {  	s3 =	sld [smem:$0x3FFE];
	_ =	sdelay $0x1  }
0x8a: {  	s1 =	srdreg.scid  }
0x8b: {  	s0 =	sand.u32 $0x1, s1  }
0x8c: {  	s17 =	sshll.u32 s0, $0xA;
	s2 =	sadd.s32 s3, s2  }
0x8d: {  	s2 =	sadd.s32 s2, s17  }
0x8e: {  	[smem:$0x3FBE] =	sst s2  }
0x8f: {  	_ = 	snop  }
0x90: {  	s2 =	sld [smem:$0x3FD0];
	(tm) =	ssettm $0x1  }
0x91: {  	s18 =	sld [smem:$0x3FFB];
	_ =	sdelay $0x3  }
0x92: {  	_ =	strace s18  }
0x93: {  	s3 =	sld [smem:$0x3FFC];
	_ =	sdelay $0x3  }
0x94: {  	_ =	strace s3  }
0x95: {  	s3 =	sld [smem:$0x3FFD];
	_ =	sdelay $0x3  }
0x96: {  	_ =	strace s3  }
0x97: {  	_ =	strace $0x8FFFFFFF  }
0x98: {  	s19 =	sld [smem:$0x3FDB];
	_ =	sdelay $0x1  }
0x99: {  	s4 =	simm.s32 $_scs_section_size  }
0x9a: {  	s5 =	simm.s32 $_size__tile_overlayer_lowered;
	s6 =	simm.s32 $_tile_overlayer_lowered  }
0x9b: {  	s22 =	simm.s32 $0x1BFF;
	s21 =	sshll.u32 s6, $0x1;
	s3 =	sadd.s32 s4, s19  }
0x9c: {  	s7 =	simm.s32 $0x0;
	s20 =	sshll.u32 s5, $0x1;
	s5 =	sadd.s32 s21, s3  }
0x9d: {  	[timem:s7], [sflag:s22] =	dma.local [hbm:s5], s20  }
0x9e: {  	_ =	swait.ge [sflag:s22], s20  }
0x9f: {  	s4 =	ssub.s32 $0x0, s20;
	[sflag:s22] =	ssyncset.done $0x0  }
0xa0: {  	[sflag:s22] =	ssyncadd.s32 s4;
	_ =	sdelay $0x1  }
0xa1: {  	s23 =	simm.s32 $0x1B8B  }
0xa2: {  	_ =	swait.ge [sflag:s23], $0x1  }
0xa3: {  	[sflag:s23] =	ssyncset.done $0x0  }
0xa4: {  	s25 =	simm.s32 $0x1B8E;
	s24 =	sld [smem:$0x3FFE];
	[sflag:s23] =	ssyncadd.s32 $0xFFFFFFFF  }
0xa5: {  	s26 =	simm.s32 $execute0_lowered;
	[smem:$0x3FD2] =	sst s25  }
0xa6: {  	s5 =	sshll.u32 s26, $0x1;
	_ =	strace $0x80000046;
	[dreg:$0x1] =	wrdreg $0xFFFFFFFF  }
0xa7: {  	s28 =	simm.s32 $_size_execute0_lowered;
	s3 =	sadd.s32 s3, s5;
	[dreg:$0x0] =	wrdreg $0x0  }
0xa8: {  	s5 =	sshll.u32 s28, $0x1;
	[dreg:$0x2] =	wrdreg s3  }
0xa9: {  	[dreg:$0x3] =	wrdreg s5  }
0xaa: {  	[dreg:$0x4] =	wrdreg $0xC0  }
0xab: {  	_ =	task [dreg:s7], $0x5FFFF  }
0xac: {  	[dreg:$0x1] =	wrdreg $0xFFFFFFFF  }
0xad: {  	[dreg:$0x0] =	wrdreg $0x60  }
0xae: {  	[dreg:$0x2] =	wrdreg s24  }
0xaf: {  	[dreg:$0x3] =	wrdreg s2  }
0xb0: {  	[dreg:$0x4] =	wrdreg $0x9  }
0xb1: {  	_ =	task.clear_ibuf [dreg:s7], $0x5FFFF;
	_ =	strace $0x90000046  }
0xb2: {  	s29 =	simm.s32 $0x9;
	_ =	strace $0x80000048  }
0xb3: {  	_ =	swait.ge [sflag:s29], $0x1  }
0xb4: {  	[sflag:s29] =	ssyncadd.s32 $0xFFFFFFFF  }
0xb5: {  	_ =	strace $0x90000048  }
0xb6: {  	_ =	sfence  }
0xb7: {  	s30 =	sld [smem:$0x0];
	_ =	sdelay $0x2  }
0xb8: {  	s31 =	sshll.u32 s1, $0xD;
	s1 =	sshrl.u32 s1, $0x2  }
0xb9: {  	s3 =	sand.u32 $0x4000, s31;
	s1 =	sadd.s32 s1, s30  }
0xba: {  	s0 =	sor.u32 s3, s0;
	s1 =	sshll.u32 s1, $0x11  }
0xbb: {  	s0 =	sor.u32 s1, s0  }
0xbc: {  	s0 =	sadd.s32 $0x8F2B, s0  }
0xbd: {  	[sflag:s0] =	ssyncadd.remote.s32 $0x1  }
0xbe: {  	_ =	sfence.sel $0xFFFF  }
0xbf: {  	[dreg:$0x0] =	wrdreg $0xFFFFFFFF;
	(pc) =	sbr.abs _section_cstart, $3  }
0xc0: {  	[dreg:$0x1] =	wrdreg $0xFFFFFFFF  }
0xc1: {  	_ =	task.clear_ibuf [dreg:s7], $0x2FFFF;
	_ =	strace $0x9FFFFFFF  }
0xc2: {  	(tm) =	ssettm $0x7FFFFFFF  }
0xc3: {  	_ =	shalt  }
tec
execute0_lowered:
.L_overlay_start_1:
0x0: {  	(tag) =	ssettag $0x1  }
0x1: {  	s0 =	srdreg.scid  }
0x2: {  	s0 =	sshll.u32 s0, $0x4  }
0x3: {  	s1 =	stileid.u32;
	s0 =	sand.u32 $0x10, s0  }
0x4: {  	s0 =	sor.u32 s1, s0  }
0x5: {  	s1 =	smin.u32 s0, $0x12  }
0x6: {  	s1 =	sadd.s32 s0, s1  }
0x7: {  	p0 =	slt.u32 s0, $0x12;
	s0 =	simm.s32 $0x6400;
	s2 =	smul.u32 $0x3200, s1  }
0x8: {  	s0 =	simm.s32 @!p0 $0x3200  }
0x9: {  	s0 =	sadd.s32 s0, s2  }
0xa: {  	s3 =	smin.u32 s0, $0x9C400  }
0xb: {  	s0 =	ssub.s32 s3, s2  }
0xc: {  	p0 =	sgt.s32 s0, $0x0  }
0xd: {  	s4 =	rddreg [dreg:$0x0];
	s0 =	simm.s32 @!p0 $0x0  }
0xe: {  	_ =	strace $0x80000047;
	s8 =	simm.s32 $0x1;
	s28 =	smulhi.u32 $0x51EB851F, s0  }
0xf: {  	s6 =	simm.s32 $0x2;
	s29 =	simm.s32 $0x3;
	s30 =	simm.s32 $0x4  }
0x10: {  	s11 =	simm.s32 $0x0;
	s12 =	simm.s32 $0xFFFFCE00;
	s1 =	sshrl.u32 s28, $0xC  }
0x11: {  	s13 =	simm.s32 $0xFFFFFFFF;
	s17 =	simm.s32 $0x0;
	s7 =	smul.u32 $0x3200, s1  }
.Ltmp0:
0x12: {  	s14 =	simm.s32 $0x0;
	s16 =	simm.s32 $0x0;
	(pc) =	sbr.rel .LBB2_1-.Ltmp0, $4  }
0x13: {  	s5 =	sadd.s32 $0x13C00, s4;
	[sflag:s8] =	ssyncpa.u1 $0x0;
	p0 =	sne.s32 s0, s7  }
0x14: {  	s31 =	sadd.s32 $0x30EC00, s4;
	[sflag:s6] =	ssyncpa.u1 $0x0;
	s8 =	simm.s32 @!p0 $0x0  }
0x15: {  	[dreg:$0x3] =	wrdreg s31;
	[sflag:s29] =	ssyncpa.u1 $0x0;
	s8 =	sadd.s32 s8, s1  }
0x16: {  	v0 =	vlaneseq.u32;
	vm0 =	vmmov $0xffff;
	[sflag:s30] =	ssyncpa.u1 $0x0;
	s15 =	smov.u32 s2;
	s10 =	sadd.s32 $0x2, s8  }
.LBB2_9:
0x17: {  	s0 =	sadd.s32 $0x3200, s15  }
0x18: {  	s4 =	smov.u32 s2;
	p1 =	slt.s32 s0, s3  }
0x19: {  	s4 =	smov.u32 @p1 s0;
	p1 =	sne.s32 s16, s10  }
.Ltmp1:
0x1a: {  	p0 =	slt.u32 s16, $0x3;
	(pc) =	sbr.rel @!p1 .LBB2_10-.Ltmp1, $4  }
0x1b: {  	s1 =	simm.s32 @!p0 $0x4  }
0x1c: {  	s17 =	smov.u32 s14;
	s14 =	smov.u32 s15;
	_ =	swait.ge @!p0 [sflag:s1], $0xC80  }
0x1d: {  	s12 =	sadd.s32 $0x3200, s12;
	s13 =	sadd.s32 $0x1, s13;
	[sflag:s1] =	ssyncset.done @!p0 $0x0  }
0x1e: {  	s16 =	sadd.s32 $0x1, s16;
	s15 =	smov.u32 s4;
	[sflag:s1] =	ssyncadd.s32 @!p0 $0xFFFFF380  }
.LBB2_1:
0x1f: {  	p0 =	sge.u32 s16, s8  }
0x20: {  	s0 =	smulhi.u32 @!p0 $0xAAAAAAAB, s16;
	_ =	sdelay $0x1  }
0x21: {  	s0 =	sshrl.u32 @!p0 s0, $0x1  }
0x22: {  	s0 =	smul.u32 @!p0 $0x3, s0;
	_ =	sdelay $0x1  }
0x23: {  	s0 =	ssub.s32 @!p0 s16, s0  }
0x24: {  	s0 =	smul.u32 @!p0 $0xC800, s0  }
0x25: {  	s4 =	rddreg [dreg:$0x1];
	s1 =	sshrl.u32 @!p0 s15, $0x3  }
0x26: {  	s1 =	sadd.s32 @!p0 s4, s1;
	s4 =	sand.u32 @!p0 $0x7, s15;
	s0 =	sshrl.u32 @!p0 s0, $0x2  }
0x27: {  	[tilespmem:s0], [sflag:$0x2] =	stream.linear.gather @!p0 [hbm4b:s1+s4], $0x3200, $0x38;
	[tilespmem:$0x11300] =	vst v63  }
0x28: {  	s0 =	sadd.s32 $0xFFFFFFFF, s16  }
0x29: {  	p0 =	sge.u32 s0, s8  }
.Ltmp2:
0x2a: {  	_ = 	snop;
	(pc) =	sbr.rel @p0 .LBB2_5-.Ltmp2, $1  }
0x2b: {  	_ =	sdelay $0x3  }
0x2c: {  	s1 =	smulhi.u32 $0xAAAAAAAB, s13;
	_ =	sdelay $0x1  }
0x2d: {  	s1 =	sshrl.u32 s1, $0x1  }
0x2e: {  	s1 =	smul.u32 $0xFFFDA800, s1  }
0x2f: {  	s4 =	simm.s32 $0x2  }
0x30: {  	_ =	swait.ge [sflag:s4], $0x3200;
	s1 =	sshra.s32 s1, $0x2  }
0x31: {  	[sflag:s4] =	ssyncset.done $0x0;
	s1 =	sadd.s32 s1, s12  }
0x32: {  	[sflag:s4] =	ssyncadd.s32 $0xFFFFCE00;
	(ifvalue) =	ssetifvalue $0x7FFFFFFF;
	v1 =	vld.msk [tilespmem:s1+$0x0 ss:$0x1], $0xffff  }
0x33: {  	s30 =	sadd.s32 $0x10, s1  }
0x34: {  	v2 =	vld.msk [tilespmem:s30+$0x0 ss:$0x1], $0xffff;
	_ =	sdelay $0x1  }
0x35: {  	s9 =	ssub.s32 $0x9C400, s14  }
0x36: {  	p0 =	slt.s32 s9, $0x3200;
	vm1 =	vgt.s32 v1, $0x0  }
0x37: {  	s9 =	simm.s32 @!p0 $0x3200;
	v1 =	vnsel vm1, $0x0, v1  }
0x38: {  	p0 =	sgt.s32 s9, $0x0;
	s19 =	smov.u32 s9;
	vm1 =	vgt.s32 v2, $0x0;
	v1 =	vmin.u32 v1, $0x5F5E0FF  }
0x39: {  	s19 =	simm.s32 @!p0 $0x0;
	v2 =	vnsel vm1, $0x0, v2;
	v4 =	vshll.u32 v1, $0x2  }
0x3a: {  	s31 =	smin.u32 s19, $0x10;
	v3 =	vshrl.u32 v1, $0x7;
	v1 =	vand.u32 $0x7FFFE00, v1;
	v4 =	vand.u32 $0x1FC, v4  }
0x3b: {  	v5 =	vmin.u32 v2, $0x5F5E0FF;
	v2 =	vmov s31;
	v1 =	vor.u32 v1, v4  }
0x3c: {  	s18 =	sadd.s32 $0xFFFFFFF0, s9;
	vm1 =	vgt.u32 v2, v0;
	v1 =	vshrl.u32 v1, $0x2  }
0x3d: {  	s0 =	sand.u32 $0x1, s0;
	p0 =	sgt.s32 s18, $0x0;
	s20 =	smov.u32 s18;
	v1 =	vnsel vm1, $0x7FFFFFFF, v1  }
0x3e: {  	s20 =	simm.s32 @!p0 $0x0;
	p0 =	seq.s32 s0, $0x1;
	s0 =	sadd.s32 $0x10, s30;
	v3 =	vand.u32 $0x3, v3  }
0x3f: {  	s9 =	simm.s32 $0xC800;
	v2 =	vld.msk [tilespmem:s0+$0x0 ss:$0x1], $0xffff;
	v4 =	vshrl.u32 v5, $0x7;
	[tilespmem:s1+$0x0] =	vst v3;
	v3 =	vshll.u32 v5, $0x2  }
0x40: {  	s19 =	simm.s32 $0x30;
	s9 =	simm.s32 @!p0 $0x9600;
	s20 =	smin.u32 s20, $0x10;
	v5 =	vand.u32 $0x7FFFE00, v5;
	v4 =	vand.u32 $0x3, v4;
	v6 =	vand.u32 $0x1FC, v3  }
0x41: {  	s4 =	sadd.s32 $0x10, s9;
	s1 =	sadd.s32 $0x10, s0;
	v3 =	vmov s20;
	[tilespmem:s30+$0x0] =	vst v4;
	v4 =	vor.u32 v5, v6;
	(ifvalue) =	ssetifvalue $0x7FFFFFFF  }
.LBB2_3:
0x42: {  	[tilespmem:s9], [sflag:$0x3] =	stream.indirect_vreg.gather [hbm4b:s5+s11], $0x1, v1, vm0, $0x4038;
	[tilespmem:$0x11300] =	vst v63  }
0x43: {  	s19 =	sadd.s32 $0x10, s19  }
0x44: {  	vm1 =	vgt.s32 v2, $0x0;
	vm2 =	vgt.u32 v3, v0;
	v3 =	vshrl.u32 v4, $0x2;
	v1 =	vmovc v2;
	v2 =	vld.msk [tilespmem:s1+$0x0 ss:$0x1], $0xffff;
	p0 =	slt.u32 s19, $0x31F0  }
.Ltmp3:
0x45: {  	s18 =	sadd.s32 $0xFFFFFFF0, s18;
	v4 =	vnsel vm1, $0x0, v1;
	v1 =	vnsel vm2, $0x7FFFFFFF, v3;
	(pc) =	sbr.rel @p0 .LBB2_3-.Ltmp3, $4  }
0x46: {  	s20 =	smov.u32 s0;
	p1 =	sgt.s32 s18, $0x0;
	s21 =	smov.u32 s18;
	v3 =	vmin.u32 v4, $0x5F5E0FF  }
0x47: {  	s0 =	smov.u32 s1;
	s9 =	smov.u32 s4;
	s21 =	simm.s32 @!p1 $0x0;
	v4 =	vshrl.u32 v3, $0x7;
	v5 =	vshll.u32 v3, $0x2  }
0x48: {  	s21 =	smin.u32 s21, $0x10;
	v6 =	vand.u32 $0x3, v4;
	v4 =	vand.u32 $0x7FFFE00, v3;
	v5 =	vand.u32 $0x1FC, v5  }
0x49: {  	s1 =	sadd.s32 $0x10, s1;
	s4 =	sadd.s32 $0x10, s4;
	v3 =	vmov s21;
	v4 =	vor.u32 v4, v5;
	[tilespmem:s20+$0x0] =	vst v6;
	(ifvalue) =	ssetifvalue $0x7FFFFFFF  }
0x4a: {  	v5 =	vld.msk [tilespmem:s1+$0x0 ss:$0x1], $0xffff;
	_ =	sdelay $0x1  }
0x4b: {  	s18 =	sadd.s32 $0xFFFFFFF0, s18;
	vm1 =	vgt.s32 v2, $0x0  }
0x4c: {  	p0 =	sgt.s32 s18, $0x0;
	s19 =	smov.u32 s18;
	v2 =	vnsel vm1, $0x0, v2;
	vm1 =	vgt.u32 v3, v0;
	v3 =	vshrl.u32 v4, $0x2  }
0x4d: {  	s19 =	simm.s32 @!p0 $0x0;
	v2 =	vmin.u32 v2, $0x5F5E0FF;
	v3 =	vnsel vm1, $0x7FFFFFFF, v3  }
0x4e: {  	s19 =	smin.u32 s19, $0x10;
	v60 =	vshll.u32 v2, $0x2;
	v7 =	vand.u32 $0x7FFFE00, v2;
	vm1 =	vgt.s32 v5, $0x0  }
0x4f: {  	s18 =	sadd.s32 $0xFFFFFFF0, s18;
	v2 =	vshrl.u32 v2, $0x7;
	v6 =	vmov s19;
	v5 =	vnsel vm1, $0x0, v5  }
0x50: {  	p0 =	sgt.s32 s18, $0x0;
	v4 =	vand.u32 $0x1FC, v60;
	v2 =	vand.u32 $0x3, v2;
	v5 =	vmin.u32 v5, $0x5F5E0FF  }
0x51: {  	s18 =	simm.s32 @!p0 $0x0;
	v4 =	vor.u32 v7, v4;
	vm1 =	vgt.u32 v6, v0;
	v61 =	vshll.u32 v5, $0x2  }
0x52: {  	s18 =	smin.u32 s18, $0x10;
	v4 =	vshrl.u32 v4, $0x2;
	v62 =	vand.u32 $0x7FFFE00, v5;
	v6 =	vand.u32 $0x1FC, v61  }
0x53: {  	v63 =	vmov s18;
	v4 =	vnsel vm1, $0x7FFFFFFF, v4;
	v6 =	vor.u32 v62, v6  }
0x54: {  	[tilespmem:s9], [sflag:$0x3] =	stream.indirect_vreg.gather [hbm4b:s5+s11], $0x1, v1, vm0, $0x4038;
	[tilespmem:s0+$0x0] =	vst v2;
	vm1 =	vgt.u32 v63, v0;
	v2 =	vshrl.u32 v6, $0x2  }
0x55: {  	(ifvalue) =	ssetifvalue $0x7FFFFFFF;
	v1 =	vshrl.u32 v5, $0x7;
	v2 =	vnsel vm1, $0x7FFFFFFF, v2  }
0x56: {  	[tilespmem:s4], [sflag:$0x3] =	stream.indirect_vreg.gather [hbm4b:s5+s11], $0x1, v3, vm0, $0x4038;
	v1 =	vand.u32 $0x3, v1;
	[tilespmem:$0x11300] =	vst v63  }
0x57: {  	s31 =	sadd.s32 $0x10, s4;
	[tilespmem:s1+$0x0] =	vst v1;
	(ifvalue) =	ssetifvalue $0x7FFFFFFF  }
0x58: {  	[tilespmem:s31], [sflag:$0x3] =	stream.indirect_vreg.gather [hbm4b:s5+s11], $0x1, v4, vm0, $0x4038;
	[tilespmem:$0x11300] =	vst v63  }
0x59: {  	s0 =	sadd.s32 $0x10, s31;
	(ifvalue) =	ssetifvalue $0x7FFFFFFF  }
0x5a: {  	[tilespmem:s0], [sflag:$0x3] =	stream.indirect_vreg.gather [hbm4b:s5+s11], $0x1, v2, vm0, $0x4038;
	[tilespmem:$0x11300] =	vst v63  }
.LBB2_5:
0x5b: {  	p0 =	slt.u32 s16, $0x2  }
0x5c: {  	p1 =	sge.u32 @!p0 s16, s10  }
0x5d: {  	p0 =	por p0, p1  }
.Ltmp4:
0x5e: {  	_ = 	snop;
	(pc) =	sbr.rel @p0 .LBB2_9-.Ltmp4, $1  }
0x5f: {  	_ =	sdelay $0x3  }
0x60: {  	s0 =	sadd.s32 $0xFFFFFFFE, s16  }
0x61: {  	s1 =	smulhi.u32 $0xAAAAAAAB, s0;
	_ =	sdelay $0x1  }
0x62: {  	s1 =	sshrl.u32 s1, $0x1  }
0x63: {  	s1 =	smul.u32 $0x3, s1  }
0x64: {  	s4 =	sand.u32 $0x1, s16  }
0x65: {  	s30 =	smul.u32 $0xC800, s4;
	s0 =	ssub.s32 s0, s1  }
0x66: {  	s0 =	smul.u32 $0xC800, s0;
	_ =	sdelay $0x1  }
0x67: {  	s9 =	smul.u32 $0x3200, s4;
	s20 =	sshrl.u32 s30, $0x2;
	s21 =	sshrl.u32 s0, $0x2  }
0x68: {  	s31 =	simm.s32 $0x3;
	s1 =	sadd.s32 $0x9600, s20;
	v2 =	vmov s21  }
0x69: {  	_ =	swait.ge [sflag:s31], $0x3200;
	s18 =	sshrl.u32 s9, $0x2;
	v1 =	vmov s1  }
0x6a: {  	[sflag:s31] =	ssyncset.done $0x0;
	s19 =	sadd.s32 $0xFA00, s18  }
0x6b: {  	s22 =	simm.s32 $0x0;
	[sflag:s31] =	ssyncadd.s32 $0xFFFFCE00;
	v3 =	vmov s19  }
.LBB2_7:
0x6c: {  	s23 =	sshll.u32 s22, $0x9  }
0x6d: {  	s0 =	sand.u32 $0x3FFFFE00, s23;
	v5 =	vld.idx.msk [tilespmem:v2+s23+$0x0 ss:$0x1], $0xffff  }
0x6e: {  	s9 =	sor.u32 $0x80, s23;
	v4 =	vld.idx.msk [tilespmem:v1+s0+$0x0 ss:$0x1], $0xffff  }
0x6f: {  	v6 =	vld.idx.msk [tilespmem:v1+s9+$0x0 ss:$0x1], $0xffff  }
0x70: {  	s25 =	sor.u32 $0x100, s23;
	v7 =	vld.idx.msk [tilespmem:v2+s9+$0x0 ss:$0x1], $0xffff  }
0x71: {  	v8 =	vld.idx.msk [tilespmem:v2+s25+$0x0 ss:$0x1], $0xffff  }
0x72: {  	s28 =	sor.u32 $0x180, s23;
	v9 =	vld.idx.msk [tilespmem:v1+s25+$0x0 ss:$0x1], $0xffff  }
0x73: {  	v10 =	vld.idx.msk [tilespmem:v2+s28+$0x0 ss:$0x1], $0xffff;
	_ =	sdelay $0x1  }
0x74: {  	v11 =	vld.idx.msk [tilespmem:v1+s28+$0x0 ss:$0x1], $0xffff  }
0x75: {  	v5 =	vshll.u32 v5, $0x3;
	v7 =	vshll.u32 v7, $0x3  }
0x76: {  	v4 =	vshrl.u32 v4, v5;
	v30 =	vshll.u32 v8, $0x3;
	v5 =	vshrl.u32 v6, v7  }
0x77: {  	v31 =	vshll.u32 v10, $0x3;
	v6 =	vshrl.u32 v9, v30;
	v5 =	vshll.u32 v5, $0x8  }
0x78: {  	v4 =	vand.u32 $0xFF, v4;
	v6 =	vshll.u32 v6, $0x10;
	v5 =	vand.u32 $0xFF00, v5  }
0x79: {  	v32 =	vshrl.u32 v11, v31;
	v4 =	vor.u32 v4, v5;
	v5 =	vand.u32 $0xFF0000, v6  }
0x7a: {  	v4 =	vor.u32 v5, v4;
	v5 =	vshll.u32 v32, $0x18  }
0x7b: {  	s24 =	sshra.s32 s23, $0x2;
	v4 =	vor.u32 v5, v4  }
0x7c: {  	s26 =	sor.u32 $0x10, s23;
	[tilespmem:v3+s24+$0x0 ss:$0x1] =	vst.idx.msk $0xffff, v4  }
0x7d: {  	v4 =	vld.idx.msk [tilespmem:v1+s26+$0x0 ss:$0x1], $0xffff  }
0x7e: {  	s29 =	sor.u32 $0x90, s23;
	v5 =	vld.idx.msk [tilespmem:v2+s26+$0x0 ss:$0x1], $0xffff  }
0x7f: {  	v33 =	vld.idx.msk [tilespmem:v1+s29+$0x0 ss:$0x1], $0xffff  }
0x80: {  	s30 =	sor.u32 $0x110, s23;
	v34 =	vld.idx.msk [tilespmem:v2+s29+$0x0 ss:$0x1], $0xffff  }
0x81: {  	v35 =	vld.idx.msk [tilespmem:v2+s30+$0x0 ss:$0x1], $0xffff  }
0x82: {  	s31 =	sor.u32 $0x190, s23;
	v36 =	vld.idx.msk [tilespmem:v1+s30+$0x0 ss:$0x1], $0xffff  }
0x83: {  	v37 =	vld.idx.msk [tilespmem:v2+s31+$0x0 ss:$0x1], $0xffff;
	_ =	sdelay $0x1  }
0x84: {  	v38 =	vld.idx.msk [tilespmem:v1+s31+$0x0 ss:$0x1], $0xffff  }
0x85: {  	v5 =	vshll.u32 v5, $0x3;
	v7 =	vshll.u32 v34, $0x3  }
0x86: {  	v39 =	vshll.u32 v35, $0x3;
	v4 =	vshrl.u32 v4, v5;
	v5 =	vshrl.u32 v33, v7  }
0x87: {  	v40 =	vshll.u32 v37, $0x3;
	v6 =	vshrl.u32 v36, v39;
	v5 =	vshll.u32 v5, $0x8  }
0x88: {  	v4 =	vand.u32 $0xFF, v4;
	v6 =	vshll.u32 v6, $0x10;
	v5 =	vand.u32 $0xFF00, v5  }
0x89: {  	v41 =	vshrl.u32 v38, v40;
	v4 =	vor.u32 v4, v5;
	v5 =	vand.u32 $0xFF0000, v6  }
0x8a: {  	s4 =	sor.u32 $0x40, s23;
	v4 =	vor.u32 v5, v4;
	v5 =	vshll.u32 v41, $0x18  }
0x8b: {  	s1 =	sshra.s32 s4, $0x2;
	v4 =	vor.u32 v5, v4  }
0x8c: {  	s6 =	sor.u32 $0x20, s23;
	[tilespmem:v3+s1+$0x0 ss:$0x1] =	vst.idx.msk $0xffff, v4  }
0x8d: {  	v4 =	vld.idx.msk [tilespmem:v1+s6+$0x0 ss:$0x1], $0xffff  }
0x8e: {  	s7 =	sor.u32 $0xA0, s23;
	v5 =	vld.idx.msk [tilespmem:v2+s6+$0x0 ss:$0x1], $0xffff  }
0x8f: {  	v42 =	vld.idx.msk [tilespmem:v1+s7+$0x0 ss:$0x1], $0xffff  }
0x90: {  	s24 =	sor.u32 $0x120, s23;
	v43 =	vld.idx.msk [tilespmem:v2+s7+$0x0 ss:$0x1], $0xffff  }
0x91: {  	v44 =	vld.idx.msk [tilespmem:v2+s24+$0x0 ss:$0x1], $0xffff  }
0x92: {  	s26 =	sor.u32 $0x1A0, s23;
	v45 =	vld.idx.msk [tilespmem:v1+s24+$0x0 ss:$0x1], $0xffff  }
0x93: {  	v46 =	vld.idx.msk [tilespmem:v2+s26+$0x0 ss:$0x1], $0xffff;
	_ =	sdelay $0x1  }
0x94: {  	s0 =	sor.u32 $0x280, s23;
	v47 =	vld.idx.msk [tilespmem:v1+s26+$0x0 ss:$0x1], $0xffff  }
0x95: {  	v50 =	vld.idx.msk [tilespmem:v1+s0+$0x0 ss:$0x1], $0xffff;
	v5 =	vshll.u32 v5, $0x3;
	v7 =	vshll.u32 v43, $0x3  }
0x96: {  	v52 =	vld.idx.msk [tilespmem:v2+s0+$0x0 ss:$0x1], $0xffff;
	s1 =	sor.u32 $0x300, s23;
	v48 =	vshll.u32 v44, $0x3;
	v4 =	vshrl.u32 v4, v5;
	v5 =	vshrl.u32 v42, v7  }
0x97: {  	v54 =	vld.idx.msk [tilespmem:v2+s1+$0x0 ss:$0x1], $0xffff;
	v51 =	vshll.u32 v46, $0x3;
	v6 =	vshrl.u32 v45, v48;
	v5 =	vshll.u32 v5, $0x8  }
0x98: {  	s24 =	sor.u32 $0x200, s23;
	v55 =	vld.idx.msk [tilespmem:v1+s1+$0x0 ss:$0x1], $0xffff;
	v4 =	vand.u32 $0xFF, v4;
	v6 =	vshll.u32 v6, $0x10;
	v5 =	vand.u32 $0xFF00, v5  }
0x99: {  	s29 =	sand.u32 $0x3FFFFE00, s24;
	v49 =	vld.idx.msk [tilespmem:v2+s24+$0x0 ss:$0x1], $0xffff;
	v53 =	vshrl.u32 v47, v51;
	v4 =	vor.u32 v4, v5;
	v5 =	vand.u32 $0xFF0000, v6  }
0x9a: {  	s26 =	sor.u32 $0x380, s23;
	v12 =	vld.idx.msk [tilespmem:v1+s29+$0x0 ss:$0x1], $0xffff;
	v4 =	vor.u32 v5, v4;
	v5 =	vshll.u32 v53, $0x18  }
0x9b: {  	s9 =	sshra.s32 s9, $0x2;
	v4 =	vor.u32 v5, v4;
	v5 =	vld.idx.msk [tilespmem:v2+s26+$0x0 ss:$0x1], $0xffff  }
0x9c: {  	s30 =	sor.u32 $0x30, s23;
	[tilespmem:v3+s9+$0x0 ss:$0x1] =	vst.idx.msk $0xffff, v4;
	v4 =	vld.idx.msk [tilespmem:v1+s26+$0x0 ss:$0x1], $0xffff  }
0x9d: {  	v10 =	vshll.u32 v52, $0x3;
	v56 =	vld.idx.msk [tilespmem:v1+s30+$0x0 ss:$0x1], $0xffff  }
0x9e: {  	v8 =	vshrl.u32 v50, v10;
	s31 =	sor.u32 $0xB0, s23;
	v13 =	vld.idx.msk [tilespmem:v2+s30+$0x0 ss:$0x1], $0xffff  }
0x9f: {  	v8 =	vshll.u32 v8, $0x8;
	v9 =	vshll.u32 v54, $0x3;
	v7 =	vshll.u32 v49, $0x3;
	v57 =	vld.idx.msk [tilespmem:v1+s31+$0x0 ss:$0x1], $0xffff  }
0xa0: {  	v8 =	vand.u32 $0xFF00, v8;
	s6 =	sor.u32 $0x130, s23;
	v7 =	vshrl.u32 v12, v7;
	v6 =	vshrl.u32 v55, v9;
	v58 =	vld.idx.msk [tilespmem:v2+s31+$0x0 ss:$0x1], $0xffff  }
0xa1: {  	s7 =	sor.u32 $0x1B0, s23;
	v7 =	vand.u32 $0xFF, v7;
	v6 =	vshll.u32 v6, $0x10;
	v59 =	vld.idx.msk [tilespmem:v2+s6+$0x0 ss:$0x1], $0xffff;
	v5 =	vshll.u32 v5, $0x3  }
0xa2: {  	v7 =	vor.u32 v7, v8;
	v6 =	vand.u32 $0xFF0000, v6;
	v60 =	vld.idx.msk [tilespmem:v2+s7+$0x0 ss:$0x1], $0xffff;
	v4 =	vshrl.u32 v4, v5  }
0xa3: {  	v6 =	vor.u32 v6, v7;
	v5 =	vld.idx.msk [tilespmem:v1+s6+$0x0 ss:$0x1], $0xffff;
	v4 =	vshll.u32 v4, $0x18  }
0xa4: {  	s24 =	sshrl.u32 s24, $0x2;
	v4 =	vor.u32 v4, v6  }
0xa5: {  	v61 =	vld.idx.msk [tilespmem:v1+s7+$0x0 ss:$0x1], $0xffff;
	[tilespmem:v3+s24+$0x0 ss:$0x1] =	vst.idx.msk $0xffff, v4;
	s24 =	sor.u32 $0x210, s23  }
0xa6: {  	v62 =	vshll.u32 v58, $0x3;
	v15 =	vshll.u32 v59, $0x3;
	v63 =	vld.idx.msk [tilespmem:v1+s24+$0x0 ss:$0x1], $0xffff  }
0xa7: {  	s29 =	sor.u32 $0x290, s23;
	v7 =	vshll.u32 v60, $0x3;
	v8 =	vshrl.u32 v57, v62;
	v4 =	vshll.u32 v13, $0x3;
	v16 =	vld.idx.msk [tilespmem:v2+s24+$0x0 ss:$0x1], $0xffff  }
0xa8: {  	v8 =	vshll.u32 v8, $0x8;
	v4 =	vshrl.u32 v56, v4;
	v17 =	vld.idx.msk [tilespmem:v1+s29+$0x0 ss:$0x1], $0xffff;
	v5 =	vshrl.u32 v5, v15  }
0xa9: {  	s30 =	sor.u32 $0x310, s23;
	v8 =	vand.u32 $0xFF00, v8;
	v18 =	vld.idx.msk [tilespmem:v2+s29+$0x0 ss:$0x1], $0xffff;
	v4 =	vand.u32 $0xFF, v4;
	v5 =	vshll.u32 v5, $0x10  }
0xaa: {  	v6 =	vshrl.u32 v61, v7;
	v19 =	vld.idx.msk [tilespmem:v2+s30+$0x0 ss:$0x1], $0xffff;
	v4 =	vor.u32 v4, v8;
	v5 =	vand.u32 $0xFF0000, v5  }
0xab: {  	s31 =	sor.u32 $0xC0, s23;
	s6 =	sor.u32 $0x390, s23;
	v20 =	vld.idx.msk [tilespmem:v1+s30+$0x0 ss:$0x1], $0xffff;
	v4 =	vor.u32 v5, v4;
	v5 =	vshll.u32 v6, $0x18  }
0xac: {  	s29 =	sshra.s32 s31, $0x2;
	v4 =	vor.u32 v5, v4;
	v5 =	vld.idx.msk [tilespmem:v2+s6+$0x0 ss:$0x1], $0xffff  }
0xad: {  	[tilespmem:v3+s29+$0x0 ss:$0x1] =	vst.idx.msk $0xffff, v4;
	v4 =	vld.idx.msk [tilespmem:v1+s6+$0x0 ss:$0x1], $0xffff  }
0xae: {  	v21 =	vld.idx.msk [tilespmem:v1+s4+$0x0 ss:$0x1], $0xffff  }
0xaf: {  	v11 =	vshll.u32 v16, $0x3;
	v12 =	vshll.u32 v18, $0x3;
	v22 =	vld.idx.msk [tilespmem:v2+s4+$0x0 ss:$0x1], $0xffff  }
0xb0: {  	v7 =	vshll.u32 v19, $0x3;
	v9 =	vshrl.u32 v63, v11;
	v10 =	vshrl.u32 v17, v12;
	v23 =	vld.idx.msk [tilespmem:v1+s31+$0x0 ss:$0x1], $0xffff  }
0xb1: {  	s9 =	sor.u32 $0x140, s23;
	v6 =	vshrl.u32 v20, v7;
	v9 =	vand.u32 $0xFF, v9;
	v10 =	vshll.u32 v10, $0x8;
	v24 =	vld.idx.msk [tilespmem:v2+s31+$0x0 ss:$0x1], $0xffff  }
0xb2: {  	s24 =	sor.u32 $0x1C0, s23;
	v6 =	vshll.u32 v6, $0x10;
	v25 =	vld.idx.msk [tilespmem:v2+s9+$0x0 ss:$0x1], $0xffff;
	v10 =	vand.u32 $0xFF00, v10;
	v5 =	vshll.u32 v5, $0x3  }
0xb3: {  	v26 =	vld.idx.msk [tilespmem:v2+s24+$0x0 ss:$0x1], $0xffff;
	v6 =	vand.u32 $0xFF0000, v6;
	v9 =	vor.u32 v9, v10;
	v4 =	vshrl.u32 v4, v5  }
0xb4: {  	s4 =	sor.u32 $0x240, s23;
	v6 =	vor.u32 v6, v9;
	v5 =	vld.idx.msk [tilespmem:v1+s9+$0x0 ss:$0x1], $0xffff;
	v4 =	vshll.u32 v4, $0x18  }
0xb5: {  	s7 =	sshrl.u32 s4, $0x2;
	v4 =	vor.u32 v4, v6  }
0xb6: {  	s30 =	sor.u32 $0x220, s23;
	v27 =	vld.idx.msk [tilespmem:v1+s24+$0x0 ss:$0x1], $0xffff;
	[tilespmem:v3+s7+$0x0 ss:$0x1] =	vst.idx.msk $0xffff, v4  }
0xb7: {  	v7 =	vshll.u32 v24, $0x3;
	v29 =	vshll.u32 v25, $0x3;
	v28 =	vld.idx.msk [tilespmem:v1+s30+$0x0 ss:$0x1], $0xffff  }
0xb8: {  	s31 =	sor.u32 $0x2A0, s23;
	v9 =	vshll.u32 v26, $0x3;
	v7 =	vshrl.u32 v23, v7;
	v4 =	vshll.u32 v22, $0x3;
	v30 =	vld.idx.msk [tilespmem:v2+s30+$0x0 ss:$0x1], $0xffff  }
0xb9: {  	v7 =	vshll.u32 v7, $0x8;
	v4 =	vshrl.u32 v21, v4;
	v31 =	vld.idx.msk [tilespmem:v1+s31+$0x0 ss:$0x1], $0xffff;
	v5 =	vshrl.u32 v5, v29  }
0xba: {  	s6 =	sor.u32 $0x320, s23;
	v7 =	vand.u32 $0xFF00, v7;
	v32 =	vld.idx.msk [tilespmem:v2+s31+$0x0 ss:$0x1], $0xffff;
	v4 =	vand.u32 $0xFF, v4;
	v5 =	vshll.u32 v5, $0x10  }
0xbb: {  	v6 =	vshrl.u32 v27, v9;
	v33 =	vld.idx.msk [tilespmem:v2+s6+$0x0 ss:$0x1], $0xffff;
	v4 =	vor.u32 v4, v7;
	v5 =	vand.u32 $0xFF0000, v5  }
0xbc: {  	s7 =	sor.u32 $0x3A0, s23;
	v34 =	vld.idx.msk [tilespmem:v1+s6+$0x0 ss:$0x1], $0xffff;
	v4 =	vor.u32 v5, v4;
	v5 =	vshll.u32 v6, $0x18  }
0xbd: {  	s25 =	sshra.s32 s25, $0x2;
	v4 =	vor.u32 v5, v4;
	v5 =	vld.idx.msk [tilespmem:v2+s7+$0x0 ss:$0x1], $0xffff  }
0xbe: {  	s30 =	sor.u32 $0x50, s23;
	[tilespmem:v3+s25+$0x0 ss:$0x1] =	vst.idx.msk $0xffff, v4;
	v4 =	vld.idx.msk [tilespmem:v1+s7+$0x0 ss:$0x1], $0xffff  }
0xbf: {  	v35 =	vld.idx.msk [tilespmem:v1+s30+$0x0 ss:$0x1], $0xffff  }
0xc0: {  	s31 =	sor.u32 $0xD0, s23;
	v11 =	vshll.u32 v30, $0x3;
	v12 =	vshll.u32 v32, $0x3;
	v36 =	vld.idx.msk [tilespmem:v2+s30+$0x0 ss:$0x1], $0xffff  }
0xc1: {  	v7 =	vshll.u32 v33, $0x3;
	v10 =	vshrl.u32 v28, v11;
	v8 =	vshrl.u32 v31, v12;
	v37 =	vld.idx.msk [tilespmem:v1+s31+$0x0 ss:$0x1], $0xffff  }
0xc2: {  	s6 =	sor.u32 $0x150, s23;
	v6 =	vshrl.u32 v34, v7;
	v10 =	vand.u32 $0xFF, v10;
	v8 =	vshll.u32 v8, $0x8;
	v38 =	vld.idx.msk [tilespmem:v2+s31+$0x0 ss:$0x1], $0xffff  }
0xc3: {  	s7 =	sor.u32 $0x1D0, s23;
	v6 =	vshll.u32 v6, $0x10;
	v39 =	vld.idx.msk [tilespmem:v2+s6+$0x0 ss:$0x1], $0xffff;
	v8 =	vand.u32 $0xFF00, v8;
	v5 =	vshll.u32 v5, $0x3  }
0xc4: {  	v40 =	vld.idx.msk [tilespmem:v2+s7+$0x0 ss:$0x1], $0xffff;
	v6 =	vand.u32 $0xFF0000, v6;
	v8 =	vor.u32 v10, v8;
	v4 =	vshrl.u32 v4, v5  }
0xc5: {  	v6 =	vor.u32 v6, v8;
	v5 =	vld.idx.msk [tilespmem:v1+s6+$0x0 ss:$0x1], $0xffff;
	v4 =	vshll.u32 v4, $0x18  }
0xc6: {  	s0 =	sshrl.u32 s0, $0x2;
	v4 =	vor.u32 v4, v6  }
0xc7: {  	s29 =	sor.u32 $0x230, s23;
	v41 =	vld.idx.msk [tilespmem:v1+s7+$0x0 ss:$0x1], $0xffff;
	[tilespmem:v3+s0+$0x0 ss:$0x1] =	vst.idx.msk $0xffff, v4  }
0xc8: {  	v7 =	vshll.u32 v38, $0x3;
	v43 =	vshll.u32 v39, $0x3;
	v42 =	vld.idx.msk [tilespmem:v1+s29+$0x0 ss:$0x1], $0xffff  }
0xc9: {  	s30 =	sor.u32 $0x2B0, s23;
	v8 =	vshll.u32 v40, $0x3;
	v7 =	vshrl.u32 v37, v7;
	v4 =	vshll.u32 v36, $0x3;
	v44 =	vld.idx.msk [tilespmem:v2+s29+$0x0 ss:$0x1], $0xffff  }
0xca: {  	v7 =	vshll.u32 v7, $0x8;
	v4 =	vshrl.u32 v35, v4;
	v45 =	vld.idx.msk [tilespmem:v1+s30+$0x0 ss:$0x1], $0xffff;
	v5 =	vshrl.u32 v5, v43  }
0xcb: {  	s31 =	sor.u32 $0x330, s23;
	v7 =	vand.u32 $0xFF00, v7;
	v46 =	vld.idx.msk [tilespmem:v2+s30+$0x0 ss:$0x1], $0xffff;
	v4 =	vand.u32 $0xFF, v4;
	v5 =	vshll.u32 v5, $0x10  }
0xcc: {  	v6 =	vshrl.u32 v41, v8;
	v47 =	vld.idx.msk [tilespmem:v2+s31+$0x0 ss:$0x1], $0xffff;
	v4 =	vor.u32 v4, v7;
	v5 =	vand.u32 $0xFF0000, v5  }
0xcd: {  	s6 =	sor.u32 $0x3B0, s23;
	v48 =	vld.idx.msk [tilespmem:v1+s31+$0x0 ss:$0x1], $0xffff;
	v4 =	vor.u32 v5, v4;
	v5 =	vshll.u32 v6, $0x18  }
0xce: {  	s9 =	sshra.s32 s9, $0x2;
	v4 =	vor.u32 v5, v4;
	v5 =	vld.idx.msk [tilespmem:v2+s6+$0x0 ss:$0x1], $0xffff  }
0xcf: {  	s7 =	sor.u32 $0x60, s23;
	[tilespmem:v3+s9+$0x0 ss:$0x1] =	vst.idx.msk $0xffff, v4;
	v4 =	vld.idx.msk [tilespmem:v1+s6+$0x0 ss:$0x1], $0xffff  }
0xd0: {  	v49 =	vld.idx.msk [tilespmem:v1+s7+$0x0 ss:$0x1], $0xffff  }
0xd1: {  	v11 =	vshll.u32 v44, $0x3;
	v12 =	vshll.u32 v46, $0x3;
	s9 =	sor.u32 $0xE0, s23;
	v50 =	vld.idx.msk [tilespmem:v2+s7+$0x0 ss:$0x1], $0xffff  }
0xd2: {  	v7 =	vshll.u32 v47, $0x3;
	v10 =	vshrl.u32 v42, v11;
	v9 =	vshrl.u32 v45, v12;
	v51 =	vld.idx.msk [tilespmem:v1+s9+$0x0 ss:$0x1], $0xffff  }
0xd3: {  	s25 =	sor.u32 $0x160, s23;
	v6 =	vshrl.u32 v48, v7;
	v10 =	vand.u32 $0xFF, v10;
	v9 =	vshll.u32 v9, $0x8;
	v52 =	vld.idx.msk [tilespmem:v2+s9+$0x0 ss:$0x1], $0xffff  }
0xd4: {  	s29 =	sor.u32 $0x1E0, s23;
	v6 =	vshll.u32 v6, $0x10;
	v53 =	vld.idx.msk [tilespmem:v2+s25+$0x0 ss:$0x1], $0xffff;
	v9 =	vand.u32 $0xFF00, v9;
	v5 =	vshll.u32 v5, $0x3  }
0xd5: {  	v54 =	vld.idx.msk [tilespmem:v2+s29+$0x0 ss:$0x1], $0xffff;
	v6 =	vand.u32 $0xFF0000, v6;
	v9 =	vor.u32 v10, v9;
	v4 =	vshrl.u32 v4, v5  }
0xd6: {  	s30 =	sor.u32 $0x2C0, s23;
	v6 =	vor.u32 v6, v9;
	v5 =	vld.idx.msk [tilespmem:v1+s25+$0x0 ss:$0x1], $0xffff;
	v4 =	vshll.u32 v4, $0x18  }
0xd7: {  	s31 =	sshrl.u32 s30, $0x2;
	v4 =	vor.u32 v4, v6  }
0xd8: {  	v55 =	vld.idx.msk [tilespmem:v1+s29+$0x0 ss:$0x1], $0xffff;
	[tilespmem:v3+s31+$0x0 ss:$0x1] =	vst.idx.msk $0xffff, v4  }
0xd9: {  	v7 =	vshll.u32 v52, $0x3;
	v57 =	vshll.u32 v53, $0x3;
	v56 =	vld.idx.msk [tilespmem:v1+s4+$0x0 ss:$0x1], $0xffff  }
0xda: {  	v60 =	vshll.u32 v54, $0x3;
	v7 =	vshrl.u32 v51, v7;
	v4 =	vshll.u32 v50, $0x3;
	v58 =	vld.idx.msk [tilespmem:v2+s4+$0x0 ss:$0x1], $0xffff  }
0xdb: {  	v7 =	vshll.u32 v7, $0x8;
	v4 =	vshrl.u32 v49, v4;
	v59 =	vld.idx.msk [tilespmem:v1+s30+$0x0 ss:$0x1], $0xffff;
	v5 =	vshrl.u32 v5, v57  }
0xdc: {  	s0 =	sor.u32 $0x340, s23;
	v7 =	vand.u32 $0xFF00, v7;
	v61 =	vld.idx.msk [tilespmem:v2+s30+$0x0 ss:$0x1], $0xffff;
	v4 =	vand.u32 $0xFF, v4;
	v5 =	vshll.u32 v5, $0x10  }
0xdd: {  	v6 =	vshrl.u32 v55, v60;
	v62 =	vld.idx.msk [tilespmem:v2+s0+$0x0 ss:$0x1], $0xffff;
	v4 =	vor.u32 v4, v7;
	v5 =	vand.u32 $0xFF0000, v5  }
0xde: {  	s25 =	sor.u32 $0x3C0, s23;
	v63 =	vld.idx.msk [tilespmem:v1+s0+$0x0 ss:$0x1], $0xffff;
	v4 =	vor.u32 v5, v4;
	v5 =	vshll.u32 v6, $0x18  }
0xdf: {  	v4 =	vor.u32 v5, v4;
	v5 =	vld.idx.msk [tilespmem:v2+s25+$0x0 ss:$0x1], $0xffff  }
0xe0: {  	s6 =	sshra.s32 s28, $0x2;
	v16 =	vld.idx.msk [tilespmem:v1+s25+$0x0 ss:$0x1], $0xffff  }
0xe1: {  	s7 =	sor.u32 $0x70, s23;
	v17 =	vshll.u32 v61, $0x3;
	[tilespmem:v3+s6+$0x0 ss:$0x1] =	vst.idx.msk $0xffff, v4;
	v4 =	vshll.u32 v58, $0x3  }
0xe2: {  	v7 =	vshll.u32 v62, $0x3;
	v11 =	vshrl.u32 v59, v17;
	v8 =	vld.idx.msk [tilespmem:v1+s7+$0x0 ss:$0x1], $0xffff;
	v4 =	vshrl.u32 v56, v4  }
0xe3: {  	s9 =	sor.u32 $0xF0, s23;
	v6 =	vshrl.u32 v63, v7;
	v9 =	vld.idx.msk [tilespmem:v2+s7+$0x0 ss:$0x1], $0xffff;
	v18 =	vand.u32 $0xFF, v4;
	v4 =	vshll.u32 v11, $0x8  }
0xe4: {  	v10 =	vld.idx.msk [tilespmem:v1+s9+$0x0 ss:$0x1], $0xffff;
	v6 =	vshll.u32 v6, $0x10;
	v19 =	vand.u32 $0xFF00, v4;
	v5 =	vshll.u32 v5, $0x3  }
0xe5: {  	s28 =	sor.u32 $0x170, s23;
	v11 =	vld.idx.msk [tilespmem:v2+s9+$0x0 ss:$0x1], $0xffff;
	v20 =	vand.u32 $0xFF0000, v6;
	v7 =	vor.u32 v18, v19;
	v5 =	vshrl.u32 v16, v5  }
0xe6: {  	s7 =	sor.u32 $0x400, s23;
	v6 =	vld.idx.msk [tilespmem:v2+s28+$0x0 ss:$0x1], $0xffff;
	v7 =	vor.u32 v20, v7;
	v21 =	vshll.u32 v5, $0x18  }
0xe7: {  	s1 =	sshrl.u32 s1, $0x2;
	v25 =	vld.idx.msk [tilespmem:v2+s7+$0x0 ss:$0x1], $0xffff;
	v12 =	vor.u32 v21, v7  }
0xe8: {  	s30 =	sor.u32 $0x250, s23;
	v4 =	vld.idx.msk [tilespmem:v1+s28+$0x0 ss:$0x1], $0xffff;
	[tilespmem:v3+s1+$0x0 ss:$0x1] =	vst.idx.msk $0xffff, v12  }
0xe9: {  	v12 =	vld.idx.msk [tilespmem:v1+s30+$0x0 ss:$0x1], $0xffff  }
0xea: {  	s31 =	sor.u32 $0x2D0, s23;
	v22 =	vld.idx.msk [tilespmem:v2+s30+$0x0 ss:$0x1], $0xffff  }
0xeb: {  	v14 =	vld.idx.msk [tilespmem:v1+s31+$0x0 ss:$0x1], $0xffff  }
0xec: {  	s4 =	sor.u32 $0x350, s23;
	v15 =	vld.idx.msk [tilespmem:v2+s31+$0x0 ss:$0x1], $0xffff  }
0xed: {  	s6 =	sor.u32 $0x3D0, s23;
	v16 =	vld.idx.msk [tilespmem:v2+s4+$0x0 ss:$0x1], $0xffff  }
0xee: {  	v18 =	vld.idx.msk [tilespmem:v2+s6+$0x0 ss:$0x1], $0xffff  }
0xef: {  	s28 =	sand.u32 $0x3FFFFE00, s7;
	v17 =	vld.idx.msk [tilespmem:v1+s4+$0x0 ss:$0x1], $0xffff  }
0xf0: {  	v20 =	vld.idx.msk [tilespmem:v1+s28+$0x0 ss:$0x1], $0xffff  }
0xf1: {  	s28 =	sor.u32 $0x580, s23;
	v19 =	vld.idx.msk [tilespmem:v1+s6+$0x0 ss:$0x1], $0xffff  }
0xf2: {  	v33 =	vld.idx.msk [tilespmem:v2+s28+$0x0 ss:$0x1], $0xffff;
	s4 =	sor.u32 $0x480, s23;
	v13 =	vshll.u32 v22, $0x3;
	v15 =	vshll.u32 v15, $0x3  }
0xf3: {  	v26 =	vld.idx.msk [tilespmem:v1+s4+$0x0 ss:$0x1], $0xffff;
	v24 =	vshll.u32 v16, $0x3;
	v27 =	vshll.u32 v18, $0x3;
	v23 =	vshrl.u32 v14, v15  }
0xf4: {  	s31 =	sor.u32 $0x500, s23;
	v28 =	vld.idx.msk [tilespmem:v2+s4+$0x0 ss:$0x1], $0xffff;
	v12 =	vshrl.u32 v12, v13;
	v14 =	vshrl.u32 v17, v24;
	v13 =	vshll.u32 v23, $0x8  }
0xf5: {  	v21 =	vld.idx.msk [tilespmem:v2+s31+$0x0 ss:$0x1], $0xffff;
	v12 =	vand.u32 $0xFF, v12;
	v14 =	vshll.u32 v14, $0x10;
	v13 =	vand.u32 $0xFF00, v13  }
0xf6: {  	s29 =	sor.u32 $0x1F0, s23;
	v32 =	vld.idx.msk [tilespmem:v1+s31+$0x0 ss:$0x1], $0xffff;
	v30 =	vshrl.u32 v19, v27;
	v29 =	vand.u32 $0xFF0000, v14;
	v12 =	vor.u32 v12, v13  }
0xf7: {  	v5 =	vld.idx.msk [tilespmem:v1+s29+$0x0 ss:$0x1], $0xffff;
	v31 =	vshll.u32 v30, $0x18;
	v12 =	vor.u32 v29, v12  }
0xf8: {  	s0 =	sshrl.u32 s0, $0x2;
	v34 =	vld.idx.msk [tilespmem:v1+s28+$0x0 ss:$0x1], $0xffff;
	v12 =	vor.u32 v31, v12  }
0xf9: {  	v7 =	vld.idx.msk [tilespmem:v2+s29+$0x0 ss:$0x1], $0xffff;
	s29 =	sor.u32 $0x260, s23;
	v38 =	vshll.u32 v33, $0x3;
	v18 =	vshll.u32 v28, $0x3;
	[tilespmem:v3+s0+$0x0 ss:$0x1] =	vst.idx.msk $0xffff, v12  }
0xfa: {  	v15 =	vshll.u32 v25, $0x3;
	v35 =	vshll.u32 v21, $0x3;
	v18 =	vshrl.u32 v26, v18;
	v16 =	vld.idx.msk [tilespmem:v1+s29+$0x0 ss:$0x1], $0xffff  }
0xfb: {  	s30 =	sor.u32 $0x2E0, s23;
	v15 =	vshrl.u32 v20, v15;
	v36 =	vshll.u32 v18, $0x8;
	v14 =	vshrl.u32 v32, v35;
	v19 =	vld.idx.msk [tilespmem:v2+s29+$0x0 ss:$0x1], $0xffff  }
0xfc: {  	v15 =	vand.u32 $0xFF, v15;
	v37 =	vand.u32 $0xFF00, v36;
	v14 =	vshll.u32 v14, $0x10;
	v17 =	vld.idx.msk [tilespmem:v1+s30+$0x0 ss:$0x1], $0xffff  }
0xfd: {  	s1 =	sor.u32 $0x360, s23;
	v20 =	vor.u32 v15, v37;
	v14 =	vand.u32 $0xFF0000, v14;
	v12 =	vshrl.u32 v34, v38;
	v18 =	vld.idx.msk [tilespmem:v2+s30+$0x0 ss:$0x1], $0xffff  }
0xfe: {  	v14 =	vor.u32 v14, v20;
	v13 =	vld.idx.msk [tilespmem:v1+s1+$0x0 ss:$0x1], $0xffff;
	v39 =	vshll.u32 v12, $0x18  }
0xff: {  	s7 =	sshrl.u32 s7, $0x2;
	s6 =	sor.u32 $0x3E0, s23;
	v15 =	vld.idx.msk [tilespmem:v2+s1+$0x0 ss:$0x1], $0xffff;
	v20 =	vor.u32 v39, v14  }
0x100: {  	s9 =	sor.u32 $0x410, s23;
	v12 =	vld.idx.msk [tilespmem:v1+s6+$0x0 ss:$0x1], $0xffff;
	[tilespmem:v3+s7+$0x0 ss:$0x1] =	vst.idx.msk $0xffff, v20  }
0x101: {  	v20 =	vld.idx.msk [tilespmem:v1+s9+$0x0 ss:$0x1], $0xffff  }
0x102: {  	s29 =	sor.u32 $0x490, s23;
	v40 =	vld.idx.msk [tilespmem:v2+s9+$0x0 ss:$0x1], $0xffff  }
0x103: {  	v22 =	vld.idx.msk [tilespmem:v1+s29+$0x0 ss:$0x1], $0xffff  }
0x104: {  	s30 =	sor.u32 $0x510, s23;
	v23 =	vld.idx.msk [tilespmem:v2+s29+$0x0 ss:$0x1], $0xffff  }
0x105: {  	s1 =	sor.u32 $0x590, s23;
	v24 =	vld.idx.msk [tilespmem:v2+s30+$0x0 ss:$0x1], $0xffff  }
0x106: {  	v26 =	vld.idx.msk [tilespmem:v2+s1+$0x0 ss:$0x1], $0xffff  }
0x107: {  	s0 =	sor.u32 $0x680, s23;
	v25 =	vld.idx.msk [tilespmem:v1+s30+$0x0 ss:$0x1], $0xffff  }
0x108: {  	v44 =	vld.idx.msk [tilespmem:v1+s0+$0x0 ss:$0x1], $0xffff  }
0x109: {  	v27 =	vld.idx.msk [tilespmem:v1+s1+$0x0 ss:$0x1], $0xffff  }
0x10a: {  	v46 =	vld.idx.msk [tilespmem:v2+s0+$0x0 ss:$0x1], $0xffff;
	v21 =	vshll.u32 v40, $0x3;
	v23 =	vshll.u32 v23, $0x3  }
0x10b: {  	v14 =	vld.idx.msk [tilespmem:v2+s6+$0x0 ss:$0x1], $0xffff;
	s9 =	sor.u32 $0x600, s23;
	v42 =	vshll.u32 v24, $0x3;
	v45 =	vshll.u32 v26, $0x3;
	v41 =	vshrl.u32 v22, v23  }
0x10c: {  	s1 =	sor.u32 $0x700, s23;
	v43 =	vld.idx.msk [tilespmem:v2+s9+$0x0 ss:$0x1], $0xffff;
	v20 =	vshrl.u32 v20, v21;
	v22 =	vshrl.u32 v25, v42;
	v21 =	vshll.u32 v41, $0x8  }
0x10d: {  	s6 =	sand.u32 $0x3FFFFE00, s9;
	v49 =	vld.idx.msk [tilespmem:v2+s1+$0x0 ss:$0x1], $0xffff;
	v20 =	vand.u32 $0xFF, v20;
	v22 =	vshll.u32 v22, $0x10;
	v21 =	vand.u32 $0xFF00, v21  }
0x10e: {  	v28 =	vld.idx.msk [tilespmem:v1+s6+$0x0 ss:$0x1], $0xffff;
	v48 =	vshrl.u32 v27, v45;
	v47 =	vand.u32 $0xFF0000, v22;
	v20 =	vor.u32 v20, v21  }
0x10f: {  	s30 =	sor.u32 $0x440, s23;
	s29 =	sor.u32 $0x780, s23;
	v51 =	vld.idx.msk [tilespmem:v1+s1+$0x0 ss:$0x1], $0xffff;
	v50 =	vshll.u32 v48, $0x18;
	v20 =	vor.u32 v47, v20  }
0x110: {  	v52 =	vld.idx.msk [tilespmem:v2+s29+$0x0 ss:$0x1], $0xffff;
	s6 =	sshrl.u32 s30, $0x2;
	v20 =	vor.u32 v50, v20  }
0x111: {  	s7 =	sor.u32 $0x420, s23;
	v53 =	vld.idx.msk [tilespmem:v1+s29+$0x0 ss:$0x1], $0xffff;
	[tilespmem:v3+s6+$0x0 ss:$0x1] =	vst.idx.msk $0xffff, v20  }
0x112: {  	v26 =	vshll.u32 v46, $0x3;
	v23 =	vshll.u32 v43, $0x3;
	v54 =	vld.idx.msk [tilespmem:v1+s7+$0x0 ss:$0x1], $0xffff  }
0x113: {  	v24 =	vshrl.u32 v44, v26;
	v25 =	vshll.u32 v49, $0x3;
	v23 =	vshrl.u32 v28, v23;
	v55 =	vld.idx.msk [tilespmem:v2+s7+$0x0 ss:$0x1], $0xffff;
	s7 =	sor.u32 $0x4A0, s23  }
0x114: {  	v24 =	vshll.u32 v24, $0x8;
	v23 =	vand.u32 $0xFF, v23;
	v22 =	vshrl.u32 v51, v25;
	v56 =	vld.idx.msk [tilespmem:v1+s7+$0x0 ss:$0x1], $0xffff  }
0x115: {  	v24 =	vand.u32 $0xFF00, v24;
	v22 =	vshll.u32 v22, $0x10;
	v21 =	vshll.u32 v52, $0x3;
	v57 =	vld.idx.msk [tilespmem:v2+s7+$0x0 ss:$0x1], $0xffff;
	s7 =	sor.u32 $0x520, s23  }
0x116: {  	v23 =	vor.u32 v23, v24;
	v22 =	vand.u32 $0xFF0000, v22;
	v20 =	vshrl.u32 v53, v21;
	v58 =	vld.idx.msk [tilespmem:v2+s7+$0x0 ss:$0x1], $0xffff  }
0x117: {  	v22 =	vor.u32 v22, v23;
	v20 =	vshll.u32 v20, $0x18;
	v59 =	vld.idx.msk [tilespmem:v1+s7+$0x0 ss:$0x1], $0xffff;
	s7 =	sor.u32 $0x5A0, s23  }
0x118: {  	s9 =	sshrl.u32 s9, $0x2;
	v20 =	vor.u32 v20, v22;
	v60 =	vld.idx.msk [tilespmem:v2+s7+$0x0 ss:$0x1], $0xffff  }
0x119: {  	[tilespmem:v3+s9+$0x0 ss:$0x1] =	vst.idx.msk $0xffff, v20;
	s9 =	sor.u32 $0x610, s23;
	v61 =	vld.idx.msk [tilespmem:v1+s7+$0x0 ss:$0x1], $0xffff  }
0x11a: {  	v63 =	vld.idx.msk [tilespmem:v1+s9+$0x0 ss:$0x1], $0xffff;
	v62 =	vshll.u32 v55, $0x3;
	v25 =	vshll.u32 v57, $0x3  }
0x11b: {  	v31 =	vld.idx.msk [tilespmem:v2+s9+$0x0 ss:$0x1], $0xffff;
	s7 =	sor.u32 $0x690, s23;
	v20 =	vshrl.u32 v54, v62;
	v25 =	vshrl.u32 v56, v25;
	v24 =	vshll.u32 v58, $0x3  }
0x11c: {  	v32 =	vld.idx.msk [tilespmem:v1+s7+$0x0 ss:$0x1], $0xffff;
	v20 =	vand.u32 $0xFF, v20;
	v25 =	vshll.u32 v25, $0x8;
	v21 =	vshrl.u32 v59, v24  }
0x11d: {  	s9 =	sor.u32 $0x710, s23;
	v33 =	vld.idx.msk [tilespmem:v2+s7+$0x0 ss:$0x1], $0xffff;
	v23 =	vshll.u32 v60, $0x3;
	v25 =	vand.u32 $0xFF00, v25;
	v21 =	vshll.u32 v21, $0x10  }
0x11e: {  	v34 =	vld.idx.msk [tilespmem:v2+s9+$0x0 ss:$0x1], $0xffff;
	v22 =	vshrl.u32 v61, v23;
	v20 =	vor.u32 v20, v25;
	v21 =	vand.u32 $0xFF0000, v21  }
0x11f: {  	v36 =	vld.idx.msk [tilespmem:v1+s9+$0x0 ss:$0x1], $0xffff;
	s7 =	sor.u32 $0x790, s23;
	v35 =	vshll.u32 v22, $0x18;
	v20 =	vor.u32 v21, v20  }
0x120: {  	s4 =	sshrl.u32 s4, $0x2;
	v37 =	vld.idx.msk [tilespmem:v2+s7+$0x0 ss:$0x1], $0xffff;
	v20 =	vor.u32 v35, v20  }
0x121: {  	s9 =	sor.u32 $0x430, s23;
	v38 =	vld.idx.msk [tilespmem:v1+s7+$0x0 ss:$0x1], $0xffff;
	[tilespmem:v3+s4+$0x0 ss:$0x1] =	vst.idx.msk $0xffff, v20  }
0x122: {  	v39 =	vld.idx.msk [tilespmem:v1+s9+$0x0 ss:$0x1], $0xffff  }
0x123: {  	s7 =	sor.u32 $0x4B0, s23;
	v26 =	vshll.u32 v31, $0x3;
	v27 =	vshll.u32 v33, $0x3;
	v40 =	vld.idx.msk [tilespmem:v2+s9+$0x0 ss:$0x1], $0xffff  }
0x124: {  	v26 =	vshrl.u32 v63, v26;
	v23 =	vshll.u32 v34, $0x3;
	v24 =	vshrl.u32 v32, v27;
	v41 =	vld.idx.msk [tilespmem:v1+s7+$0x0 ss:$0x1], $0xffff  }
0x125: {  	s6 =	sor.u32 $0x5B0, s23;
	v26 =	vand.u32 $0xFF, v26;
	v22 =	vshrl.u32 v36, v23;
	v24 =	vshll.u32 v24, $0x8;
	v42 =	vld.idx.msk [tilespmem:v2+s7+$0x0 ss:$0x1], $0xffff  }
0x126: {  	v22 =	vshll.u32 v22, $0x10;
	v21 =	vshll.u32 v37, $0x3;
	v24 =	vand.u32 $0xFF00, v24;
	s9 =	sor.u32 $0x530, s23;
	v45 =	vld.idx.msk [tilespmem:v2+s6+$0x0 ss:$0x1], $0xffff  }
0x127: {  	v22 =	vand.u32 $0xFF0000, v22;
	v24 =	vor.u32 v26, v24;
	v20 =	vshrl.u32 v38, v21;
	v43 =	vld.idx.msk [tilespmem:v2+s9+$0x0 ss:$0x1], $0xffff  }
0x128: {  	v22 =	vor.u32 v22, v24;
	v20 =	vshll.u32 v20, $0x18;
	v44 =	vld.idx.msk [tilespmem:v1+s9+$0x0 ss:$0x1], $0xffff;
	s9 =	sor.u32 $0x640, s23  }
0x129: {  	v20 =	vor.u32 v20, v22;
	s7 =	sshrl.u32 s9, $0x2  }
0x12a: {  	v46 =	vld.idx.msk [tilespmem:v1+s6+$0x0 ss:$0x1], $0xffff;
	[tilespmem:v3+s7+$0x0 ss:$0x1] =	vst.idx.msk $0xffff, v20;
	s7 =	sor.u32 $0x620, s23  }
0x12b: {  	v48 =	vld.idx.msk [tilespmem:v1+s7+$0x0 ss:$0x1], $0xffff;
	v47 =	vshll.u32 v40, $0x3;
	v23 =	vshll.u32 v42, $0x3  }
0x12c: {  	s6 =	sor.u32 $0x6A0, s23;
	v50 =	vld.idx.msk [tilespmem:v2+s7+$0x0 ss:$0x1], $0xffff;
	v24 =	vshll.u32 v45, $0x3;
	v23 =	vshrl.u32 v41, v23;
	v49 =	vshll.u32 v43, $0x3  }
0x12d: {  	v51 =	vld.idx.msk [tilespmem:v1+s6+$0x0 ss:$0x1], $0xffff;
	v20 =	vshrl.u32 v39, v47;
	v23 =	vshll.u32 v23, $0x8;
	v21 =	vshrl.u32 v44, v49  }
0x12e: {  	v52 =	vld.idx.msk [tilespmem:v2+s6+$0x0 ss:$0x1], $0xffff;
	s7 =	sor.u32 $0x720, s23;
	v20 =	vand.u32 $0xFF, v20;
	v23 =	vand.u32 $0xFF00, v23;
	v21 =	vshll.u32 v21, $0x10  }
0x12f: {  	v53 =	vld.idx.msk [tilespmem:v2+s7+$0x0 ss:$0x1], $0xffff;
	v22 =	vshrl.u32 v46, v24;
	v20 =	vor.u32 v20, v23;
	v21 =	vand.u32 $0xFF0000, v21  }
0x130: {  	s4 =	sor.u32 $0x7A0, s23;
	s6 =	sor.u32 $0x4C0, s23;
	v55 =	vld.idx.msk [tilespmem:v1+s7+$0x0 ss:$0x1], $0xffff;
	v54 =	vshll.u32 v22, $0x18;
	v20 =	vor.u32 v21, v20  }
0x131: {  	v57 =	vld.idx.msk [tilespmem:v2+s4+$0x0 ss:$0x1], $0xffff;
	s7 =	sshrl.u32 s6, $0x2;
	v56 =	vor.u32 v54, v20  }
0x132: {  	v19 =	vshll.u32 v19, $0x3;
	v58 =	vld.idx.msk [tilespmem:v1+s4+$0x0 ss:$0x1], $0xffff;
	[tilespmem:v3+s7+$0x0 ss:$0x1] =	vst.idx.msk $0xffff, v56  }
0x133: {  	v16 =	vshrl.u32 v16, v19;
	v60 =	vshll.u32 v50, $0x3;
	v61 =	vshll.u32 v52, $0x3;
	v59 =	vld.idx.msk [tilespmem:v1+s30+$0x0 ss:$0x1], $0xffff  }
0x134: {  	v21 =	vshrl.u32 v48, v60;
	v24 =	vshrl.u32 v51, v61;
	v23 =	vshll.u32 v53, $0x3;
	v62 =	vld.idx.msk [tilespmem:v2+s30+$0x0 ss:$0x1], $0xffff  }
0x135: {  	v21 =	vand.u32 $0xFF, v21;
	v24 =	vshll.u32 v24, $0x8;
	v22 =	vshrl.u32 v55, v23;
	v63 =	vld.idx.msk [tilespmem:v1+s6+$0x0 ss:$0x1], $0xffff  }
0x136: {  	s4 =	sor.u32 $0x540, s23;
	v20 =	vshll.u32 v57, $0x3;
	v24 =	vand.u32 $0xFF00, v24;
	v22 =	vshll.u32 v22, $0x10;
	v30 =	vld.idx.msk [tilespmem:v2+s6+$0x0 ss:$0x1], $0xffff  }
0x137: {  	v19 =	vshrl.u32 v58, v20;
	v31 =	vld.idx.msk [tilespmem:v1+s4+$0x0 ss:$0x1], $0xffff;
	v21 =	vor.u32 v21, v24;
	v22 =	vand.u32 $0xFF0000, v22  }
0x138: {  	v32 =	vld.idx.msk [tilespmem:v2+s4+$0x0 ss:$0x1], $0xffff;
	s30 =	sor.u32 $0x5C0, s23;
	v19 =	vshll.u32 v19, $0x18;
	v21 =	vor.u32 v22, v21  }
0x139: {  	s0 =	sshrl.u32 s0, $0x2;
	v18 =	vshll.u32 v18, $0x3;
	v33 =	vld.idx.msk [tilespmem:v1+s30+$0x0 ss:$0x1], $0xffff;
	v19 =	vor.u32 v19, v21  }
0x13a: {  	v15 =	vshll.u32 v15, $0x3;
	v17 =	vshrl.u32 v17, v18;
	s6 =	sor.u32 $0x630, s23;
	v34 =	vld.idx.msk [tilespmem:v2+s30+$0x0 ss:$0x1], $0xffff;
	[tilespmem:v3+s0+$0x0 ss:$0x1] =	vst.idx.msk $0xffff, v19  }
0x13b: {  	v13 =	vshrl.u32 v13, v15;
	v14 =	vshll.u32 v14, $0x3;
	v17 =	vshll.u32 v17, $0x8;
	v35 =	vld.idx.msk [tilespmem:v1+s6+$0x0 ss:$0x1], $0xffff  }
0x13c: {  	v16 =	vand.u32 $0xFF, v16;
	v13 =	vshll.u32 v13, $0x10;
	v17 =	vand.u32 $0xFF00, v17;
	s7 =	sor.u32 $0x6B0, s23;
	v36 =	vld.idx.msk [tilespmem:v2+s6+$0x0 ss:$0x1], $0xffff  }
0x13d: {  	v12 =	vshrl.u32 v12, v14;
	v13 =	vand.u32 $0xFF0000, v13;
	v16 =	vor.u32 v16, v17;
	v19 =	vld.idx.msk [tilespmem:v1+s7+$0x0 ss:$0x1], $0xffff  }
0x13e: {  	v12 =	vshll.u32 v12, $0x18;
	v13 =	vor.u32 v13, v16;
	s0 =	sor.u32 $0x7B0, s23;
	v40 =	vld.idx.msk [tilespmem:v2+s7+$0x0 ss:$0x1], $0xffff  }
0x13f: {  	v12 =	vor.u32 v12, v13;
	v44 =	vld.idx.msk [tilespmem:v2+s0+$0x0 ss:$0x1], $0xffff;
	v37 =	vshll.u32 v62, $0x3  }
0x140: {  	s6 =	sor.u32 $0x730, s23;
	v47 =	vld.idx.msk [tilespmem:v1+s0+$0x0 ss:$0x1], $0xffff;
	v38 =	vshll.u32 v30, $0x3;
	v39 =	vshll.u32 v32, $0x3;
	v13 =	vshrl.u32 v59, v37  }
0x141: {  	v41 =	vld.idx.msk [tilespmem:v2+s6+$0x0 ss:$0x1], $0xffff;
	v16 =	vshrl.u32 v63, v38;
	v18 =	vshrl.u32 v31, v39;
	v21 =	vshll.u32 v34, $0x3  }
0x142: {  	v42 =	vld.idx.msk [tilespmem:v1+s6+$0x0 ss:$0x1], $0xffff;
	v13 =	vand.u32 $0xFF, v13;
	v16 =	vshll.u32 v16, $0x8;
	v18 =	vshll.u32 v18, $0x10  }
0x143: {  	v15 =	vshrl.u32 v33, v21;
	v16 =	vand.u32 $0xFF00, v16;
	v43 =	vand.u32 $0xFF0000, v18  }
0x144: {  	s7 =	sshrl.u32 s26, $0x2;
	v46 =	vshll.u32 v15, $0x18;
	v13 =	vor.u32 v13, v16;
	v49 =	vshll.u32 v36, $0x3  }
0x145: {  	s26 =	sor.u32 $0x270, s23;
	[tilespmem:v3+s7+$0x0 ss:$0x1] =	vst.idx.msk $0xffff, v12;
	v50 =	vshll.u32 v40, $0x3;
	v18 =	vshll.u32 v44, $0x3;
	v45 =	vor.u32 v43, v13  }
0x146: {  	s7 =	sor.u32 $0x2F0, s23;
	v17 =	vld.idx.msk [tilespmem:v2+s26+$0x0 ss:$0x1], $0xffff;
	v14 =	vshrl.u32 v35, v49;
	v13 =	vshrl.u32 v19, v50;
	v51 =	vshll.u32 v41, $0x3  }
0x147: {  	v12 =	vld.idx.msk [tilespmem:v1+s7+$0x0 ss:$0x1], $0xffff;
	v18 =	vshrl.u32 v47, v18;
	v13 =	vshll.u32 v13, $0x8;
	v19 =	vshrl.u32 v42, v51  }
0x148: {  	v16 =	vld.idx.msk [tilespmem:v1+s26+$0x0 ss:$0x1], $0xffff;
	s26 =	sor.u32 $0x370, s23;
	v52 =	vand.u32 $0xFF, v14;
	v53 =	vand.u32 $0xFF00, v13;
	v19 =	vshll.u32 v19, $0x10  }
0x149: {  	s31 =	sshrl.u32 s31, $0x2;
	v15 =	vld.idx.msk [tilespmem:v2+s26+$0x0 ss:$0x1], $0xffff;
	v48 =	vor.u32 v46, v45;
	v20 =	vor.u32 v52, v53;
	v19 =	vand.u32 $0xFF0000, v19  }
0x14a: {  	v14 =	vld.idx.msk [tilespmem:v2+s7+$0x0 ss:$0x1], $0xffff;
	v18 =	vshll.u32 v18, $0x18;
	[tilespmem:v3+s31+$0x0 ss:$0x1] =	vst.idx.msk $0xffff, v48;
	s31 =	sor.u32 $0x6C0, s23;
	v19 =	vor.u32 v19, v20  }
0x14b: {  	s7 =	sor.u32 $0x450, s23;
	v13 =	vld.idx.msk [tilespmem:v1+s26+$0x0 ss:$0x1], $0xffff;
	s26 =	sshrl.u32 s31, $0x2;
	v18 =	vor.u32 v18, v19  }
0x14c: {  	v54 =	vld.idx.msk [tilespmem:v1+s7+$0x0 ss:$0x1], $0xffff;
	[tilespmem:v3+s26+$0x0 ss:$0x1] =	vst.idx.msk $0xffff, v18  }
0x14d: {  	v18 =	vld.idx.msk [tilespmem:v1+s9+$0x0 ss:$0x1], $0xffff  }
0x14e: {  	v55 =	vld.idx.msk [tilespmem:v2+s9+$0x0 ss:$0x1], $0xffff  }
0x14f: {  	v56 =	vld.idx.msk [tilespmem:v1+s31+$0x0 ss:$0x1], $0xffff  }
0x150: {  	s0 =	sor.u32 $0x740, s23;
	v57 =	vld.idx.msk [tilespmem:v2+s31+$0x0 ss:$0x1], $0xffff  }
0x151: {  	s26 =	sor.u32 $0x7C0, s23;
	v58 =	vld.idx.msk [tilespmem:v2+s0+$0x0 ss:$0x1], $0xffff  }
0x152: {  	v60 =	vld.idx.msk [tilespmem:v2+s26+$0x0 ss:$0x1], $0xffff  }
0x153: {  	v59 =	vld.idx.msk [tilespmem:v1+s0+$0x0 ss:$0x1], $0xffff  }
0x154: {  	v21 =	vld.idx.msk [tilespmem:v2+s7+$0x0 ss:$0x1], $0xffff  }
0x155: {  	s7 =	sor.u32 $0x550, s23;
	v61 =	vld.idx.msk [tilespmem:v1+s26+$0x0 ss:$0x1], $0xffff  }
0x156: {  	v31 =	vld.idx.msk [tilespmem:v1+s7+$0x0 ss:$0x1], $0xffff;
	v19 =	vshll.u32 v55, $0x3;
	v23 =	vshll.u32 v57, $0x3  }
0x157: {  	v32 =	vld.idx.msk [tilespmem:v2+s7+$0x0 ss:$0x1], $0xffff;
	s31 =	sor.u32 $0x4D0, s23;
	v30 =	vshll.u32 v58, $0x3;
	v33 =	vshll.u32 v60, $0x3;
	v63 =	vshrl.u32 v56, v23  }
0x158: {  	v62 =	vld.idx.msk [tilespmem:v1+s31+$0x0 ss:$0x1], $0xffff;
	v18 =	vshrl.u32 v18, v19;
	v22 =	vshrl.u32 v59, v30;
	v19 =	vshll.u32 v63, $0x8  }
0x159: {  	s9 =	sor.u32 $0x5D0, s23;
	v29 =	vld.idx.msk [tilespmem:v2+s31+$0x0 ss:$0x1], $0xffff;
	v18 =	vand.u32 $0xFF, v18;
	v22 =	vshll.u32 v22, $0x10;
	v19 =	vand.u32 $0xFF00, v19  }
0x15a: {  	v35 =	vld.idx.msk [tilespmem:v1+s9+$0x0 ss:$0x1], $0xffff;
	v34 =	vshrl.u32 v61, v33;
	v22 =	vand.u32 $0xFF0000, v22;
	v18 =	vor.u32 v18, v19  }
0x15b: {  	v36 =	vld.idx.msk [tilespmem:v2+s9+$0x0 ss:$0x1], $0xffff;
	s31 =	sor.u32 $0x3F0, s23;
	v19 =	vshll.u32 v34, $0x18;
	v18 =	vor.u32 v22, v18  }
0x15c: {  	s1 =	sshrl.u32 s1, $0x2;
	v19 =	vor.u32 v19, v18;
	v18 =	vld.idx.msk [tilespmem:v1+s31+$0x0 ss:$0x1], $0xffff  }
0x15d: {  	s6 =	sor.u32 $0x650, s23;
	[tilespmem:v3+s1+$0x0 ss:$0x1] =	vst.idx.msk $0xffff, v19;
	v19 =	vld.idx.msk [tilespmem:v2+s31+$0x0 ss:$0x1], $0xffff  }
0x15e: {  	v39 =	vld.idx.msk [tilespmem:v1+s6+$0x0 ss:$0x1], $0xffff  }
0x15f: {  	s7 =	sor.u32 $0x6D0, s23;
	v21 =	vshll.u32 v21, $0x3;
	v37 =	vshll.u32 v29, $0x3;
	v40 =	vld.idx.msk [tilespmem:v2+s6+$0x0 ss:$0x1], $0xffff  }
0x160: {  	v20 =	vshrl.u32 v54, v21;
	v24 =	vshll.u32 v32, $0x3;
	v38 =	vshrl.u32 v62, v37;
	v41 =	vld.idx.msk [tilespmem:v2+s7+$0x0 ss:$0x1], $0xffff  }
0x161: {  	s9 =	sor.u32 $0x750, s23;
	v20 =	vand.u32 $0xFF, v20;
	v23 =	vshrl.u32 v31, v24;
	v21 =	vshll.u32 v38, $0x8;
	v43 =	vld.idx.msk [tilespmem:v1+s7+$0x0 ss:$0x1], $0xffff  }
0x162: {  	v23 =	vshll.u32 v23, $0x10;
	v21 =	vand.u32 $0xFF00, v21;
	v22 =	vshll.u32 v36, $0x3;
	s31 =	sor.u32 $0x7D0, s23;
	v45 =	vld.idx.msk [tilespmem:v2+s9+$0x0 ss:$0x1], $0xffff  }
0x163: {  	v42 =	vand.u32 $0xFF0000, v23;
	v20 =	vor.u32 v20, v21;
	v22 =	vshrl.u32 v35, v22;
	v47 =	vld.idx.msk [tilespmem:v2+s31+$0x0 ss:$0x1], $0xffff  }
0x164: {  	v20 =	vor.u32 v42, v20;
	v44 =	vshll.u32 v22, $0x18;
	v46 =	vld.idx.msk [tilespmem:v1+s9+$0x0 ss:$0x1], $0xffff  }
0x165: {  	v9 =	vshll.u32 v9, $0x3;
	s4 =	sshrl.u32 s4, $0x2;
	v20 =	vor.u32 v44, v20  }
0x166: {  	v11 =	vshll.u32 v11, $0x3;
	v8 =	vshrl.u32 v8, v9;
	v49 =	vld.idx.msk [tilespmem:v1+s31+$0x0 ss:$0x1], $0xffff;
	[tilespmem:v3+s4+$0x0 ss:$0x1] =	vst.idx.msk $0xffff, v20;
	s4 =	sor.u32 $0x460, s23  }
0x167: {  	v48 =	vshrl.u32 v10, v11;
	v51 =	vld.idx.msk [tilespmem:v1+s4+$0x0 ss:$0x1], $0xffff;
	v50 =	vshll.u32 v41, $0x3;
	v24 =	vshll.u32 v40, $0x3  }
0x168: {  	s6 =	sor.u32 $0x4E0, s23;
	v52 =	vld.idx.msk [tilespmem:v2+s4+$0x0 ss:$0x1], $0xffff;
	v22 =	vshll.u32 v45, $0x3;
	v20 =	vshll.u32 v47, $0x3;
	v11 =	vshrl.u32 v43, v50  }
0x169: {  	v53 =	vld.idx.msk [tilespmem:v2+s6+$0x0 ss:$0x1], $0xffff;
	v24 =	vshrl.u32 v39, v24;
	v21 =	vshrl.u32 v46, v22;
	v11 =	vshll.u32 v11, $0x8  }
0x16a: {  	s7 =	sor.u32 $0x560, s23;
	v54 =	vld.idx.msk [tilespmem:v1+s6+$0x0 ss:$0x1], $0xffff;
	v24 =	vand.u32 $0xFF, v24;
	v21 =	vshll.u32 v21, $0x10;
	v11 =	vand.u32 $0xFF00, v11  }
0x16b: {  	v55 =	vld.idx.msk [tilespmem:v2+s7+$0x0 ss:$0x1], $0xffff;
	v10 =	vshrl.u32 v49, v20;
	v21 =	vand.u32 $0xFF0000, v21;
	v11 =	vor.u32 v24, v11  }
0x16c: {  	v6 =	vshll.u32 v6, $0x3;
	s9 =	sor.u32 $0x5E0, s23;
	v56 =	vld.idx.msk [tilespmem:v1+s7+$0x0 ss:$0x1], $0xffff;
	v10 =	vshll.u32 v10, $0x18;
	v11 =	vor.u32 v21, v11  }
0x16d: {  	v4 =	vshrl.u32 v4, v6;
	v9 =	vshll.u32 v48, $0x8;
	s0 =	sshrl.u32 s0, $0x2;
	v58 =	vld.idx.msk [tilespmem:v2+s9+$0x0 ss:$0x1], $0xffff;
	v57 =	vor.u32 v10, v11  }
0x16e: {  	v8 =	vand.u32 $0xFF, v8;
	v4 =	vshll.u32 v4, $0x10;
	v9 =	vand.u32 $0xFF00, v9;
	s31 =	sor.u32 $0x660, s23;
	v61 =	vld.idx.msk [tilespmem:v1+s9+$0x0 ss:$0x1], $0xffff;
	[tilespmem:v3+s0+$0x0 ss:$0x1] =	vst.idx.msk $0xffff, v57  }
0x16f: {  	v4 =	vand.u32 $0xFF0000, v4;
	v8 =	vor.u32 v8, v9;
	v63 =	vld.idx.msk [tilespmem:v1+s31+$0x0 ss:$0x1], $0xffff  }
0x170: {  	v59 =	vshll.u32 v7, $0x3;
	s1 =	sor.u32 $0x6E0, s23;
	v60 =	vshll.u32 v53, $0x3;
	v62 =	vshll.u32 v52, $0x3;
	v24 =	vld.idx.msk [tilespmem:v2+s31+$0x0 ss:$0x1], $0xffff  }
0x171: {  	v20 =	vshll.u32 v55, $0x3;
	v7 =	vshrl.u32 v54, v60;
	v6 =	vshrl.u32 v51, v62;
	v25 =	vld.idx.msk [tilespmem:v1+s1+$0x0 ss:$0x1], $0xffff  }
0x172: {  	s4 =	sor.u32 $0x760, s23;
	v20 =	vshrl.u32 v56, v20;
	v7 =	vshll.u32 v7, $0x8;
	v6 =	vand.u32 $0xFF, v6;
	v27 =	vld.idx.msk [tilespmem:v2+s1+$0x0 ss:$0x1], $0xffff  }
0x173: {  	s6 =	sor.u32 $0x7E0, s23;
	v26 =	vshll.u32 v20, $0x10;
	v7 =	vand.u32 $0xFF00, v7;
	v10 =	vshll.u32 v58, $0x3;
	v28 =	vld.idx.msk [tilespmem:v2+s4+$0x0 ss:$0x1], $0xffff  }
0x174: {  	v6 =	vor.u32 v6, v7;
	v7 =	vand.u32 $0xFF0000, v26;
	v9 =	vshrl.u32 v61, v10;
	v31 =	vld.idx.msk [tilespmem:v2+s6+$0x0 ss:$0x1], $0xffff  }
0x175: {  	v5 =	vshrl.u32 v5, v59;
	v6 =	vor.u32 v7, v6;
	v29 =	vshll.u32 v9, $0x18;
	v30 =	vld.idx.msk [tilespmem:v1+s4+$0x0 ss:$0x1], $0xffff  }
0x176: {  	v4 =	vor.u32 v4, v8;
	v5 =	vshll.u32 v5, $0x18;
	s7 =	sshrl.u32 s28, $0x2;
	v6 =	vor.u32 v29, v6  }
0x177: {  	v4 =	vor.u32 v5, v4;
	s9 =	sor.u32 $0x470, s23;
	v32 =	vld.idx.msk [tilespmem:v1+s6+$0x0 ss:$0x1], $0xffff;
	[tilespmem:v3+s7+$0x0 ss:$0x1] =	vst.idx.msk $0xffff, v6  }
0x178: {  	v5 =	vshll.u32 v17, $0x3;
	v33 =	vld.idx.msk [tilespmem:v1+s9+$0x0 ss:$0x1], $0xffff;
	v34 =	vshll.u32 v24, $0x3;
	v35 =	vshll.u32 v27, $0x3  }
0x179: {  	s28 =	sor.u32 $0x4F0, s23;
	v36 =	vld.idx.msk [tilespmem:v2+s9+$0x0 ss:$0x1], $0xffff;
	v10 =	vshll.u32 v28, $0x3;
	v7 =	vshll.u32 v31, $0x3;
	v17 =	vshrl.u32 v25, v35  }
0x17a: {  	v37 =	vld.idx.msk [tilespmem:v1+s28+$0x0 ss:$0x1], $0xffff;
	v11 =	vshrl.u32 v63, v34;
	v9 =	vshrl.u32 v30, v10;
	v17 =	vshll.u32 v17, $0x8  }
0x17b: {  	s31 =	sor.u32 $0x570, s23;
	v38 =	vld.idx.msk [tilespmem:v2+s28+$0x0 ss:$0x1], $0xffff;
	v11 =	vand.u32 $0xFF, v11;
	v9 =	vshll.u32 v9, $0x10;
	v17 =	vand.u32 $0xFF00, v17  }
0x17c: {  	v39 =	vld.idx.msk [tilespmem:v1+s31+$0x0 ss:$0x1], $0xffff;
	v6 =	vshrl.u32 v32, v7;
	v9 =	vand.u32 $0xFF0000, v9;
	v11 =	vor.u32 v11, v17  }
0x17d: {  	v14 =	vshll.u32 v14, $0x3;
	s1 =	sor.u32 $0x5F0, s23;
	v40 =	vld.idx.msk [tilespmem:v2+s31+$0x0 ss:$0x1], $0xffff;
	v6 =	vshll.u32 v6, $0x18;
	v9 =	vor.u32 v9, v11  }
0x17e: {  	v12 =	vshrl.u32 v12, v14;
	s4 =	sshrl.u32 s29, $0x2;
	v42 =	vld.idx.msk [tilespmem:v1+s1+$0x0 ss:$0x1], $0xffff;
	v6 =	vor.u32 v6, v9  }
0x17f: {  	v5 =	vshrl.u32 v16, v5;
	v41 =	vshll.u32 v15, $0x3;
	s6 =	sor.u32 $0x670, s23;
	v43 =	vld.idx.msk [tilespmem:v2+s1+$0x0 ss:$0x1], $0xffff;
	[tilespmem:v3+s4+$0x0 ss:$0x1] =	vst.idx.msk $0xffff, v6  }
0x180: {  	v12 =	vshll.u32 v12, $0x8;
	v5 =	vand.u32 $0xFF, v5;
	v13 =	vshrl.u32 v13, v41;
	v47 =	vld.idx.msk [tilespmem:v1+s6+$0x0 ss:$0x1], $0xffff  }
0x181: {  	v44 =	vand.u32 $0xFF00, v12;
	v46 =	vshll.u32 v19, $0x3;
	v45 =	vshll.u32 v13, $0x10;
	s7 =	sor.u32 $0x6F0, s23;
	v50 =	vld.idx.msk [tilespmem:v2+s6+$0x0 ss:$0x1], $0xffff  }
0x182: {  	v5 =	vor.u32 v5, v44;
	v49 =	vshrl.u32 v18, v46;
	v48 =	vand.u32 $0xFF0000, v45;
	v52 =	vld.idx.msk [tilespmem:v2+s7+$0x0 ss:$0x1], $0xffff  }
0x183: {  	v51 =	vshll.u32 v49, $0x18;
	v5 =	vor.u32 v48, v5;
	s9 =	sor.u32 $0x770, s23;
	v10 =	vshll.u32 v38, $0x3;
	v53 =	vld.idx.msk [tilespmem:v1+s7+$0x0 ss:$0x1], $0xffff  }
0x184: {  	s23 =	sor.u32 $0x7F0, s23;
	v16 =	vshll.u32 v36, $0x3;
	v10 =	vshrl.u32 v37, v10;
	v11 =	vshll.u32 v40, $0x3;
	v54 =	vld.idx.msk [tilespmem:v2+s9+$0x0 ss:$0x1], $0xffff  }
0x185: {  	v8 =	vshrl.u32 v33, v16;
	v10 =	vshll.u32 v10, $0x8;
	v7 =	vshrl.u32 v39, v11;
	v57 =	vld.idx.msk [tilespmem:v2+s23+$0x0 ss:$0x1], $0xffff  }
0x186: {  	v8 =	vand.u32 $0xFF, v8;
	v10 =	vand.u32 $0xFF00, v10;
	v7 =	vshll.u32 v7, $0x10;
	v55 =	vld.idx.msk [tilespmem:v1+s9+$0x0 ss:$0x1], $0xffff  }
0x187: {  	v58 =	vshll.u32 v43, $0x3;
	v56 =	vor.u32 v8, v10;
	v7 =	vand.u32 $0xFF0000, v7  }
0x188: {  	v5 =	vor.u32 v51, v5;
	v60 =	vld.idx.msk [tilespmem:v1+s23+$0x0 ss:$0x1], $0xffff;
	v6 =	vor.u32 v7, v56;
	v7 =	vshrl.u32 v42, v58  }
0x189: {  	v7 =	vshll.u32 v7, $0x18;
	v59 =	vshll.u32 v52, $0x3;
	v61 =	vshll.u32 v50, $0x3  }
0x18a: {  	v11 =	vshll.u32 v54, $0x3;
	v8 =	vshll.u32 v57, $0x3;
	v9 =	vshrl.u32 v53, v59  }
0x18b: {  	p0 =	slt.u32 s22, $0x14;
	v12 =	vshrl.u32 v47, v61;
	v11 =	vshrl.u32 v55, v11;
	v9 =	vshll.u32 v9, $0x8  }
.Ltmp5:
0x18c: {  	s24 =	sshra.s32 s24, $0x2;
	v12 =	vand.u32 $0xFF, v12;
	v11 =	vshll.u32 v11, $0x10;
	v9 =	vand.u32 $0xFF00, v9;
	(pc) =	sbr.rel @p0 .LBB2_7-.Ltmp5, $4  }
0x18d: {  	[tilespmem:v3+s24+$0x0 ss:$0x1] =	vst.idx.msk $0xffff, v4;
	s28 =	sshrl.u32 s25, $0x2;
	v4 =	vshrl.u32 v60, v8;
	v62 =	vand.u32 $0xFF0000, v11;
	v9 =	vor.u32 v12, v9  }
0x18e: {  	s29 =	sshrl.u32 s30, $0x2;
	[tilespmem:v3+s28+$0x0 ss:$0x1] =	vst.idx.msk $0xffff, v5;
	v5 =	vor.u32 v7, v6;
	v4 =	vshll.u32 v4, $0x18;
	v63 =	vor.u32 v62, v9  }
0x18f: {  	s30 =	sshrl.u32 s26, $0x2;
	s31 =	sadd.s32 $0x4, s22;
	[tilespmem:v3+s29+$0x0 ss:$0x1] =	vst.idx.msk $0xffff, v5;
	v4 =	vor.u32 v4, v63  }
0x190: {  	s22 =	smov.u32 s31;
	[tilespmem:v3+s30+$0x0 ss:$0x1] =	vst.idx.msk $0xffff, v4  }
0x191: {  	v1 =	vld [tilespmem:s20+$0xC600]  }
0x192: {  	v2 =	vld [tilespmem:s21+$0x3000]  }
0x193: {  	v3 =	vld [tilespmem:s20+$0xC680]  }
0x194: {  	v4 =	vld [tilespmem:s21+$0x3080]  }
0x195: {  	v5 =	vld [tilespmem:s21+$0x3100]  }
0x196: {  	v6 =	vld [tilespmem:s20+$0xC700]  }
0x197: {  	v7 =	vld [tilespmem:s21+$0x3180];
	_ =	sdelay $0x1  }
0x198: {  	v8 =	vld [tilespmem:s20+$0xC780]  }
0x199: {  	v2 =	vshll.u32 v2, $0x3;
	v4 =	vshll.u32 v4, $0x3  }
0x19a: {  	v1 =	vshrl.u32 v1, v2;
	v2 =	vshrl.u32 v3, v4;
	v3 =	vshll.u32 v5, $0x3  }
0x19b: {  	v21 =	vshll.u32 v7, $0x3;
	v2 =	vshll.u32 v2, $0x8;
	v3 =	vshrl.u32 v6, v3  }
0x19c: {  	v1 =	vand.u32 $0xFF, v1;
	v2 =	vand.u32 $0xFF00, v2;
	v3 =	vshll.u32 v3, $0x10  }
0x19d: {  	v1 =	vor.u32 v1, v2;
	v2 =	vand.u32 $0xFF0000, v3;
	v3 =	vshrl.u32 v8, v21  }
0x19e: {  	v1 =	vor.u32 v2, v1;
	v2 =	vshll.u32 v3, $0x18  }
0x19f: {  	v1 =	vor.u32 v2, v1  }
0x1a0: {  	[tilespmem:s18+$0x10600] =	vst v1  }
0x1a1: {  	v1 =	vld [tilespmem:s20+$0xC610]  }
0x1a2: {  	v2 =	vld [tilespmem:s21+$0x3010]  }
0x1a3: {  	v3 =	vld [tilespmem:s20+$0xC690]  }
0x1a4: {  	v22 =	vld [tilespmem:s21+$0x3090]  }
0x1a5: {  	v23 =	vld [tilespmem:s21+$0x3110]  }
0x1a6: {  	v24 =	vld [tilespmem:s20+$0xC710]  }
0x1a7: {  	v25 =	vld [tilespmem:s21+$0x3190];
	_ =	sdelay $0x1  }
0x1a8: {  	v26 =	vld [tilespmem:s20+$0xC790]  }
0x1a9: {  	v2 =	vshll.u32 v2, $0x3;
	v4 =	vshll.u32 v22, $0x3  }
0x1aa: {  	v1 =	vshrl.u32 v1, v2;
	v2 =	vshrl.u32 v3, v4;
	v3 =	vshll.u32 v23, $0x3  }
0x1ab: {  	v27 =	vshll.u32 v25, $0x3;
	v2 =	vshll.u32 v2, $0x8;
	v3 =	vshrl.u32 v24, v3  }
0x1ac: {  	v1 =	vand.u32 $0xFF, v1;
	v2 =	vand.u32 $0xFF00, v2;
	v3 =	vshll.u32 v3, $0x10  }
0x1ad: {  	v1 =	vor.u32 v1, v2;
	v2 =	vand.u32 $0xFF0000, v3;
	v3 =	vshrl.u32 v26, v27  }
0x1ae: {  	v1 =	vor.u32 v2, v1;
	v2 =	vshll.u32 v3, $0x18  }
0x1af: {  	v1 =	vor.u32 v2, v1  }
0x1b0: {  	[tilespmem:s18+$0x10610] =	vst v1  }
0x1b1: {  	v1 =	vld [tilespmem:s20+$0xC620]  }
0x1b2: {  	v2 =	vld [tilespmem:s21+$0x3020]  }
0x1b3: {  	v3 =	vld [tilespmem:s20+$0xC6A0]  }
0x1b4: {  	v28 =	vld [tilespmem:s21+$0x30A0]  }
0x1b5: {  	v29 =	vld [tilespmem:s21+$0x3120]  }
0x1b6: {  	v30 =	vld [tilespmem:s20+$0xC720]  }
0x1b7: {  	v31 =	vld [tilespmem:s21+$0x31A0];
	_ =	sdelay $0x1  }
0x1b8: {  	v32 =	vld [tilespmem:s20+$0xC7A0]  }
0x1b9: {  	v2 =	vshll.u32 v2, $0x3;
	v4 =	vshll.u32 v28, $0x3  }
0x1ba: {  	v1 =	vshrl.u32 v1, v2;
	v2 =	vshrl.u32 v3, v4;
	v3 =	vshll.u32 v29, $0x3  }
0x1bb: {  	v33 =	vshll.u32 v31, $0x3;
	v2 =	vshll.u32 v2, $0x8;
	v3 =	vshrl.u32 v30, v3  }
0x1bc: {  	v1 =	vand.u32 $0xFF, v1;
	v2 =	vand.u32 $0xFF00, v2;
	v3 =	vshll.u32 v3, $0x10  }
0x1bd: {  	v1 =	vor.u32 v1, v2;
	v2 =	vand.u32 $0xFF0000, v3;
	v3 =	vshrl.u32 v32, v33  }
0x1be: {  	v1 =	vor.u32 v2, v1;
	v2 =	vshll.u32 v3, $0x18  }
0x1bf: {  	v1 =	vor.u32 v2, v1  }
0x1c0: {  	[tilespmem:s18+$0x10620] =	vst v1  }
0x1c1: {  	v1 =	vld [tilespmem:s20+$0xC630]  }
0x1c2: {  	v2 =	vld [tilespmem:s21+$0x3030]  }
0x1c3: {  	v3 =	vld [tilespmem:s20+$0xC6B0]  }
0x1c4: {  	v34 =	vld [tilespmem:s21+$0x30B0]  }
0x1c5: {  	v35 =	vld [tilespmem:s21+$0x3130]  }
0x1c6: {  	v36 =	vld [tilespmem:s20+$0xC730]  }
0x1c7: {  	v37 =	vld [tilespmem:s21+$0x31B0];
	_ =	sdelay $0x1  }
0x1c8: {  	v38 =	vld [tilespmem:s20+$0xC7B0]  }
0x1c9: {  	v2 =	vshll.u32 v2, $0x3;
	v4 =	vshll.u32 v34, $0x3  }
0x1ca: {  	v1 =	vshrl.u32 v1, v2;
	v2 =	vshrl.u32 v3, v4;
	v3 =	vshll.u32 v35, $0x3  }
0x1cb: {  	v39 =	vshll.u32 v37, $0x3;
	v2 =	vshll.u32 v2, $0x8;
	v3 =	vshrl.u32 v36, v3  }
0x1cc: {  	v1 =	vand.u32 $0xFF, v1;
	v2 =	vand.u32 $0xFF00, v2;
	v3 =	vshll.u32 v3, $0x10  }
0x1cd: {  	v1 =	vor.u32 v1, v2;
	v2 =	vand.u32 $0xFF0000, v3;
	v3 =	vshrl.u32 v38, v39  }
0x1ce: {  	v1 =	vor.u32 v2, v1;
	v2 =	vshll.u32 v3, $0x18  }
0x1cf: {  	v1 =	vor.u32 v2, v1  }
0x1d0: {  	[tilespmem:s18+$0x10630] =	vst v1  }
0x1d1: {  	v1 =	vld [tilespmem:s20+$0xC640]  }
0x1d2: {  	v2 =	vld [tilespmem:s21+$0x3040]  }
0x1d3: {  	v3 =	vld [tilespmem:s20+$0xC6C0]  }
0x1d4: {  	v40 =	vld [tilespmem:s21+$0x30C0]  }
0x1d5: {  	v41 =	vld [tilespmem:s21+$0x3140]  }
0x1d6: {  	v42 =	vld [tilespmem:s20+$0xC740]  }
0x1d7: {  	v43 =	vld [tilespmem:s21+$0x31C0];
	_ =	sdelay $0x1  }
0x1d8: {  	v44 =	vld [tilespmem:s20+$0xC7C0]  }
0x1d9: {  	v2 =	vshll.u32 v2, $0x3;
	v4 =	vshll.u32 v40, $0x3  }
0x1da: {  	v1 =	vshrl.u32 v1, v2;
	v2 =	vshrl.u32 v3, v4;
	v3 =	vshll.u32 v41, $0x3  }
0x1db: {  	v45 =	vshll.u32 v43, $0x3;
	v2 =	vshll.u32 v2, $0x8;
	v3 =	vshrl.u32 v42, v3  }
0x1dc: {  	v1 =	vand.u32 $0xFF, v1;
	v2 =	vand.u32 $0xFF00, v2;
	v3 =	vshll.u32 v3, $0x10  }
0x1dd: {  	v1 =	vor.u32 v1, v2;
	v2 =	vand.u32 $0xFF0000, v3;
	v3 =	vshrl.u32 v44, v45  }
0x1de: {  	v1 =	vor.u32 v2, v1;
	v2 =	vshll.u32 v3, $0x18  }
0x1df: {  	v1 =	vor.u32 v2, v1  }
0x1e0: {  	[tilespmem:s18+$0x10640] =	vst v1  }
0x1e1: {  	v1 =	vld [tilespmem:s20+$0xC650]  }
0x1e2: {  	v2 =	vld [tilespmem:s21+$0x3050]  }
0x1e3: {  	v3 =	vld [tilespmem:s20+$0xC6D0]  }
0x1e4: {  	v46 =	vld [tilespmem:s21+$0x30D0]  }
0x1e5: {  	v47 =	vld [tilespmem:s21+$0x3150]  }
0x1e6: {  	v48 =	vld [tilespmem:s20+$0xC750]  }
0x1e7: {  	v49 =	vld [tilespmem:s21+$0x31D0];
	_ =	sdelay $0x1  }
0x1e8: {  	v50 =	vld [tilespmem:s20+$0xC7D0]  }
0x1e9: {  	v2 =	vshll.u32 v2, $0x3;
	v4 =	vshll.u32 v46, $0x3  }
0x1ea: {  	v1 =	vshrl.u32 v1, v2;
	v2 =	vshrl.u32 v3, v4;
	v3 =	vshll.u32 v47, $0x3  }
0x1eb: {  	v51 =	vshll.u32 v49, $0x3;
	v2 =	vshll.u32 v2, $0x8;
	v3 =	vshrl.u32 v48, v3  }
0x1ec: {  	v1 =	vand.u32 $0xFF, v1;
	v2 =	vand.u32 $0xFF00, v2;
	v3 =	vshll.u32 v3, $0x10  }
0x1ed: {  	v1 =	vor.u32 v1, v2;
	v2 =	vand.u32 $0xFF0000, v3;
	v3 =	vshrl.u32 v50, v51  }
0x1ee: {  	v1 =	vor.u32 v2, v1;
	v2 =	vshll.u32 v3, $0x18  }
0x1ef: {  	v1 =	vor.u32 v2, v1  }
0x1f0: {  	[tilespmem:s18+$0x10650] =	vst v1  }
0x1f1: {  	v1 =	vld [tilespmem:s20+$0xC660]  }
0x1f2: {  	v2 =	vld [tilespmem:s21+$0x3060]  }
0x1f3: {  	v3 =	vld [tilespmem:s20+$0xC6E0]  }
0x1f4: {  	v52 =	vld [tilespmem:s21+$0x30E0]  }
0x1f5: {  	v53 =	vld [tilespmem:s21+$0x3160]  }
0x1f6: {  	v54 =	vld [tilespmem:s20+$0xC760]  }
0x1f7: {  	v55 =	vld [tilespmem:s21+$0x31E0];
	_ =	sdelay $0x1  }
0x1f8: {  	v56 =	vld [tilespmem:s20+$0xC7E0]  }
0x1f9: {  	v2 =	vshll.u32 v2, $0x3;
	v4 =	vshll.u32 v52, $0x3  }
0x1fa: {  	v1 =	vshrl.u32 v1, v2;
	v2 =	vshrl.u32 v3, v4;
	v3 =	vshll.u32 v53, $0x3  }
0x1fb: {  	v57 =	vshll.u32 v55, $0x3;
	v2 =	vshll.u32 v2, $0x8;
	v3 =	vshrl.u32 v54, v3  }
0x1fc: {  	v1 =	vand.u32 $0xFF, v1;
	v2 =	vand.u32 $0xFF00, v2;
	v3 =	vshll.u32 v3, $0x10  }
0x1fd: {  	v1 =	vor.u32 v1, v2;
	v2 =	vand.u32 $0xFF0000, v3;
	v3 =	vshrl.u32 v56, v57  }
0x1fe: {  	v1 =	vor.u32 v2, v1;
	v2 =	vshll.u32 v3, $0x18  }
0x1ff: {  	v1 =	vor.u32 v2, v1  }
0x200: {  	[tilespmem:s18+$0x10660] =	vst v1  }
0x201: {  	v1 =	vld [tilespmem:s20+$0xC670]  }
0x202: {  	v2 =	vld [tilespmem:s21+$0x3070]  }
0x203: {  	v3 =	vld [tilespmem:s20+$0xC6F0]  }
0x204: {  	v58 =	vld [tilespmem:s21+$0x30F0]  }
0x205: {  	v59 =	vld [tilespmem:s21+$0x3170]  }
0x206: {  	v60 =	vld [tilespmem:s20+$0xC770]  }
0x207: {  	v61 =	vld [tilespmem:s21+$0x31F0];
	_ =	sdelay $0x1  }
0x208: {  	v62 =	vld [tilespmem:s20+$0xC7F0]  }
0x209: {  	v2 =	vshll.u32 v2, $0x3;
	v4 =	vshll.u32 v58, $0x3  }
0x20a: {  	v1 =	vshrl.u32 v1, v2;
	v2 =	vshrl.u32 v3, v4;
	v3 =	vshll.u32 v59, $0x3  }
0x20b: {  	v63 =	vshll.u32 v61, $0x3;
	v3 =	vshrl.u32 v60, v3;
	v2 =	vshll.u32 v2, $0x8  }
0x20c: {  	v1 =	vand.u32 $0xFF, v1;
	v2 =	vand.u32 $0xFF00, v2;
	v3 =	vshll.u32 v3, $0x10  }
.Ltmp6:
0x20d: {  	v1 =	vor.u32 v1, v2;
	v2 =	vshrl.u32 v62, v63;
	v3 =	vand.u32 $0xFF0000, v3;
	(pc) =	sbr.rel .LBB2_9-.Ltmp6, $4  }
0x20e: {  	v1 =	vor.u32 v3, v1;
	v2 =	vshll.u32 v2, $0x18  }
0x20f: {  	s0 =	sshrl.u32 s17, $0x2;
	s1 =	sshrl.u32 s17, $0x5;
	s4 =	rddreg [dreg:$0x3];
	v1 =	vor.u32 v2, v1  }
0x210: {  	s1 =	sadd.s32 s1, s4;
	s0 =	sand.u32 $0x7, s0;
	[tilespmem:s18+$0x10670] =	vst v1  }
0x211: {  	[hbm4b:s1+s0] =	stream.linear.scatter [tilespmem:s19], [sflag:$0x4], $0xC80, $0x38;
	[tilespmem:$0x11300] =	vst v63  }
.LBB2_10:
0x212: {  	_ =	sfence.sel $0x180000  }
0x213: {  	s0 =	simm.s32 $0x2;
	[bflag:$0x0] =	sbarrier.arrive $0xFFFF  }
0x214: {  	s28 =	simm.s32 $0x3;
	[sflag:s0] =	ssyncpa.u1 $0x1  }
0x215: {  	s29 =	simm.s32 $0x4;
	[sflag:s28] =	ssyncpa.u1 $0x1  }
0x216: {  	s30 =	simm.s32 $0x1;
	[sflag:s29] =	ssyncpa.u1 $0x1  }
0x217: {  	[sflag:s30] =	ssyncpa.u1 $0x1  }
0x218: {  	_ =	strace $0x90000047  }
0x219: {  	s31 =	stileid.u32;
	[bflag:$0x2] =	sbarrier.arrive $0xFFFF  }
0x21a: {  	p0 =	sne.s32 s31, $0x0;
	s0 =	rddreg [dreg:$0x2]  }
0x21b: {  	s0 =	sadd.s32 @!p0 $0x100000, s0  }
0x21c: {  	[sflag:s0] =	ssyncadd.tile.s32 @!p0 $0x1;
	_ =	shalt  }
.Lfunc_end2:
_tile_overlayer_lowered:
.L_overlay_start_2:
0x21d: {  	(tag) =	ssettag $0x2  }
0x21e: {  	s0 =	rddreg [dreg:$0x0];
	s2 =	stileid.u32  }
0x21f: {  	s1 =	rddreg [dreg:$0x1];
	p0 =	sne.s32 s2, $0x0  }
0x220: {  	s3 =	rddreg [dreg:$0x2];
	[bflag:$0x3] =	sbarrier.arrive $0xFFFF;
	s2 =	simm.s32 @!p0 $0x1C01  }
0x221: {  	[timem:s3], [sflag:s2] =	dma.local @!p0 [hbm:s0], s1  }
0x222: {  	s0 =	simm.s32 @!p0 $0x1  }
0x223: {  	_ =	swait.ge @!p0 [sflag:s0], s1  }
0x224: {  	s1 =	ssub.s32 @!p0 $0x0, s1;
	[sflag:s0] =	ssyncset.done @!p0 $0x0  }
0x225: {  	[sflag:s0] =	ssyncadd.s32 @!p0 s1  }
0x226: {  	[bflag:$0x3] =	sbarrier.arrive $0xFFFF  }
0x227: {  	_ =	shalt  }

// kernel: scatter_offload_async_start.1
scs
__scs_entry_jumppad:
0x0: {  	(pc) =	sbr.rel $0x88, $3  }
0x1: {  	(tag) =	ssettag $0x0;
	lr =	simm.s32 $0x1  }
0x2: {  	[smem:$0x3F97] =	sst lr;
	_ =	strace $0xD0000000  }
0x3: {  	_ = 	snop  }
0x4: {  	_ = 	snop  }
0x5: {  	_ = 	snop  }
0x6: {  	_ = 	snop  }
0x7: {  	_ = 	snop  }
__scs_overlays_trampoline_lowered:
0x8: {  	[smem:$0x3FA6] =	sst s0  }
0x9: {  	[smem:$0x3FA7] =	sst s1  }
0xa: {  	[smem:$0x3FA8] =	sst s2  }
0xb: {  	[smem:$0x3FA9] =	sst s3  }
0xc: {  	[smem:$0x3FAA] =	sst s4  }
0xd: {  	[smem:$0x3FAB] =	sst s5  }
0xe: {  	[smem:$0x3FAC] =	sst s6  }
0xf: {  	[smem:$0x3FAD] =	sst s7  }
0x10: {  	[smem:$0x3FAE] =	sst s8  }
0x11: {  	[smem:$0x3FAF] =	sst s9;
	s0 =	simm.s32 @!p0 $0x0  }
0x12: {  	s1 =	sld [smem:$0x3F95];
	s0 =	simm.s32 @p0 $0x1  }
0x13: {  	[smem:$0x3FB0] =	sst s0;
	s0 =	simm.s32 @!p1 $0x0  }
0x14: {  	s2 =	sld [smem:$0x3F94];
	s0 =	simm.s32 @p1 $0x1  }
0x15: {  	[smem:$0x3FB1] =	sst s0;
	s0 =	simm.s32 @!p2 $0x0  }
0x16: {  	s3 =	sld [smem:$0x3FDB];
	s0 =	simm.s32 @p2 $0x1  }
0x17: {  	s4 =	simm.s32 $0x1BF5;
	[smem:$0x3FB3] =	sst s0  }
0x18: {  	s0 =	sld [smem:$0x3F96];
	_ =	swait.ge [sflag:s4], $0x0  }
0x19: {  	s7 =	sld [smem:$0x3F97]  }
0x1a: {  	s8 =	sadd.s32 $0xFFFFE003, lr  }
0x1b: {  	s9 =	sadd.s32 $0xFFFFFEF7, lr;
	s5 =	simm.s32 $0xFFFFFFFF;
	p2 =	slt.u32 s8, $0xFFFFF086  }
0x1c: {  	p1 =	slt.u32 s9, $0xF7A;
	s5 =	simm.s32 @!p2 $0x0  }
0x1d: {  	s5 =	simm.s32 @p1 $0x1;
	p0 =	seq.s32 s7, s2  }
0x1e: {  	s7 =	smul.u32 @!p0 $0xF7A, s2;
	p2 =	seq.s32 @!p0 s5, $0x0  }
0x1f: {  	s9 =	smul.u32 $0xF7A, s1;
	s8 =	simm.s32 @!p0 $0x1BF5;
	p2 =	por !p2, p0  }
0x20: {  	[sflag:s8] =	ssyncset.s32 @!p0 $0xFFFFF086;
	s6 =	sadd.s32 @!p0 s3, s7;
	s7 =	simm.s32 @!p0 $0x108  }
0x21: {  	s3 =	sadd.s32 s3, s9;
	s6 =	sadd.s32 @!p0 $0x88, s6;
	s7 =	simm.s32 @p2 $0x1082  }
0x22: {  	[simem:s7], [sflag:s8] =	dma.local @!p0 [hbm:s6], $0xF7A  }
0x23: {  	s9 =	sor.u32 $0xD0000000, s2;
	s6 =	simm.s32 $0x108;
	_ =	swait.ge @!p0 [sflag:s8], $0x0  }
0x24: {  	s3 =	sadd.s32 $0x88, s3;
	s6 =	simm.s32 @!p1 $0x1082;
	[sflag:s4] =	ssyncset.s32 $0xFFFFF086  }
0x25: {  	[simem:s6], [sflag:s4] =	dma.local [hbm:s3], $0xF7A  }
0x26: {  	[smem:$0x3F97] =	sst s1;
	(tag) =	ssettag s2;
	_ =	strace s9  }
0x27: {  	s1 =	sld [smem:$0x3FA7]  }
0x28: {  	s2 =	sld [smem:$0x3FA8]  }
0x29: {  	s4 =	sld [smem:$0x3FAA]  }
0x2a: {  	p0 =	seq.s32 s5, $0x0;
	s5 =	sld [smem:$0x3FAB]  }
0x2b: {  	s6 =	sld [smem:$0x3FAC]  }
0x2c: {  	s7 =	sld [smem:$0x3FAD]  }
0x2d: {  	s3 =	simm.s32 $0x108;
	s8 =	sld [smem:$0x3FAE]  }
0x2e: {  	s3 =	simm.s32 @!p0 $0x1082;
	s9 =	sld [smem:$0x3FAF]  }
0x2f: {  	lr =	sadd.s32 s0, s3;
	s0 =	sld [smem:$0x3FA6]  }
0x30: {  	s3 =	sld [smem:$0x3FA9]  }
0x31: {  	[smem:$0x3FB2] =	sst s10  }
0x32: {  	s10 =	sld [smem:$0x3FB0];
	_ =	sdelay $0x3  }
0x33: {  	p0 =	seq.s32 s10, $0x1;
	s10 =	sld [smem:$0x3FB2];
	_ =	sdelay $0x3  }
0x34: {  	[smem:$0x3FB2] =	sst s10  }
0x35: {  	s10 =	sld [smem:$0x3FB1];
	_ =	sdelay $0x3  }
0x36: {  	p1 =	seq.s32 s10, $0x1;
	s10 =	sld [smem:$0x3FB2];
	_ =	sdelay $0x3  }
0x37: {  	[smem:$0x3FB2] =	sst s10  }
0x38: {  	s10 =	sld [smem:$0x3FB3]  }
0x39: {  	_ = 	snop;
	(pc) =	sbr.ind lr, $3  }
0x3a: {  	_ = 	snop  }
0x3b: {  	_ = 	snop  }
0x3c: {  	p2 =	seq.s32 s10, $0x1;
	s10 =	sld [smem:$0x3FB2]  }
0x3d: {  	_ =	shalt  }
0x3e: {  	_ =	shalt  }
0x3f: {  	_ =	shalt  }
0x40: {  	_ =	shalt  }
0x41: {  	_ =	shalt  }
0x42: {  	_ =	shalt  }
0x43: {  	_ =	shalt  }
0x44: {  	_ =	shalt  }
0x45: {  	_ =	shalt  }
0x46: {  	_ =	shalt  }
0x47: {  	_ =	shalt  }
0x48: {  	_ =	shalt  }
0x49: {  	_ =	shalt  }
0x4a: {  	_ =	shalt  }
0x4b: {  	_ =	shalt  }
0x4c: {  	_ =	shalt  }
0x4d: {  	_ =	shalt  }
0x4e: {  	_ =	shalt  }
0x4f: {  	_ =	shalt  }
0x50: {  	_ =	shalt  }
0x51: {  	_ =	shalt  }
0x52: {  	_ =	shalt  }
0x53: {  	_ =	shalt  }
0x54: {  	_ =	shalt  }
0x55: {  	_ =	shalt  }
0x56: {  	_ =	shalt  }
0x57: {  	_ =	shalt  }
0x58: {  	_ =	shalt  }
0x59: {  	_ =	shalt  }
0x5a: {  	_ =	shalt  }
0x5b: {  	_ =	shalt  }
0x5c: {  	_ =	shalt  }
0x5d: {  	_ =	shalt  }
0x5e: {  	_ =	shalt  }
0x5f: {  	_ =	shalt  }
0x60: {  	_ =	shalt  }
0x61: {  	_ =	shalt  }
0x62: {  	_ =	shalt  }
0x63: {  	_ =	shalt  }
0x64: {  	_ =	shalt  }
0x65: {  	_ =	shalt  }
0x66: {  	_ =	shalt  }
0x67: {  	_ =	shalt  }
0x68: {  	_ =	shalt  }
0x69: {  	_ =	shalt  }
0x6a: {  	_ =	shalt  }
0x6b: {  	_ =	shalt  }
0x6c: {  	_ =	shalt  }
0x6d: {  	_ =	shalt  }
0x6e: {  	_ =	shalt  }
0x6f: {  	_ =	shalt  }
0x70: {  	_ =	shalt  }
0x71: {  	_ =	shalt  }
0x72: {  	_ =	shalt  }
0x73: {  	_ =	shalt  }
0x74: {  	_ =	shalt  }
0x75: {  	_ =	shalt  }
0x76: {  	_ =	shalt  }
0x77: {  	_ =	shalt  }
0x78: {  	_ =	shalt  }
0x79: {  	_ =	shalt  }
0x7a: {  	_ =	shalt  }
0x7b: {  	_ =	shalt  }
0x7c: {  	_ =	shalt  }
0x7d: {  	_ =	shalt  }
0x7e: {  	_ =	shalt  }
0x7f: {  	_ =	shalt  }
0x80: {  	_ =	shalt  }
0x81: {  	_ =	shalt  }
0x82: {  	_ =	shalt  }
0x83: {  	_ =	shalt  }
0x84: {  	_ =	shalt  }
0x85: {  	_ =	shalt  }
0x86: {  	_ =	shalt  }
0x87: {  	_ =	shalt  }
.Lfunc_end0:
.L_simem_size_0:
called_computation.1_lowered:
.L_overlay_start_0:
0x88: {  	s0 =	sld [smem:$0x3FD9]  }
0x89: {  	s1 =	sld [smem:$0x3FFE];
	_ =	sdelay $0x3  }
0x8a: {  	s0 =	sadd.s32 s1, s0  }
0x8b: {  	[smem:$0x3FBE] =	sst s0  }
0x8c: {  	_ = 	snop  }
0x8d: {  	(tm) =	ssettm $0x1  }
0x8e: {  	s15 =	sld [smem:$0x3FFB];
	_ =	sdelay $0x3  }
0x8f: {  	_ =	strace s15  }
0x90: {  	s0 =	sld [smem:$0x3FFC];
	_ =	sdelay $0x3  }
0x91: {  	_ =	strace s0  }
0x92: {  	s0 =	sld [smem:$0x3FFD];
	_ =	sdelay $0x3  }
0x93: {  	_ =	strace s0  }
0x94: {  	_ =	strace $0x8FFFFFFF  }
0x95: {  	s16 =	sld [smem:$0x3FDB];
	_ =	sdelay $0x1  }
0x96: {  	s17 =	simm.s32 $_scs_section_size  }
0x97: {  	s2 =	simm.s32 $_size__tile_overlayer_lowered;
	s3 =	simm.s32 $_tile_overlayer_lowered  }
0x98: {  	s20 =	simm.s32 $0x1BFF;
	s19 =	sshll.u32 s3, $0x1;
	s0 =	sadd.s32 s17, s16  }
0x99: {  	s4 =	simm.s32 $0x0;
	s18 =	sshll.u32 s2, $0x1;
	s2 =	sadd.s32 s19, s0  }
0x9a: {  	[timem:s4], [sflag:s20] =	dma.local [hbm:s2], s18  }
0x9b: {  	_ =	swait.ge [sflag:s20], s18  }
0x9c: {  	s1 =	ssub.s32 $0x0, s18;
	[sflag:s20] =	ssyncset.done $0x0  }
0x9d: {  	[sflag:s20] =	ssyncadd.s32 s1;
	_ =	sdelay $0x1  }
0x9e: {  	s21 =	simm.s32 $0x1B8B  }
0x9f: {  	_ =	swait.ge [sflag:s21], $0x1  }
0xa0: {  	[sflag:s21] =	ssyncset.done $0x0  }
0xa1: {  	s23 =	simm.s32 $0x1B8E;
	s22 =	sld [smem:$0x3FFE];
	[sflag:s21] =	ssyncadd.s32 $0xFFFFFFFF  }
0xa2: {  	s24 =	simm.s32 $execute0_lowered;
	[smem:$0x3FD2] =	sst s23  }
0xa3: {  	s2 =	sshll.u32 s24, $0x1;
	_ =	strace $0x8000005B;
	[dreg:$0x1] =	wrdreg $0xFFFFFFFF  }
0xa4: {  	s25 =	simm.s32 $_size_execute0_lowered;
	s0 =	sadd.s32 s0, s2;
	[dreg:$0x0] =	wrdreg $0x0  }
0xa5: {  	s2 =	sshll.u32 s25, $0x1;
	[dreg:$0x2] =	wrdreg s0  }
0xa6: {  	[dreg:$0x3] =	wrdreg s2  }
0xa7: {  	[dreg:$0x4] =	wrdreg $0xC0  }
0xa8: {  	_ =	task [dreg:s4], $0x5FFFF  }
0xa9: {  	[dreg:$0x1] =	wrdreg $0xFFFFFFFF  }
0xaa: {  	[dreg:$0x0] =	wrdreg $0x60  }
0xab: {  	[dreg:$0x2] =	wrdreg s22  }
0xac: {  	[dreg:$0x3] =	wrdreg $0x9  }
0xad: {  	_ =	task.clear_ibuf [dreg:s4], $0x4FFFF;
	_ =	strace $0x9000005B  }
0xae: {  	s26 =	simm.s32 $0x9;
	_ =	strace $0x8000005D  }
0xaf: {  	_ =	swait.ge [sflag:s26], $0x1  }
0xb0: {  	[sflag:s26] =	ssyncadd.s32 $0xFFFFFFFF  }
0xb1: {  	_ =	strace $0x9000005D  }
0xb2: {  	_ =	sfence  }
0xb3: {  	s28 =	sld [smem:$0x0];
	_ =	sdelay $0x1  }
0xb4: {  	s29 =	srdreg.scid  }
0xb5: {  	s30 =	sshll.u32 s29, $0xD;
	s31 =	sshrl.u32 s29, $0x2  }
0xb6: {  	s1 =	sand.u32 $0x1, s29;
	s2 =	sand.u32 $0x4000, s30;
	s0 =	sadd.s32 s31, s28  }
0xb7: {  	s1 =	sor.u32 s2, s1;
	s0 =	sshll.u32 s0, $0x11  }
0xb8: {  	s0 =	sor.u32 s0, s1  }
0xb9: {  	s0 =	sadd.s32 $0x8F2B, s0  }
0xba: {  	[sflag:s0] =	ssyncadd.remote.s32 $0x1  }
0xbb: {  	_ =	sfence.sel $0xFFFF  }
0xbc: {  	[dreg:$0x0] =	wrdreg $0xFFFFFFFF;
	(pc) =	sbr.abs _section_cstart, $3  }
0xbd: {  	[dreg:$0x1] =	wrdreg $0xFFFFFFFF  }
0xbe: {  	_ =	task.clear_ibuf [dreg:s4], $0x2FFFF;
	_ =	strace $0x9FFFFFFF  }
0xbf: {  	(tm) =	ssettm $0x7FFFFFFF  }
tec
execute0_lowered:
.L_overlay_start_1:
0x0: {  	(tag) =	ssettag $0x1  }
0x1: {  	s2 =	rddreg [dreg:$0x0]  }
0x2: {  	s0 =	rddreg [dreg:$0x1];
	_ =	strace $0x8000005C;
	s3 =	stileid.u32  }
0x3: {  	s4 =	simm.s32 $0x3E;
	s1 =	sadd.s32 $0x22A00, s2;
	p0 =	sne.s32 s3, $0x0  }
0x4: {  	[sflag:s4] =	ssyncpa.u1 $0x0;
	s5 =	simm.s32 @!p0 $0x1C3E;
	s6 =	simm.s32 @!p0 $0x0  }
0x5: {  	[spmem:s6], [sflag:s5] =	dma.local @!p0 [hbm:s1], $0x400  }
0x6: {  	s5 =	simm.s32 @!p0 $0x3E  }
0x7: {  	_ =	swait.ge @!p0 [sflag:s5], $0x400  }
0x8: {  	[sflag:s5] =	ssyncset.done @!p0 $0x0  }
0x9: {  	s26 =	simm.s32 $0x1;
	[sflag:s5] =	ssyncadd.s32 @!p0 $0xFFFFFC00  }
0xa: {  	s29 =	simm.s32 $0x2;
	s7 =	simm.s32 $0x400;
	[bflag:$0x0] =	sbarrier.arrive $0xFFFF  }
0xb: {  	s28 =	sadd.s32 $0x14600, s2;
	s30 =	sadd.s32 $0x13E00, s2;
	[sflag:s4] =	ssyncpa.u1 $0x1  }
0xc: {  	s3 =	sshll.u32 s3, $0x6;
	s2 =	simm.s32 $0x0;
	[sflag:s26] =	ssyncpa.u1 $0x0  }
0xd: {  	s4 =	sadd.s32 s28, s3;
	(ifvalue) =	ssetifvalue $0x2000;
	[sflag:s29] =	ssyncpa.u1 $0x0  }
0xe: {  	[tilespmem:s7], [sflag:$0x2] =	stream.linear.gather [hbm4b:s4+s2], $0x200, $0x38;
	[tilespmem:$0xA00] =	vst v63  }
0xf: {  	s31 =	sadd.s32 s30, s3;
	s3 =	simm.s32 $0x800  }
0x10: {  	[tilespmem:s3], [sflag:$0x2] =	stream.linear.gather [hbm4b:s31+s2], $0x200, $0x38;
	[tilespmem:$0xA00] =	vst v63  }
0x11: {  	_ =	swait.ge [sflag:s29], $0x400  }
0x12: {  	[sflag:s29] =	ssyncset.done $0x0  }
0x13: {  	[sflag:s29] =	ssyncadd.s32 $0xFFFFFC00  }
0x14: {  	v0 =	vld.msk [tilespmem:s7+$0x0 ss:$0x1], $0xffff;
	_ =	sdelay $0x4  }
0x15: {  	v0 =	vmin.u32 v0, $0x2000;
	_ =	sdelay $0x3  }
0x16: {  	vm0 =	vmmov $0xffff;
	s5 =	simm.s32 $0x410;
	s4 =	simm.s32 $0x0  }
0x17: {  	[spmem:s2] =	stream.indirect_vreg.scatter.add.s32 [tilespmem:s3], [sflag:$0x1], $0x1, v0, vm0, $0x4038;
	[tilespmem:$0xA00] =	vst v63  }
.LBB2_1:
0x18: {  	v0 =	vld.msk [tilespmem:s5+$0x0 ss:$0x1], $0xffff;
	s4 =	sadd.s32 $0x10, s4  }
0x19: {  	p1 =	slt.u32 s4, $0x1F0;
	_ =	sdelay $0x4  }
0x1a: {  	v0 =	vmin.u32 v0, $0x2000  }
.Ltmp0:
0x1b: {  	(pc) =	sbr.rel @p1 .LBB2_1-.Ltmp0, $3  }
0x1c: {  	_ =	sdelay $0x1  }
0x1d: {  	s5 =	sadd.s32 $0x10, s5;
	s3 =	sadd.s32 $0x10, s3  }
0x1e: {  	[spmem:s2] =	stream.indirect_vreg.scatter.add.s32 [tilespmem:s3], [sflag:$0x1], $0x1, v0, vm0, $0x4038;
	[tilespmem:$0xA00] =	vst v63  }
0x1f: {  	s2 =	simm.s32 $0x1  }
0x20: {  	_ =	swait.ge [sflag:s2], $0x200  }
0x21: {  	[sflag:s2] =	ssyncset.done $0x0  }
0x22: {  	[sflag:s2] =	ssyncadd.s32 $0xFFFFFE00  }
0x23: {  	_ =	sfence.sel $0x180000  }
0x24: {  	s3 =	simm.s32 $0x2;
	[bflag:$0x0] =	sbarrier.arrive $0xFFFF  }
0x25: {  	[sflag:s3] =	ssyncpa.u1 $0x1  }
0x26: {  	[sflag:s2] =	ssyncpa.u1 $0x1  }
0x27: {  	_ =	sfence.stream.spmem  }
0x28: {  	s31 =	simm.s32 $0x3D;
	[bflag:$0x0] =	sbarrier.arrive $0xFFFF  }
0x29: {  	s2 =	simm.s32 @p0 $0x3D;
	[sflag:s31] =	ssyncpa.u1 $0x0  }
0x2a: {  	[sflag:s2] =	ssyncpa.u1 @p0 $0x1  }
0x2b: {  	[bflag:$0x0] =	sbarrier.arrive @p0 $0xFFFF  }
0x2c: {  	_ =	strace @p0 $0x9000005C  }
0x2d: {  	s3 =	simm.s32 @!p0 $0x1C3D;
	s2 =	simm.s32 @!p0 $0x0;
	[bflag:$0x2] =	sbarrier.arrive @p0 $0xFFFF  }
0x2e: {  	[hbm:s1], [sflag:s3] =	dma.local @!p0 [spmem:s2], $0x400  }
0x2f: {  	s1 =	simm.s32 @!p0 $0x3D  }
0x30: {  	_ =	swait.ge @!p0 [sflag:s1], $0x400  }
0x31: {  	[sflag:s1] =	ssyncset.done @!p0 $0x0  }
0x32: {  	[sflag:s1] =	ssyncadd.s32 @!p0 $0xFFFFFC00  }
0x33: {  	[sflag:s1] =	ssyncpa.u1 @!p0 $0x1  }
0x34: {  	[bflag:$0x0] =	sbarrier.arrive @!p0 $0xFFFF  }
0x35: {  	_ =	strace @!p0 $0x9000005C  }
0x36: {  	s0 =	sadd.s32 @!p0 $0x100000, s0;
	[bflag:$0x2] =	sbarrier.arrive @!p0 $0xFFFF  }
0x37: {  	[sflag:s0] =	ssyncadd.tile.s32 @!p0 $0x1;
	_ =	shalt  }
.Lfunc_end2:
_tile_overlayer_lowered:
.L_overlay_start_2:
0x38: {  	(tag) =	ssettag $0x2  }
0x39: {  	s0 =	rddreg [dreg:$0x0];
	s2 =	stileid.u32  }
0x3a: {  	s1 =	rddreg [dreg:$0x1];
	p0 =	sne.s32 s2, $0x0  }
0x3b: {  	s3 =	rddreg [dreg:$0x2];
	[bflag:$0x3] =	sbarrier.arrive $0xFFFF;
	s2 =	simm.s32 @!p0 $0x1C01  }
0x3c: {  	[timem:s3], [sflag:s2] =	dma.local @!p0 [hbm:s0], s1  }
0x3d: {  	s0 =	simm.s32 @!p0 $0x1  }
0x3e: {  	_ =	swait.ge @!p0 [sflag:s0], s1  }
0x3f: {  	s1 =	ssub.s32 @!p0 $0x0, s1;
	[sflag:s0] =	ssyncset.done @!p0 $0x0  }
0x40: {  	[sflag:s0] =	ssyncadd.s32 @!p0 s1  }
0x41: {  	[bflag:$0x3] =	sbarrier.arrive $0xFFFF  }
0x42: {  	_ =	shalt  }

// kernel: scatter_offload_async_start.2
scs
__scs_entry_jumppad:
0x0: {  	(pc) =	sbr.rel $0x88, $3  }
0x1: {  	(tag) =	ssettag $0x0;
	lr =	simm.s32 $0x1  }
0x2: {  	[smem:$0x3F97] =	sst lr;
	_ =	strace $0xD0000000  }
0x3: {  	_ = 	snop  }
0x4: {  	_ = 	snop  }
0x5: {  	_ = 	snop  }
0x6: {  	_ = 	snop  }
0x7: {  	_ = 	snop  }
__scs_overlays_trampoline_lowered:
0x8: {  	[smem:$0x3FA6] =	sst s0  }
0x9: {  	[smem:$0x3FA7] =	sst s1  }
0xa: {  	[smem:$0x3FA8] =	sst s2  }
0xb: {  	[smem:$0x3FA9] =	sst s3  }
0xc: {  	[smem:$0x3FAA] =	sst s4  }
0xd: {  	[smem:$0x3FAB] =	sst s5  }
0xe: {  	[smem:$0x3FAC] =	sst s6  }
0xf: {  	[smem:$0x3FAD] =	sst s7  }
0x10: {  	[smem:$0x3FAE] =	sst s8  }
0x11: {  	[smem:$0x3FAF] =	sst s9;
	s0 =	simm.s32 @!p0 $0x0  }
0x12: {  	s1 =	sld [smem:$0x3F95];
	s0 =	simm.s32 @p0 $0x1  }
0x13: {  	[smem:$0x3FB0] =	sst s0;
	s0 =	simm.s32 @!p1 $0x0  }
0x14: {  	s2 =	sld [smem:$0x3F94];
	s0 =	simm.s32 @p1 $0x1  }
0x15: {  	[smem:$0x3FB1] =	sst s0;
	s0 =	simm.s32 @!p2 $0x0  }
0x16: {  	s3 =	sld [smem:$0x3FDB];
	s0 =	simm.s32 @p2 $0x1  }
0x17: {  	s4 =	simm.s32 $0x1BF5;
	[smem:$0x3FB3] =	sst s0  }
0x18: {  	s0 =	sld [smem:$0x3F96];
	_ =	swait.ge [sflag:s4], $0x0  }
0x19: {  	s7 =	sld [smem:$0x3F97]  }
0x1a: {  	s8 =	sadd.s32 $0xFFFFE003, lr  }
0x1b: {  	s9 =	sadd.s32 $0xFFFFFEF7, lr;
	s5 =	simm.s32 $0xFFFFFFFF;
	p2 =	slt.u32 s8, $0xFFFFF086  }
0x1c: {  	p1 =	slt.u32 s9, $0xF7A;
	s5 =	simm.s32 @!p2 $0x0  }
0x1d: {  	s5 =	simm.s32 @p1 $0x1;
	p0 =	seq.s32 s7, s2  }
0x1e: {  	s7 =	smul.u32 @!p0 $0xF7A, s2;
	p2 =	seq.s32 @!p0 s5, $0x0  }
0x1f: {  	s9 =	smul.u32 $0xF7A, s1;
	s8 =	simm.s32 @!p0 $0x1BF5;
	p2 =	por !p2, p0  }
0x20: {  	[sflag:s8] =	ssyncset.s32 @!p0 $0xFFFFF086;
	s6 =	sadd.s32 @!p0 s3, s7;
	s7 =	simm.s32 @!p0 $0x108  }
0x21: {  	s3 =	sadd.s32 s3, s9;
	s6 =	sadd.s32 @!p0 $0x88, s6;
	s7 =	simm.s32 @p2 $0x1082  }
0x22: {  	[simem:s7], [sflag:s8] =	dma.local @!p0 [hbm:s6], $0xF7A  }
0x23: {  	s9 =	sor.u32 $0xD0000000, s2;
	s6 =	simm.s32 $0x108;
	_ =	swait.ge @!p0 [sflag:s8], $0x0  }
0x24: {  	s3 =	sadd.s32 $0x88, s3;
	s6 =	simm.s32 @!p1 $0x1082;
	[sflag:s4] =	ssyncset.s32 $0xFFFFF086  }
0x25: {  	[simem:s6], [sflag:s4] =	dma.local [hbm:s3], $0xF7A  }
0x26: {  	[smem:$0x3F97] =	sst s1;
	(tag) =	ssettag s2;
	_ =	strace s9  }
0x27: {  	s1 =	sld [smem:$0x3FA7]  }
0x28: {  	s2 =	sld [smem:$0x3FA8]  }
0x29: {  	s4 =	sld [smem:$0x3FAA]  }
0x2a: {  	p0 =	seq.s32 s5, $0x0;
	s5 =	sld [smem:$0x3FAB]  }
0x2b: {  	s6 =	sld [smem:$0x3FAC]  }
0x2c: {  	s7 =	sld [smem:$0x3FAD]  }
0x2d: {  	s3 =	simm.s32 $0x108;
	s8 =	sld [smem:$0x3FAE]  }
0x2e: {  	s3 =	simm.s32 @!p0 $0x1082;
	s9 =	sld [smem:$0x3FAF]  }
0x2f: {  	lr =	sadd.s32 s0, s3;
	s0 =	sld [smem:$0x3FA6]  }
0x30: {  	s3 =	sld [smem:$0x3FA9]  }
0x31: {  	[smem:$0x3FB2] =	sst s10  }
0x32: {  	s10 =	sld [smem:$0x3FB0];
	_ =	sdelay $0x3  }
0x33: {  	p0 =	seq.s32 s10, $0x1;
	s10 =	sld [smem:$0x3FB2];
	_ =	sdelay $0x3  }
0x34: {  	[smem:$0x3FB2] =	sst s10  }
0x35: {  	s10 =	sld [smem:$0x3FB1];
	_ =	sdelay $0x3  }
0x36: {  	p1 =	seq.s32 s10, $0x1;
	s10 =	sld [smem:$0x3FB2];
	_ =	sdelay $0x3  }
0x37: {  	[smem:$0x3FB2] =	sst s10  }
0x38: {  	s10 =	sld [smem:$0x3FB3]  }
0x39: {  	_ = 	snop;
	(pc) =	sbr.ind lr, $3  }
0x3a: {  	_ = 	snop  }
0x3b: {  	_ = 	snop  }
0x3c: {  	p2 =	seq.s32 s10, $0x1;
	s10 =	sld [smem:$0x3FB2]  }
0x3d: {  	_ =	shalt  }
0x3e: {  	_ =	shalt  }
0x3f: {  	_ =	shalt  }
0x40: {  	_ =	shalt  }
0x41: {  	_ =	shalt  }
0x42: {  	_ =	shalt  }
0x43: {  	_ =	shalt  }
0x44: {  	_ =	shalt  }
0x45: {  	_ =	shalt  }
0x46: {  	_ =	shalt  }
0x47: {  	_ =	shalt  }
0x48: {  	_ =	shalt  }
0x49: {  	_ =	shalt  }
0x4a: {  	_ =	shalt  }
0x4b: {  	_ =	shalt  }
0x4c: {  	_ =	shalt  }
0x4d: {  	_ =	shalt  }
0x4e: {  	_ =	shalt  }
0x4f: {  	_ =	shalt  }
0x50: {  	_ =	shalt  }
0x51: {  	_ =	shalt  }
0x52: {  	_ =	shalt  }
0x53: {  	_ =	shalt  }
0x54: {  	_ =	shalt  }
0x55: {  	_ =	shalt  }
0x56: {  	_ =	shalt  }
0x57: {  	_ =	shalt  }
0x58: {  	_ =	shalt  }
0x59: {  	_ =	shalt  }
0x5a: {  	_ =	shalt  }
0x5b: {  	_ =	shalt  }
0x5c: {  	_ =	shalt  }
0x5d: {  	_ =	shalt  }
0x5e: {  	_ =	shalt  }
0x5f: {  	_ =	shalt  }
0x60: {  	_ =	shalt  }
0x61: {  	_ =	shalt  }
0x62: {  	_ =	shalt  }
0x63: {  	_ =	shalt  }
0x64: {  	_ =	shalt  }
0x65: {  	_ =	shalt  }
0x66: {  	_ =	shalt  }
0x67: {  	_ =	shalt  }
0x68: {  	_ =	shalt  }
0x69: {  	_ =	shalt  }
0x6a: {  	_ =	shalt  }
0x6b: {  	_ =	shalt  }
0x6c: {  	_ =	shalt  }
0x6d: {  	_ =	shalt  }
0x6e: {  	_ =	shalt  }
0x6f: {  	_ =	shalt  }
0x70: {  	_ =	shalt  }
0x71: {  	_ =	shalt  }
0x72: {  	_ =	shalt  }
0x73: {  	_ =	shalt  }
0x74: {  	_ =	shalt  }
0x75: {  	_ =	shalt  }
0x76: {  	_ =	shalt  }
0x77: {  	_ =	shalt  }
0x78: {  	_ =	shalt  }
0x79: {  	_ =	shalt  }
0x7a: {  	_ =	shalt  }
0x7b: {  	_ =	shalt  }
0x7c: {  	_ =	shalt  }
0x7d: {  	_ =	shalt  }
0x7e: {  	_ =	shalt  }
0x7f: {  	_ =	shalt  }
0x80: {  	_ =	shalt  }
0x81: {  	_ =	shalt  }
0x82: {  	_ =	shalt  }
0x83: {  	_ =	shalt  }
0x84: {  	_ =	shalt  }
0x85: {  	_ =	shalt  }
0x86: {  	_ =	shalt  }
0x87: {  	_ =	shalt  }
.Lfunc_end0:
.L_simem_size_0:
called_computation.2_lowered:
.L_overlay_start_0:
0x88: {  	s0 =	sld [smem:$0x3FD9]  }
0x89: {  	s1 =	sld [smem:$0x3FFE];
	_ =	sdelay $0x3  }
0x8a: {  	s0 =	sadd.s32 s1, s0  }
0x8b: {  	[smem:$0x3FBE] =	sst s0  }
0x8c: {  	_ = 	snop  }
0x8d: {  	(tm) =	ssettm $0x1  }
0x8e: {  	s14 =	sld [smem:$0x3FFB];
	_ =	sdelay $0x3  }
0x8f: {  	_ =	strace s14  }
0x90: {  	s0 =	sld [smem:$0x3FFC];
	_ =	sdelay $0x3  }
0x91: {  	_ =	strace s0  }
0x92: {  	s0 =	sld [smem:$0x3FFD];
	_ =	sdelay $0x3  }
0x93: {  	_ =	strace s0  }
0x94: {  	_ =	strace $0x8FFFFFFF  }
0x95: {  	s15 =	sld [smem:$0x3FDB];
	_ =	sdelay $0x1  }
0x96: {  	s16 =	simm.s32 $_scs_section_size  }
0x97: {  	s2 =	simm.s32 $_size__tile_overlayer_lowered;
	s3 =	simm.s32 $_tile_overlayer_lowered  }
0x98: {  	s4 =	simm.s32 $0x1BFF;
	s17 =	sshll.u32 s3, $0x1;
	s1 =	sadd.s32 s16, s15  }
0x99: {  	s18 =	simm.s32 $0x0;
	s2 =	sshll.u32 s2, $0x1;
	s3 =	sadd.s32 s17, s1  }
0x9a: {  	[timem:s18], [sflag:s4] =	dma.local [hbm:s3], s2  }
0x9b: {  	_ =	swait.ge [sflag:s4], s2  }
0x9c: {  	s2 =	ssub.s32 $0x0, s2;
	[sflag:s4] =	ssyncset.done $0x0  }
0x9d: {  	[sflag:s4] =	ssyncadd.s32 s2;
	_ =	sdelay $0x1  }
0x9e: {  	s19 =	simm.s32 $0x1B8B  }
0x9f: {  	_ =	swait.ge [sflag:s19], $0x1  }
0xa0: {  	[sflag:s19] =	ssyncset.done $0x0  }
0xa1: {  	s21 =	simm.s32 $0x1B8E;
	s20 =	sld [smem:$0x3FFE];
	[sflag:s19] =	ssyncadd.s32 $0xFFFFFFFF  }
0xa2: {  	s22 =	simm.s32 $execute0_lowered;
	[smem:$0x3FD2] =	sst s21  }
0xa3: {  	s3 =	sshll.u32 s22, $0x1;
	_ =	strace $0x8000004F;
	[dreg:$0x1] =	wrdreg $0xFFFFFFFF  }
0xa4: {  	s23 =	simm.s32 $_size_execute0_lowered;
	s3 =	sadd.s32 s1, s3;
	[dreg:$0x0] =	wrdreg $0x0  }
0xa5: {  	s4 =	sshll.u32 s23, $0x1;
	[dreg:$0x2] =	wrdreg s3  }
0xa6: {  	[dreg:$0x3] =	wrdreg s4  }
0xa7: {  	[dreg:$0x4] =	wrdreg $0xC0  }
0xa8: {  	s24 =	simm.s32 $execute1_lowered;
	_ =	task [dreg:s18], $0x5FFFF  }
0xa9: {  	s3 =	sshll.u32 s24, $0x1;
	[dreg:$0x1] =	wrdreg $0xFFFFFFFF  }
0xaa: {  	s1 =	sadd.s32 s1, s3;
	[dreg:$0x0] =	wrdreg $0x60  }
0xab: {  	[dreg:$0x2] =	wrdreg s1  }
0xac: {  	[dreg:$0x3] =	wrdreg s20  }
0xad: {  	[dreg:$0x4] =	wrdreg $0x9  }
0xae: {  	_ =	task.clear_ibuf [dreg:s18], $0x5FFFF;
	_ =	strace $0x9000004F  }
0xaf: {  	s25 =	simm.s32 $0x9;
	_ =	strace $0x80000051  }
0xb0: {  	_ =	swait.ge [sflag:s25], $0x1  }
0xb1: {  	[sflag:s25] =	ssyncadd.s32 $0xFFFFFFFF  }
0xb2: {  	_ =	strace $0x90000051  }
0xb3: {  	_ =	strace $0x80000052;
	[dreg:$0x1] =	wrdreg $0xFFFFFFFF  }
0xb4: {  	[dreg:$0x0] =	wrdreg $0x2030  }
0xb5: {  	[dreg:$0x2] =	wrdreg s20  }
0xb6: {  	[dreg:$0x3] =	wrdreg $0xA  }
0xb7: {  	_ =	task.clear_ibuf [dreg:s18], $0x4FFFF;
	_ =	strace $0x90000052  }
0xb8: {  	s26 =	simm.s32 $0xA;
	_ =	strace $0x80000054  }
0xb9: {  	_ =	swait.ge [sflag:s26], $0x1  }
0xba: {  	[sflag:s26] =	ssyncadd.s32 $0xFFFFFFFF  }
0xbb: {  	_ =	strace $0x90000054  }
0xbc: {  	_ =	sfence  }
0xbd: {  	s28 =	sld [smem:$0x0];
	_ =	sdelay $0x1  }
0xbe: {  	s29 =	srdreg.scid  }
0xbf: {  	s30 =	sshll.u32 s29, $0xD;
	s31 =	sshrl.u32 s29, $0x2  }
0xc0: {  	s2 =	sand.u32 $0x1, s29;
	s3 =	sand.u32 $0x4000, s30;
	s1 =	sadd.s32 s31, s28  }
0xc1: {  	s2 =	sor.u32 s3, s2;
	s1 =	sshll.u32 s1, $0x11  }
0xc2: {  	s1 =	sor.u32 s1, s2  }
0xc3: {  	s1 =	sadd.s32 $0x8F2B, s1  }
0xc4: {  	[sflag:s1] =	ssyncadd.remote.s32 $0x1  }
0xc5: {  	_ =	sfence.sel $0xFFFF  }
0xc6: {  	[dreg:$0x0] =	wrdreg $0xFFFFFFFF;
	(pc) =	sbr.abs _section_cstart, $3  }
0xc7: {  	[dreg:$0x1] =	wrdreg $0xFFFFFFFF  }
0xc8: {  	_ =	task.clear_ibuf [dreg:s18], $0x2FFFF;
	_ =	strace $0x9FFFFFFF  }
0xc9: {  	(tm) =	ssettm $0x7FFFFFFF  }
tec
execute0_lowered:
.L_overlay_start_1:
0x0: {  	(tag) =	ssettag $0x1  }
0x1: {  	s2 =	rddreg [dreg:$0x0]  }
0x2: {  	s4 =	rddreg [dreg:$0x1]  }
0x3: {  	s0 =	rddreg [dreg:$0x2]  }
0x4: {  	s3 =	stileid.u32;
	[bflag:$0x3] =	sbarrier.arrive $0xFFFF;
	s1 =	simm.s32 $_size_execute1_lowered  }
0x5: {  	s8 =	simm.s32 $0x2;
	s9 =	simm.s32 $0x0;
	p0 =	sne.s32 s3, $0x0  }
0x6: {  	s1 =	sshll.u32 s1, $0x1;
	s5 =	simm.s32 @!p0 $0x1C3F;
	s6 =	simm.s32 @!p0 $0x4060  }
0x7: {  	[timem:s6], [sflag:s5] =	dma.local @!p0 [hbm:s2], s1  }
0x8: {  	s11 =	simm.s32 $0x0;
	s10 =	simm.s32 $0x0;
	s2 =	sshll.u32 s3, $0x9  }
0x9: {  	s3 =	sshll.u32 s3, $0x6;
	_ =	strace $0x80000050;
	s30 =	ssub.s32 $0x2000, s2  }
.Ltmp0:
0xa: {  	s31 =	sadd.s32 s3, s4;
	s7 =	sand.u32 $0x1E00, s30;
	(pc) =	sbr.rel .LBB2_1-.Ltmp0, $4  }
0xb: {  	s3 =	simm.s32 $0x1;
	p1 =	sne.s32 s7, $0x0;
	s7 =	simm.s32 $0x1  }
0xc: {  	s4 =	sadd.s32 $0x2CC00, s4;
	s5 =	sshrl.u32 s30, $0xD;
	s7 =	simm.s32 @!p1 $0x0  }
0xd: {  	[sflag:s3] =	ssyncpa.u1 $0x0;
	s6 =	sadd.s32 $0x22A00, s31;
	s5 =	sadd.s32 s7, s5  }
0xe: {  	[sflag:s8] =	ssyncpa.u1 $0x0;
	s8 =	simm.s32 $0x0;
	s7 =	sadd.s32 $0x1, s5  }
.LBB2_3:
0xf: {  	p2 =	sne.s32 s10, s7  }
.Ltmp1:
0x10: {  	p1 =	slt.u32 s10, $0x2;
	(pc) =	sbr.rel @!p2 .LBB2_4-.Ltmp1, $4  }
0x11: {  	s11 =	simm.s32 @!p1 $0x2  }
0x12: {  	_ =	swait.ge @!p1 [sflag:s11], $0x200  }
0x13: {  	s9 =	sadd.s32 $0x200, s9;
	[sflag:s11] =	ssyncset.done @!p1 $0x0  }
0x14: {  	s10 =	sadd.s32 $0x1, s10;
	[sflag:s11] =	ssyncadd.s32 @!p1 $0xFFFFFE00;
	s11 =	smov.u32 s2  }
.LBB2_1:
0x15: {  	p1 =	sge.u32 s10, s5  }
0x16: {  	s12 =	sxor.u32 @!p1 $0xFFFFFFFF, s9  }
0x17: {  	s31 =	sadd.s32 $0xFFFFFFFF, s10;
	s13 =	simm.s32 @!p1 $0x0;
	s12 =	sand.u32 @!p1 $0x200, s12  }
0x18: {  	[tilespmem:s12], [sflag:$0x1] =	stream.linear.gather @!p1 [hbm4b:s6+s13], $0x200, $0x38;
	[tilespmem:$0x800] =	vst v63  }
0x19: {  	p1 =	sge.u32 s31, s5  }
.Ltmp2:
0x1a: {  	_ = 	snop;
	(pc) =	sbr.rel @p1 .LBB2_3-.Ltmp2, $1  }
0x1b: {  	_ =	sdelay $0x3  }
0x1c: {  	_ =	swait.ge [sflag:s3], $0x200  }
0x1d: {  	[sflag:s3] =	ssyncset.done $0x0  }
0x1e: {  	s12 =	sand.u32 $0x200, s9;
	[sflag:s3] =	ssyncadd.s32 $0xFFFFFE00  }
0x1f: {  	v0 =	vld [tilespmem:s12+$0x0]  }
0x20: {  	v1 =	vld [tilespmem:s12+$0x10]  }
0x21: {  	v2 =	vld [tilespmem:s12+$0x20]  }
0x22: {  	v3 =	vld [tilespmem:s12+$0x30]  }
0x23: {  	v4 =	vld [tilespmem:s12+$0x40]  }
0x24: {  	v37 =	vld [tilespmem:s12+$0x50];
	[tilespmem:s12+$0x400] =	vst v0  }
0x25: {  	v38 =	vld [tilespmem:s12+$0x60];
	[tilespmem:s12+$0x410] =	vst v1  }
0x26: {  	v39 =	vld [tilespmem:s12+$0x70];
	[tilespmem:s12+$0x420] =	vst v2  }
0x27: {  	v40 =	vld [tilespmem:s12+$0x80];
	[tilespmem:s12+$0x430] =	vst v3  }
0x28: {  	v41 =	vld [tilespmem:s12+$0x90];
	[tilespmem:s12+$0x440] =	vst v4  }
0x29: {  	v42 =	vld [tilespmem:s12+$0xA0];
	[tilespmem:s12+$0x450] =	vst v37  }
0x2a: {  	v43 =	vld [tilespmem:s12+$0xB0];
	[tilespmem:s12+$0x460] =	vst v38  }
0x2b: {  	v44 =	vld [tilespmem:s12+$0xC0];
	[tilespmem:s12+$0x470] =	vst v39  }
0x2c: {  	v45 =	vld [tilespmem:s12+$0xD0];
	[tilespmem:s12+$0x480] =	vst v40  }
0x2d: {  	v46 =	vld [tilespmem:s12+$0xE0];
	[tilespmem:s12+$0x490] =	vst v41  }
0x2e: {  	v47 =	vld [tilespmem:s12+$0xF0];
	[tilespmem:s12+$0x4A0] =	vst v42  }
0x2f: {  	v48 =	vld [tilespmem:s12+$0x100];
	[tilespmem:s12+$0x4B0] =	vst v43  }
0x30: {  	v49 =	vld [tilespmem:s12+$0x110];
	[tilespmem:s12+$0x4C0] =	vst v44  }
0x31: {  	v50 =	vld [tilespmem:s12+$0x120];
	[tilespmem:s12+$0x4D0] =	vst v45  }
0x32: {  	v51 =	vld [tilespmem:s12+$0x130];
	[tilespmem:s12+$0x4E0] =	vst v46  }
0x33: {  	v52 =	vld [tilespmem:s12+$0x140];
	[tilespmem:s12+$0x4F0] =	vst v47  }
0x34: {  	v53 =	vld [tilespmem:s12+$0x150];
	[tilespmem:s12+$0x500] =	vst v48  }
0x35: {  	v54 =	vld [tilespmem:s12+$0x160];
	[tilespmem:s12+$0x510] =	vst v49  }
0x36: {  	v55 =	vld [tilespmem:s12+$0x170];
	[tilespmem:s12+$0x520] =	vst v50  }
0x37: {  	v56 =	vld [tilespmem:s12+$0x180];
	[tilespmem:s12+$0x530] =	vst v51  }
0x38: {  	v57 =	vld [tilespmem:s12+$0x190];
	[tilespmem:s12+$0x540] =	vst v52  }
0x39: {  	v58 =	vld [tilespmem:s12+$0x1A0];
	[tilespmem:s12+$0x550] =	vst v53  }
0x3a: {  	v59 =	vld [tilespmem:s12+$0x1B0];
	[tilespmem:s12+$0x560] =	vst v54  }
0x3b: {  	v60 =	vld [tilespmem:s12+$0x1C0];
	[tilespmem:s12+$0x570] =	vst v55  }
0x3c: {  	v61 =	vld [tilespmem:s12+$0x1D0];
	[tilespmem:s12+$0x580] =	vst v56  }
0x3d: {  	v62 =	vld [tilespmem:s12+$0x1E0];
	[tilespmem:s12+$0x590] =	vst v57  }
0x3e: {  	v63 =	vld [tilespmem:s12+$0x1F0];
	[tilespmem:s12+$0x5A0] =	vst v58  }
0x3f: {  	[tilespmem:s12+$0x5B0] =	vst v59  }
.Ltmp3:
0x40: {  	[tilespmem:s12+$0x5C0] =	vst v60;
	(pc) =	sbr.rel .LBB2_3-.Ltmp3, $4  }
0x41: {  	[tilespmem:s12+$0x5D0] =	vst v61  }
0x42: {  	s11 =	sshrl.u32 s11, $0x3;
	[tilespmem:s12+$0x5E0] =	vst v62  }
0x43: {  	s13 =	sor.u32 $0x400, s12;
	s11 =	sadd.s32 s4, s11;
	[tilespmem:s12+$0x5F0] =	vst v63  }
0x44: {  	[hbm4b:s11+s8] =	stream.linear.scatter [tilespmem:s13], [sflag:$0x2], $0x200, $0x38;
	[tilespmem:$0x800] =	vst v63  }
.LBB2_4:
0x45: {  	_ =	sfence.sel $0x180000  }
0x46: {  	s2 =	simm.s32 $0x1;
	[bflag:$0x0] =	sbarrier.arrive $0xFFFF  }
0x47: {  	s31 =	simm.s32 $0x2;
	[sflag:s2] =	ssyncpa.u1 $0x1  }
0x48: {  	[sflag:s31] =	ssyncpa.u1 $0x1  }
0x49: {  	_ =	strace $0x90000050  }
0x4a: {  	s0 =	sadd.s32 @!p0 $0x100000, s0;
	[bflag:$0x2] =	sbarrier.arrive $0xFFFF  }
0x4b: {  	[sflag:s0] =	ssyncadd.tile.s32 @!p0 $0x1;
	s0 =	simm.s32 @!p0 $0x3F  }
0x4c: {  	_ =	swait.ge @!p0 [sflag:s0], s1  }
0x4d: {  	s1 =	ssub.s32 @!p0 $0x0, s1;
	[sflag:s0] =	ssyncset.done @!p0 $0x0  }
0x4e: {  	[sflag:s0] =	ssyncadd.s32 @!p0 s1  }
0x4f: {  	[bflag:$0x3] =	sbarrier.arrive $0xFFFF  }
0x50: {  	_ =	shalt  }
.Lfunc_end2:
execute1_lowered:
.L_overlay_start_2:
0x51: {  	(tag) =	ssettag $0x2  }
0x52: {  	s7 =	rddreg [dreg:$0x0]  }
0x53: {  	s0 =	rddreg [dreg:$0x1];
	_ =	strace $0x80000053  }
0x54: {  	s3 =	stileid.u32;
	s4 =	simm.s32 $0x3E;
	s1 =	sadd.s32 $0x2CC00, s7  }
0x55: {  	p0 =	sne.s32 s3, $0x0;
	[sflag:s4] =	ssyncpa.u1 $0x0;
	s29 =	smin.u32 s3, $0x8  }
0x56: {  	s30 =	sshll.u32 s3, $0x1;
	s2 =	simm.s32 @!p0 $0x1C3E;
	s5 =	simm.s32 @!p0 $0x0  }
0x57: {  	[spmem:s5], [sflag:s2] =	dma.local @!p0 [hbm:s1], $0x400  }
0x58: {  	s2 =	sadd.s32 s29, s30  }
0x59: {  	p1 =	slt.u32 s3, $0x8;
	s3 =	simm.s32 $0x5DC0;
	s2 =	smul.u32 $0x1F40, s2  }
0x5a: {  	s3 =	simm.s32 @!p1 $0x3E80  }
0x5b: {  	s3 =	sadd.s32 s3, s2  }
0x5c: {  	s3 =	smin.u32 s3, $0x4E200  }
0x5d: {  	s8 =	ssub.s32 s3, s2  }
0x5e: {  	p1 =	sgt.s32 s8, $0x0  }
0x5f: {  	s8 =	simm.s32 @!p1 $0x0  }
0x60: {  	s5 =	simm.s32 @!p0 $0x3E;
	s31 =	smulhi.u32 $0x10624DD3, s8  }
0x61: {  	_ =	swait.ge @!p0 [sflag:s5], $0x400  }
0x62: {  	s6 =	simm.s32 $0x2;
	[sflag:s5] =	ssyncset.done @!p0 $0x0;
	s9 =	sshrl.u32 s31, $0x9  }
0x63: {  	s11 =	simm.s32 $0x0;
	[sflag:s5] =	ssyncadd.s32 @!p0 $0xFFFFFC00;
	s10 =	smul.u32 $0x1F40, s9  }
.Ltmp4:
0x64: {  	s5 =	sadd.s32 $0x18C00, s7;
	[bflag:$0x0] =	sbarrier.arrive $0xFFFF;
	(pc) =	sbr.rel .LBB3_1-.Ltmp4, $4  }
0x65: {  	s7 =	sadd.s32 $0x22E00, s7;
	[sflag:s4] =	ssyncpa.u1 $0x1;
	s4 =	simm.s32 $0x1  }
0x66: {  	[sflag:s4] =	ssyncpa.u1 $0x0;
	p1 =	sne.s32 s8, s10;
	s8 =	simm.s32 $0x1  }
0x67: {  	(ifvalue) =	ssetifvalue $0x2000;
	[sflag:s6] =	ssyncpa.u1 $0x0;
	s8 =	simm.s32 @!p1 $0x0  }
0x68: {  	vm0 =	vmmov $0xffff;
	s10 =	smov.u32 s2;
	s8 =	sadd.s32 s8, s9;
	s9 =	simm.s32 $0x0  }
.LBB3_5:
0x69: {  	p2 =	sne.s32 s11, s8  }
.Ltmp5:
0x6a: {  	_ = 	snop;
	(pc) =	sbr.rel @!p2 .LBB3_6-.Ltmp5, $4  }
0x6b: {  	_ = 	snop  }
0x6c: {  	s12 =	sadd.s32 $0x1F40, s10  }
0x6d: {  	s10 =	smov.u32 s2;
	s13 =	sadd.s32 $0x1, s11;
	p1 =	slt.s32 s12, s3  }
0x6e: {  	s11 =	smov.u32 s13;
	s10 =	smov.u32 @p1 s12  }
.LBB3_1:
0x6f: {  	p1 =	sge.u32 s11, s8  }
0x70: {  	s12 =	sxor.u32 @!p1 $0xFFFFFFFF, s11  }
0x71: {  	s12 =	sand.u32 @!p1 $0x1, s12  }
0x72: {  	s12 =	smul.u32 @!p1 $0x1F40, s12  }
0x73: {  	s13 =	sshrl.u32 @!p1 s10, $0x3  }
0x74: {  	s16 =	sand.u32 @!p1 $0x7, s10;
	s14 =	sadd.s32 @!p1 s5, s13;
	s15 =	sadd.s32 @!p1 $0x200, s12  }
0x75: {  	[tilespmem:s15], [sflag:$0x2] =	stream.linear.gather @!p1 [hbm4b:s14+s16], $0x1F40, $0x38;
	[tilespmem:$0x7F00] =	vst v63  }
0x76: {  	s13 =	sadd.s32 @!p1 s7, s13;
	s12 =	sadd.s32 @!p1 $0x4080, s12  }
0x77: {  	[tilespmem:s12], [sflag:$0x2] =	stream.linear.gather @!p1 [hbm4b:s13+s16], $0x1F40, $0x38;
	[tilespmem:$0x7F00] =	vst v63  }
0x78: {  	p1 =	seq.s32 s11, $0x0  }
.Ltmp6:
0x79: {  	_ = 	snop;
	(pc) =	sbr.rel @p1 .LBB3_5-.Ltmp6, $1  }
0x7a: {  	_ =	sdelay $0x3  }
0x7b: {  	s12 =	sand.u32 $0x1, s11  }
0x7c: {  	_ =	swait.ge [sflag:s6], $0x3E80;
	p1 =	seq.s32 s12, $0x1;
	s12 =	simm.s32 $0x1F40  }
0x7d: {  	[sflag:s6] =	ssyncset.done $0x0;
	s12 =	simm.s32 @!p1 $0x0  }
0x7e: {  	[sflag:s6] =	ssyncadd.s32 $0xFFFFC180;
	s14 =	sadd.s32 $0x200, s12  }
0x7f: {  	v0 =	vld.msk [tilespmem:s14+$0x0 ss:$0x1], $0xffff;
	_ =	sdelay $0x4  }
0x80: {  	v0 =	vmin.u32 v0, $0x2000;
	_ =	sdelay $0x3  }
0x81: {  	s13 =	simm.s32 $0x0;
	s12 =	sor.u32 $0x4080, s12;
	s14 =	sadd.s32 $0x10, s14  }
0x82: {  	[spmem:s9] =	stream.indirect_vreg.scatter.add.s32 [tilespmem:s12], [sflag:$0x1], $0x1, v0, vm0, $0x4038;
	[tilespmem:$0x7F00] =	vst v63  }
.LBB3_3:
0x83: {  	v0 =	vld.msk [tilespmem:s14+$0x0 ss:$0x1], $0xffff;
	s13 =	sadd.s32 $0x10, s13  }
0x84: {  	p1 =	slt.u32 s13, $0x1F30;
	_ =	sdelay $0x4  }
0x85: {  	v0 =	vmin.u32 v0, $0x2000  }
.Ltmp7:
0x86: {  	(pc) =	sbr.rel @p1 .LBB3_3-.Ltmp7, $3  }
0x87: {  	_ =	sdelay $0x1  }
0x88: {  	s14 =	sadd.s32 $0x10, s14;
	s12 =	sadd.s32 $0x10, s12  }
0x89: {  	[spmem:s9] =	stream.indirect_vreg.scatter.add.s32 [tilespmem:s12], [sflag:$0x1], $0x1, v0, vm0, $0x4038;
	[tilespmem:$0x7F00] =	vst v63  }
.Ltmp8:
0x8a: {  	(pc) =	sbr.rel .LBB3_5-.Ltmp8, $4  }
0x8b: {  	_ = 	snop  }
0x8c: {  	_ =	swait.ge [sflag:s4], $0x1F40  }
0x8d: {  	[sflag:s4] =	ssyncset.done $0x0  }
0x8e: {  	[sflag:s4] =	ssyncadd.s32 $0xFFFFE0C0  }
.LBB3_6:
0x8f: {  	_ =	sfence.sel $0x180000  }
0x90: {  	s2 =	simm.s32 $0x2;
	[bflag:$0x0] =	sbarrier.arrive $0xFFFF  }
0x91: {  	s30 =	simm.s32 $0x1;
	[sflag:s2] =	ssyncpa.u1 $0x1  }
0x92: {  	[sflag:s30] =	ssyncpa.u1 $0x1  }
0x93: {  	_ =	sfence.stream.spmem  }
0x94: {  	s31 =	simm.s32 $0x3D;
	[bflag:$0x0] =	sbarrier.arrive $0xFFFF  }
0x95: {  	s2 =	simm.s32 @p0 $0x3D;
	[sflag:s31] =	ssyncpa.u1 $0x0  }
0x96: {  	[sflag:s2] =	ssyncpa.u1 @p0 $0x1  }
0x97: {  	[bflag:$0x0] =	sbarrier.arrive @p0 $0xFFFF  }
0x98: {  	_ =	strace @p0 $0x90000053  }
0x99: {  	s3 =	simm.s32 @!p0 $0x1C3D;
	s2 =	simm.s32 @!p0 $0x0;
	[bflag:$0x2] =	sbarrier.arrive @p0 $0xFFFF  }
0x9a: {  	[hbm:s1], [sflag:s3] =	dma.local @!p0 [spmem:s2], $0x400  }
0x9b: {  	s1 =	simm.s32 @!p0 $0x3D  }
0x9c: {  	_ =	swait.ge @!p0 [sflag:s1], $0x400  }
0x9d: {  	[sflag:s1] =	ssyncset.done @!p0 $0x0  }
0x9e: {  	[sflag:s1] =	ssyncadd.s32 @!p0 $0xFFFFFC00  }
0x9f: {  	[sflag:s1] =	ssyncpa.u1 @!p0 $0x1  }
0xa0: {  	[bflag:$0x0] =	sbarrier.arrive @!p0 $0xFFFF  }
0xa1: {  	_ =	strace @!p0 $0x90000053  }
0xa2: {  	s0 =	sadd.s32 @!p0 $0x100000, s0;
	[bflag:$0x2] =	sbarrier.arrive @!p0 $0xFFFF  }
0xa3: {  	[sflag:s0] =	ssyncadd.tile.s32 @!p0 $0x1;
	_ =	shalt  }
.Lfunc_end3:
_tile_overlayer_lowered:
.L_overlay_start_3:
0xa4: {  	(tag) =	ssettag $0x3  }
0xa5: {  	s0 =	rddreg [dreg:$0x0];
	s2 =	stileid.u32  }
0xa6: {  	s1 =	rddreg [dreg:$0x1];
	p0 =	sne.s32 s2, $0x0  }
0xa7: {  	s3 =	rddreg [dreg:$0x2];
	[bflag:$0x3] =	sbarrier.arrive $0xFFFF;
	s2 =	simm.s32 @!p0 $0x1C01  }
0xa8: {  	[timem:s3], [sflag:s2] =	dma.local @!p0 [hbm:s0], s1  }
0xa9: {  	s0 =	simm.s32 @!p0 $0x1  }
0xaa: {  	_ =	swait.ge @!p0 [sflag:s0], s1  }
0xab: {  	s1 =	ssub.s32 @!p0 $0x0, s1;
	[sflag:s0] =	ssyncset.done @!p0 $0x0  }
0xac: {  	[sflag:s0] =	ssyncadd.s32 @!p0 s1  }
0xad: {  	[bflag:$0x3] =	sbarrier.arrive $0xFFFF  }
0xae: {  	_ =	shalt  }

// kernel: scatter_offload_async_start.3
scs
__scs_entry_jumppad:
0x0: {  	(pc) =	sbr.rel $0x88, $3  }
0x1: {  	(tag) =	ssettag $0x0;
	lr =	simm.s32 $0x1  }
0x2: {  	[smem:$0x3F97] =	sst lr;
	_ =	strace $0xD0000000  }
0x3: {  	_ = 	snop  }
0x4: {  	_ = 	snop  }
0x5: {  	_ = 	snop  }
0x6: {  	_ = 	snop  }
0x7: {  	_ = 	snop  }
__scs_overlays_trampoline_lowered:
0x8: {  	[smem:$0x3FA6] =	sst s0  }
0x9: {  	[smem:$0x3FA7] =	sst s1  }
0xa: {  	[smem:$0x3FA8] =	sst s2  }
0xb: {  	[smem:$0x3FA9] =	sst s3  }
0xc: {  	[smem:$0x3FAA] =	sst s4  }
0xd: {  	[smem:$0x3FAB] =	sst s5  }
0xe: {  	[smem:$0x3FAC] =	sst s6  }
0xf: {  	[smem:$0x3FAD] =	sst s7  }
0x10: {  	[smem:$0x3FAE] =	sst s8  }
0x11: {  	[smem:$0x3FAF] =	sst s9;
	s0 =	simm.s32 @!p0 $0x0  }
0x12: {  	s1 =	sld [smem:$0x3F95];
	s0 =	simm.s32 @p0 $0x1  }
0x13: {  	[smem:$0x3FB0] =	sst s0;
	s0 =	simm.s32 @!p1 $0x0  }
0x14: {  	s2 =	sld [smem:$0x3F94];
	s0 =	simm.s32 @p1 $0x1  }
0x15: {  	[smem:$0x3FB1] =	sst s0;
	s0 =	simm.s32 @!p2 $0x0  }
0x16: {  	s3 =	sld [smem:$0x3FDB];
	s0 =	simm.s32 @p2 $0x1  }
0x17: {  	s4 =	simm.s32 $0x1BF5;
	[smem:$0x3FB3] =	sst s0  }
0x18: {  	s0 =	sld [smem:$0x3F96];
	_ =	swait.ge [sflag:s4], $0x0  }
0x19: {  	s7 =	sld [smem:$0x3F97]  }
0x1a: {  	s8 =	sadd.s32 $0xFFFFE003, lr  }
0x1b: {  	s9 =	sadd.s32 $0xFFFFFEF7, lr;
	s5 =	simm.s32 $0xFFFFFFFF;
	p2 =	slt.u32 s8, $0xFFFFF086  }
0x1c: {  	p1 =	slt.u32 s9, $0xF7A;
	s5 =	simm.s32 @!p2 $0x0  }
0x1d: {  	s5 =	simm.s32 @p1 $0x1;
	p0 =	seq.s32 s7, s2  }
0x1e: {  	s7 =	smul.u32 @!p0 $0xF7A, s2;
	p2 =	seq.s32 @!p0 s5, $0x0  }
0x1f: {  	s9 =	smul.u32 $0xF7A, s1;
	s8 =	simm.s32 @!p0 $0x1BF5;
	p2 =	por !p2, p0  }
0x20: {  	[sflag:s8] =	ssyncset.s32 @!p0 $0xFFFFF086;
	s6 =	sadd.s32 @!p0 s3, s7;
	s7 =	simm.s32 @!p0 $0x108  }
0x21: {  	s3 =	sadd.s32 s3, s9;
	s6 =	sadd.s32 @!p0 $0x88, s6;
	s7 =	simm.s32 @p2 $0x1082  }
0x22: {  	[simem:s7], [sflag:s8] =	dma.local @!p0 [hbm:s6], $0xF7A  }
0x23: {  	s9 =	sor.u32 $0xD0000000, s2;
	s6 =	simm.s32 $0x108;
	_ =	swait.ge @!p0 [sflag:s8], $0x0  }
0x24: {  	s3 =	sadd.s32 $0x88, s3;
	s6 =	simm.s32 @!p1 $0x1082;
	[sflag:s4] =	ssyncset.s32 $0xFFFFF086  }
0x25: {  	[simem:s6], [sflag:s4] =	dma.local [hbm:s3], $0xF7A  }
0x26: {  	[smem:$0x3F97] =	sst s1;
	(tag) =	ssettag s2;
	_ =	strace s9  }
0x27: {  	s1 =	sld [smem:$0x3FA7]  }
0x28: {  	s2 =	sld [smem:$0x3FA8]  }
0x29: {  	s4 =	sld [smem:$0x3FAA]  }
0x2a: {  	p0 =	seq.s32 s5, $0x0;
	s5 =	sld [smem:$0x3FAB]  }
0x2b: {  	s6 =	sld [smem:$0x3FAC]  }
0x2c: {  	s7 =	sld [smem:$0x3FAD]  }
0x2d: {  	s3 =	simm.s32 $0x108;
	s8 =	sld [smem:$0x3FAE]  }
0x2e: {  	s3 =	simm.s32 @!p0 $0x1082;
	s9 =	sld [smem:$0x3FAF]  }
0x2f: {  	lr =	sadd.s32 s0, s3;
	s0 =	sld [smem:$0x3FA6]  }
0x30: {  	s3 =	sld [smem:$0x3FA9]  }
0x31: {  	[smem:$0x3FB2] =	sst s10  }
0x32: {  	s10 =	sld [smem:$0x3FB0];
	_ =	sdelay $0x3  }
0x33: {  	p0 =	seq.s32 s10, $0x1;
	s10 =	sld [smem:$0x3FB2];
	_ =	sdelay $0x3  }
0x34: {  	[smem:$0x3FB2] =	sst s10  }
0x35: {  	s10 =	sld [smem:$0x3FB1];
	_ =	sdelay $0x3  }
0x36: {  	p1 =	seq.s32 s10, $0x1;
	s10 =	sld [smem:$0x3FB2];
	_ =	sdelay $0x3  }
0x37: {  	[smem:$0x3FB2] =	sst s10  }
0x38: {  	s10 =	sld [smem:$0x3FB3]  }
0x39: {  	_ = 	snop;
	(pc) =	sbr.ind lr, $3  }
0x3a: {  	_ = 	snop  }
0x3b: {  	_ = 	snop  }
0x3c: {  	p2 =	seq.s32 s10, $0x1;
	s10 =	sld [smem:$0x3FB2]  }
0x3d: {  	_ =	shalt  }
0x3e: {  	_ =	shalt  }
0x3f: {  	_ =	shalt  }
0x40: {  	_ =	shalt  }
0x41: {  	_ =	shalt  }
0x42: {  	_ =	shalt  }
0x43: {  	_ =	shalt  }
0x44: {  	_ =	shalt  }
0x45: {  	_ =	shalt  }
0x46: {  	_ =	shalt  }
0x47: {  	_ =	shalt  }
0x48: {  	_ =	shalt  }
0x49: {  	_ =	shalt  }
0x4a: {  	_ =	shalt  }
0x4b: {  	_ =	shalt  }
0x4c: {  	_ =	shalt  }
0x4d: {  	_ =	shalt  }
0x4e: {  	_ =	shalt  }
0x4f: {  	_ =	shalt  }
0x50: {  	_ =	shalt  }
0x51: {  	_ =	shalt  }
0x52: {  	_ =	shalt  }
0x53: {  	_ =	shalt  }
0x54: {  	_ =	shalt  }
0x55: {  	_ =	shalt  }
0x56: {  	_ =	shalt  }
0x57: {  	_ =	shalt  }
0x58: {  	_ =	shalt  }
0x59: {  	_ =	shalt  }
0x5a: {  	_ =	shalt  }
0x5b: {  	_ =	shalt  }
0x5c: {  	_ =	shalt  }
0x5d: {  	_ =	shalt  }
0x5e: {  	_ =	shalt  }
0x5f: {  	_ =	shalt  }
0x60: {  	_ =	shalt  }
0x61: {  	_ =	shalt  }
0x62: {  	_ =	shalt  }
0x63: {  	_ =	shalt  }
0x64: {  	_ =	shalt  }
0x65: {  	_ =	shalt  }
0x66: {  	_ =	shalt  }
0x67: {  	_ =	shalt  }
0x68: {  	_ =	shalt  }
0x69: {  	_ =	shalt  }
0x6a: {  	_ =	shalt  }
0x6b: {  	_ =	shalt  }
0x6c: {  	_ =	shalt  }
0x6d: {  	_ =	shalt  }
0x6e: {  	_ =	shalt  }
0x6f: {  	_ =	shalt  }
0x70: {  	_ =	shalt  }
0x71: {  	_ =	shalt  }
0x72: {  	_ =	shalt  }
0x73: {  	_ =	shalt  }
0x74: {  	_ =	shalt  }
0x75: {  	_ =	shalt  }
0x76: {  	_ =	shalt  }
0x77: {  	_ =	shalt  }
0x78: {  	_ =	shalt  }
0x79: {  	_ =	shalt  }
0x7a: {  	_ =	shalt  }
0x7b: {  	_ =	shalt  }
0x7c: {  	_ =	shalt  }
0x7d: {  	_ =	shalt  }
0x7e: {  	_ =	shalt  }
0x7f: {  	_ =	shalt  }
0x80: {  	_ =	shalt  }
0x81: {  	_ =	shalt  }
0x82: {  	_ =	shalt  }
0x83: {  	_ =	shalt  }
0x84: {  	_ =	shalt  }
0x85: {  	_ =	shalt  }
0x86: {  	_ =	shalt  }
0x87: {  	_ =	shalt  }
.Lfunc_end0:
.L_simem_size_0:
called_computation.3_lowered:
.L_overlay_start_0:
0x88: {  	s0 =	sld [smem:$0x3FD9]  }
0x89: {  	s1 =	sld [smem:$0x3FFE];
	_ =	sdelay $0x3  }
0x8a: {  	s0 =	sadd.s32 s1, s0  }
0x8b: {  	[smem:$0x3FBE] =	sst s0  }
0x8c: {  	_ = 	snop  }
0x8d: {  	(tm) =	ssettm $0x1  }
0x8e: {  	s14 =	sld [smem:$0x3FFB];
	_ =	sdelay $0x3  }
0x8f: {  	_ =	strace s14  }
0x90: {  	s0 =	sld [smem:$0x3FFC];
	_ =	sdelay $0x3  }
0x91: {  	_ =	strace s0  }
0x92: {  	s0 =	sld [smem:$0x3FFD];
	_ =	sdelay $0x3  }
0x93: {  	_ =	strace s0  }
0x94: {  	_ =	strace $0x8FFFFFFF  }
0x95: {  	s15 =	sld [smem:$0x3FDB];
	_ =	sdelay $0x1  }
0x96: {  	s16 =	simm.s32 $_scs_section_size  }
0x97: {  	s2 =	simm.s32 $_size__tile_overlayer_lowered;
	s3 =	simm.s32 $_tile_overlayer_lowered  }
0x98: {  	s4 =	simm.s32 $0x1BFF;
	s17 =	sshll.u32 s3, $0x1;
	s1 =	sadd.s32 s16, s15  }
0x99: {  	s18 =	simm.s32 $0x0;
	s2 =	sshll.u32 s2, $0x1;
	s3 =	sadd.s32 s17, s1  }
0x9a: {  	[timem:s18], [sflag:s4] =	dma.local [hbm:s3], s2  }
0x9b: {  	_ =	swait.ge [sflag:s4], s2  }
0x9c: {  	s2 =	ssub.s32 $0x0, s2;
	[sflag:s4] =	ssyncset.done $0x0  }
0x9d: {  	[sflag:s4] =	ssyncadd.s32 s2;
	_ =	sdelay $0x1  }
0x9e: {  	s19 =	simm.s32 $0x1B8B  }
0x9f: {  	_ =	swait.ge [sflag:s19], $0x1  }
0xa0: {  	[sflag:s19] =	ssyncset.done $0x0  }
0xa1: {  	s21 =	simm.s32 $0x1B8E;
	s20 =	sld [smem:$0x3FFE];
	[sflag:s19] =	ssyncadd.s32 $0xFFFFFFFF  }
0xa2: {  	s22 =	simm.s32 $execute0_lowered;
	[smem:$0x3FD2] =	sst s21  }
0xa3: {  	s3 =	sshll.u32 s22, $0x1;
	_ =	strace $0x8000005E;
	[dreg:$0x1] =	wrdreg $0xFFFFFFFF  }
0xa4: {  	s23 =	simm.s32 $_size_execute0_lowered;
	s3 =	sadd.s32 s1, s3;
	[dreg:$0x0] =	wrdreg $0x0  }
0xa5: {  	s4 =	sshll.u32 s23, $0x1;
	[dreg:$0x2] =	wrdreg s3  }
0xa6: {  	[dreg:$0x3] =	wrdreg s4  }
0xa7: {  	[dreg:$0x4] =	wrdreg $0xC0  }
0xa8: {  	s24 =	simm.s32 $execute1_lowered;
	_ =	task [dreg:s18], $0x5FFFF  }
0xa9: {  	s3 =	sshll.u32 s24, $0x1;
	[dreg:$0x1] =	wrdreg $0xFFFFFFFF  }
0xaa: {  	s1 =	sadd.s32 s1, s3;
	[dreg:$0x0] =	wrdreg $0x60  }
0xab: {  	[dreg:$0x2] =	wrdreg s1  }
0xac: {  	[dreg:$0x3] =	wrdreg s20  }
0xad: {  	[dreg:$0x4] =	wrdreg $0x9  }
0xae: {  	_ =	task.clear_ibuf [dreg:s18], $0x5FFFF;
	_ =	strace $0x9000005E  }
0xaf: {  	s25 =	simm.s32 $0x9;
	_ =	strace $0x80000060  }
0xb0: {  	_ =	swait.ge [sflag:s25], $0x1  }
0xb1: {  	[sflag:s25] =	ssyncadd.s32 $0xFFFFFFFF  }
0xb2: {  	_ =	strace $0x90000060  }
0xb3: {  	_ =	strace $0x80000061;
	[dreg:$0x1] =	wrdreg $0xFFFFFFFF  }
0xb4: {  	[dreg:$0x0] =	wrdreg $0x2030  }
0xb5: {  	[dreg:$0x2] =	wrdreg s20  }
0xb6: {  	[dreg:$0x3] =	wrdreg $0xA  }
0xb7: {  	_ =	task.clear_ibuf [dreg:s18], $0x4FFFF;
	_ =	strace $0x90000061  }
0xb8: {  	s26 =	simm.s32 $0xA;
	_ =	strace $0x80000063  }
0xb9: {  	_ =	swait.ge [sflag:s26], $0x1  }
0xba: {  	[sflag:s26] =	ssyncadd.s32 $0xFFFFFFFF  }
0xbb: {  	_ =	strace $0x90000063  }
0xbc: {  	_ =	sfence  }
0xbd: {  	s28 =	sld [smem:$0x0];
	_ =	sdelay $0x1  }
0xbe: {  	s29 =	srdreg.scid  }
0xbf: {  	s30 =	sshll.u32 s29, $0xD;
	s31 =	sshrl.u32 s29, $0x2  }
0xc0: {  	s2 =	sand.u32 $0x1, s29;
	s3 =	sand.u32 $0x4000, s30;
	s1 =	sadd.s32 s31, s28  }
0xc1: {  	s2 =	sor.u32 s3, s2;
	s1 =	sshll.u32 s1, $0x11  }
0xc2: {  	s1 =	sor.u32 s1, s2  }
0xc3: {  	s1 =	sadd.s32 $0x8F2B, s1  }
0xc4: {  	[sflag:s1] =	ssyncadd.remote.s32 $0x1  }
0xc5: {  	_ =	sfence.sel $0xFFFF  }
0xc6: {  	[dreg:$0x0] =	wrdreg $0xFFFFFFFF;
	(pc) =	sbr.abs _section_cstart, $3  }
0xc7: {  	[dreg:$0x1] =	wrdreg $0xFFFFFFFF  }
0xc8: {  	_ =	task.clear_ibuf [dreg:s18], $0x2FFFF;
	_ =	strace $0x9FFFFFFF  }
0xc9: {  	(tm) =	ssettm $0x7FFFFFFF  }
tec
execute0_lowered:
.L_overlay_start_1:
0x0: {  	(tag) =	ssettag $0x1  }
0x1: {  	s2 =	rddreg [dreg:$0x0]  }
0x2: {  	s4 =	rddreg [dreg:$0x1]  }
0x3: {  	s0 =	rddreg [dreg:$0x2]  }
0x4: {  	s3 =	stileid.u32;
	[bflag:$0x3] =	sbarrier.arrive $0xFFFF;
	s1 =	simm.s32 $_size_execute1_lowered  }
0x5: {  	s8 =	simm.s32 $0x2;
	s9 =	simm.s32 $0x0;
	p0 =	sne.s32 s3, $0x0  }
0x6: {  	s1 =	sshll.u32 s1, $0x1;
	s5 =	simm.s32 @!p0 $0x1C3F;
	s6 =	simm.s32 @!p0 $0x4060  }
0x7: {  	[timem:s6], [sflag:s5] =	dma.local @!p0 [hbm:s2], s1  }
0x8: {  	s11 =	simm.s32 $0x0;
	s10 =	simm.s32 $0x0;
	s2 =	sshll.u32 s3, $0x9  }
0x9: {  	s3 =	sshll.u32 s3, $0x6;
	_ =	strace $0x8000005F;
	s30 =	ssub.s32 $0x2000, s2  }
.Ltmp0:
0xa: {  	s31 =	sadd.s32 s3, s4;
	s7 =	sand.u32 $0x1E00, s30;
	(pc) =	sbr.rel .LBB2_1-.Ltmp0, $4  }
0xb: {  	s3 =	simm.s32 $0x1;
	p1 =	sne.s32 s7, $0x0;
	s7 =	simm.s32 $0x1  }
0xc: {  	s4 =	sadd.s32 $0x14200, s4;
	s5 =	sshrl.u32 s30, $0xD;
	s7 =	simm.s32 @!p1 $0x0  }
0xd: {  	[sflag:s3] =	ssyncpa.u1 $0x0;
	s6 =	sadd.s32 $0x22A00, s31;
	s5 =	sadd.s32 s7, s5  }
0xe: {  	[sflag:s8] =	ssyncpa.u1 $0x0;
	s8 =	simm.s32 $0x0;
	s7 =	sadd.s32 $0x1, s5  }
.LBB2_3:
0xf: {  	p2 =	sne.s32 s10, s7  }
.Ltmp1:
0x10: {  	p1 =	slt.u32 s10, $0x2;
	(pc) =	sbr.rel @!p2 .LBB2_4-.Ltmp1, $4  }
0x11: {  	s11 =	simm.s32 @!p1 $0x2  }
0x12: {  	_ =	swait.ge @!p1 [sflag:s11], $0x200  }
0x13: {  	s9 =	sadd.s32 $0x200, s9;
	[sflag:s11] =	ssyncset.done @!p1 $0x0  }
0x14: {  	s10 =	sadd.s32 $0x1, s10;
	[sflag:s11] =	ssyncadd.s32 @!p1 $0xFFFFFE00;
	s11 =	smov.u32 s2  }
.LBB2_1:
0x15: {  	p1 =	sge.u32 s10, s5  }
0x16: {  	s12 =	sxor.u32 @!p1 $0xFFFFFFFF, s9  }
0x17: {  	s31 =	sadd.s32 $0xFFFFFFFF, s10;
	s13 =	simm.s32 @!p1 $0x0;
	s12 =	sand.u32 @!p1 $0x200, s12  }
0x18: {  	[tilespmem:s12], [sflag:$0x1] =	stream.linear.gather @!p1 [hbm4b:s6+s13], $0x200, $0x38;
	[tilespmem:$0x800] =	vst v63  }
0x19: {  	p1 =	sge.u32 s31, s5  }
.Ltmp2:
0x1a: {  	_ = 	snop;
	(pc) =	sbr.rel @p1 .LBB2_3-.Ltmp2, $1  }
0x1b: {  	_ =	sdelay $0x3  }
0x1c: {  	_ =	swait.ge [sflag:s3], $0x200  }
0x1d: {  	[sflag:s3] =	ssyncset.done $0x0  }
0x1e: {  	s12 =	sand.u32 $0x200, s9;
	[sflag:s3] =	ssyncadd.s32 $0xFFFFFE00  }
0x1f: {  	v0 =	vld [tilespmem:s12+$0x0]  }
0x20: {  	v1 =	vld [tilespmem:s12+$0x10]  }
0x21: {  	v2 =	vld [tilespmem:s12+$0x20]  }
0x22: {  	v3 =	vld [tilespmem:s12+$0x30]  }
0x23: {  	v4 =	vld [tilespmem:s12+$0x40]  }
0x24: {  	v37 =	vld [tilespmem:s12+$0x50];
	[tilespmem:s12+$0x400] =	vst v0  }
0x25: {  	v38 =	vld [tilespmem:s12+$0x60];
	[tilespmem:s12+$0x410] =	vst v1  }
0x26: {  	v39 =	vld [tilespmem:s12+$0x70];
	[tilespmem:s12+$0x420] =	vst v2  }
0x27: {  	v40 =	vld [tilespmem:s12+$0x80];
	[tilespmem:s12+$0x430] =	vst v3  }
0x28: {  	v41 =	vld [tilespmem:s12+$0x90];
	[tilespmem:s12+$0x440] =	vst v4  }
0x29: {  	v42 =	vld [tilespmem:s12+$0xA0];
	[tilespmem:s12+$0x450] =	vst v37  }
0x2a: {  	v43 =	vld [tilespmem:s12+$0xB0];
	[tilespmem:s12+$0x460] =	vst v38  }
0x2b: {  	v44 =	vld [tilespmem:s12+$0xC0];
	[tilespmem:s12+$0x470] =	vst v39  }
0x2c: {  	v45 =	vld [tilespmem:s12+$0xD0];
	[tilespmem:s12+$0x480] =	vst v40  }
0x2d: {  	v46 =	vld [tilespmem:s12+$0xE0];
	[tilespmem:s12+$0x490] =	vst v41  }
0x2e: {  	v47 =	vld [tilespmem:s12+$0xF0];
	[tilespmem:s12+$0x4A0] =	vst v42  }
0x2f: {  	v48 =	vld [tilespmem:s12+$0x100];
	[tilespmem:s12+$0x4B0] =	vst v43  }
0x30: {  	v49 =	vld [tilespmem:s12+$0x110];
	[tilespmem:s12+$0x4C0] =	vst v44  }
0x31: {  	v50 =	vld [tilespmem:s12+$0x120];
	[tilespmem:s12+$0x4D0] =	vst v45  }
0x32: {  	v51 =	vld [tilespmem:s12+$0x130];
	[tilespmem:s12+$0x4E0] =	vst v46  }
0x33: {  	v52 =	vld [tilespmem:s12+$0x140];
	[tilespmem:s12+$0x4F0] =	vst v47  }
0x34: {  	v53 =	vld [tilespmem:s12+$0x150];
	[tilespmem:s12+$0x500] =	vst v48  }
0x35: {  	v54 =	vld [tilespmem:s12+$0x160];
	[tilespmem:s12+$0x510] =	vst v49  }
0x36: {  	v55 =	vld [tilespmem:s12+$0x170];
	[tilespmem:s12+$0x520] =	vst v50  }
0x37: {  	v56 =	vld [tilespmem:s12+$0x180];
	[tilespmem:s12+$0x530] =	vst v51  }
0x38: {  	v57 =	vld [tilespmem:s12+$0x190];
	[tilespmem:s12+$0x540] =	vst v52  }
0x39: {  	v58 =	vld [tilespmem:s12+$0x1A0];
	[tilespmem:s12+$0x550] =	vst v53  }
0x3a: {  	v59 =	vld [tilespmem:s12+$0x1B0];
	[tilespmem:s12+$0x560] =	vst v54  }
0x3b: {  	v60 =	vld [tilespmem:s12+$0x1C0];
	[tilespmem:s12+$0x570] =	vst v55  }
0x3c: {  	v61 =	vld [tilespmem:s12+$0x1D0];
	[tilespmem:s12+$0x580] =	vst v56  }
0x3d: {  	v62 =	vld [tilespmem:s12+$0x1E0];
	[tilespmem:s12+$0x590] =	vst v57  }
0x3e: {  	v63 =	vld [tilespmem:s12+$0x1F0];
	[tilespmem:s12+$0x5A0] =	vst v58  }
0x3f: {  	[tilespmem:s12+$0x5B0] =	vst v59  }
.Ltmp3:
0x40: {  	[tilespmem:s12+$0x5C0] =	vst v60;
	(pc) =	sbr.rel .LBB2_3-.Ltmp3, $4  }
0x41: {  	[tilespmem:s12+$0x5D0] =	vst v61  }
0x42: {  	s11 =	sshrl.u32 s11, $0x3;
	[tilespmem:s12+$0x5E0] =	vst v62  }
0x43: {  	s13 =	sor.u32 $0x400, s12;
	s11 =	sadd.s32 s4, s11;
	[tilespmem:s12+$0x5F0] =	vst v63  }
0x44: {  	[hbm4b:s11+s8] =	stream.linear.scatter [tilespmem:s13], [sflag:$0x2], $0x200, $0x38;
	[tilespmem:$0x800] =	vst v63  }
.LBB2_4:
0x45: {  	_ =	sfence.sel $0x180000  }
0x46: {  	s2 =	simm.s32 $0x1;
	[bflag:$0x0] =	sbarrier.arrive $0xFFFF  }
0x47: {  	s31 =	simm.s32 $0x2;
	[sflag:s2] =	ssyncpa.u1 $0x1  }
0x48: {  	[sflag:s31] =	ssyncpa.u1 $0x1  }
0x49: {  	_ =	strace $0x9000005F  }
0x4a: {  	s0 =	sadd.s32 @!p0 $0x100000, s0;
	[bflag:$0x2] =	sbarrier.arrive $0xFFFF  }
0x4b: {  	[sflag:s0] =	ssyncadd.tile.s32 @!p0 $0x1;
	s0 =	simm.s32 @!p0 $0x3F  }
0x4c: {  	_ =	swait.ge @!p0 [sflag:s0], s1  }
0x4d: {  	s1 =	ssub.s32 @!p0 $0x0, s1;
	[sflag:s0] =	ssyncset.done @!p0 $0x0  }
0x4e: {  	[sflag:s0] =	ssyncadd.s32 @!p0 s1  }
0x4f: {  	[bflag:$0x3] =	sbarrier.arrive $0xFFFF  }
0x50: {  	_ =	shalt  }
.Lfunc_end2:
execute1_lowered:
.L_overlay_start_2:
0x51: {  	(tag) =	ssettag $0x2  }
0x52: {  	s2 =	rddreg [dreg:$0x0]  }
0x53: {  	s0 =	rddreg [dreg:$0x1];
	_ =	strace $0x80000062;
	s3 =	stileid.u32  }
0x54: {  	s4 =	simm.s32 $0x3E;
	s1 =	sadd.s32 $0x14200, s2;
	p0 =	sne.s32 s3, $0x0  }
0x55: {  	[sflag:s4] =	ssyncpa.u1 $0x0;
	s5 =	simm.s32 @!p0 $0x1C3E;
	s6 =	simm.s32 @!p0 $0x0  }
0x56: {  	[spmem:s6], [sflag:s5] =	dma.local @!p0 [hbm:s1], $0x400  }
0x57: {  	s5 =	simm.s32 @!p0 $0x3E  }
0x58: {  	_ =	swait.ge @!p0 [sflag:s5], $0x400  }
0x59: {  	[sflag:s5] =	ssyncset.done @!p0 $0x0  }
0x5a: {  	s26 =	simm.s32 $0x1;
	[sflag:s5] =	ssyncadd.s32 @!p0 $0xFFFFFC00  }
0x5b: {  	s29 =	simm.s32 $0x2;
	s7 =	simm.s32 $0x400;
	[bflag:$0x0] =	sbarrier.arrive $0xFFFF  }
0x5c: {  	s28 =	sadd.s32 $0x800, s2;
	s30 =	sadd.s32 $0x13E00, s2;
	[sflag:s4] =	ssyncpa.u1 $0x1  }
0x5d: {  	s3 =	sshll.u32 s3, $0x6;
	s2 =	simm.s32 $0x0;
	[sflag:s26] =	ssyncpa.u1 $0x0  }
0x5e: {  	s4 =	sadd.s32 s28, s3;
	(ifvalue) =	ssetifvalue $0x2000;
	[sflag:s29] =	ssyncpa.u1 $0x0  }
0x5f: {  	[tilespmem:s7], [sflag:$0x2] =	stream.linear.gather [hbm4b:s4+s2], $0x200, $0x38;
	[tilespmem:$0xA00] =	vst v63  }
0x60: {  	s31 =	sadd.s32 s30, s3;
	s3 =	simm.s32 $0x800  }
0x61: {  	[tilespmem:s3], [sflag:$0x2] =	stream.linear.gather [hbm4b:s31+s2], $0x200, $0x38;
	[tilespmem:$0xA00] =	vst v63  }
0x62: {  	_ =	swait.ge [sflag:s29], $0x400  }
0x63: {  	[sflag:s29] =	ssyncset.done $0x0  }
0x64: {  	[sflag:s29] =	ssyncadd.s32 $0xFFFFFC00  }
0x65: {  	v0 =	vld.msk [tilespmem:s7+$0x0 ss:$0x1], $0xffff;
	_ =	sdelay $0x4  }
0x66: {  	v0 =	vmin.u32 v0, $0x2000;
	_ =	sdelay $0x3  }
0x67: {  	vm0 =	vmmov $0xffff;
	s5 =	simm.s32 $0x410;
	s4 =	simm.s32 $0x0  }
0x68: {  	[spmem:s2] =	stream.indirect_vreg.scatter.add.s32 [tilespmem:s3], [sflag:$0x1], $0x1, v0, vm0, $0x4038;
	[tilespmem:$0xA00] =	vst v63  }
.LBB3_1:
0x69: {  	v0 =	vld.msk [tilespmem:s5+$0x0 ss:$0x1], $0xffff;
	s4 =	sadd.s32 $0x10, s4  }
0x6a: {  	p1 =	slt.u32 s4, $0x1F0;
	_ =	sdelay $0x4  }
0x6b: {  	v0 =	vmin.u32 v0, $0x2000  }
.Ltmp4:
0x6c: {  	(pc) =	sbr.rel @p1 .LBB3_1-.Ltmp4, $3  }
0x6d: {  	_ =	sdelay $0x1  }
0x6e: {  	s5 =	sadd.s32 $0x10, s5;
	s3 =	sadd.s32 $0x10, s3  }
0x6f: {  	[spmem:s2] =	stream.indirect_vreg.scatter.add.s32 [tilespmem:s3], [sflag:$0x1], $0x1, v0, vm0, $0x4038;
	[tilespmem:$0xA00] =	vst v63  }
0x70: {  	s2 =	simm.s32 $0x1  }
0x71: {  	_ =	swait.ge [sflag:s2], $0x200  }
0x72: {  	[sflag:s2] =	ssyncset.done $0x0  }
0x73: {  	[sflag:s2] =	ssyncadd.s32 $0xFFFFFE00  }
0x74: {  	_ =	sfence.sel $0x180000  }
0x75: {  	s3 =	simm.s32 $0x2;
	[bflag:$0x0] =	sbarrier.arrive $0xFFFF  }
0x76: {  	[sflag:s3] =	ssyncpa.u1 $0x1  }
0x77: {  	[sflag:s2] =	ssyncpa.u1 $0x1  }
0x78: {  	_ =	sfence.stream.spmem  }
0x79: {  	s31 =	simm.s32 $0x3D;
	[bflag:$0x0] =	sbarrier.arrive $0xFFFF  }
0x7a: {  	s2 =	simm.s32 @p0 $0x3D;
	[sflag:s31] =	ssyncpa.u1 $0x0  }
0x7b: {  	[sflag:s2] =	ssyncpa.u1 @p0 $0x1  }
0x7c: {  	[bflag:$0x0] =	sbarrier.arrive @p0 $0xFFFF  }
0x7d: {  	_ =	strace @p0 $0x90000062  }
0x7e: {  	s3 =	simm.s32 @!p0 $0x1C3D;
	s2 =	simm.s32 @!p0 $0x0;
	[bflag:$0x2] =	sbarrier.arrive @p0 $0xFFFF  }
0x7f: {  	[hbm:s1], [sflag:s3] =	dma.local @!p0 [spmem:s2], $0x400  }
0x80: {  	s1 =	simm.s32 @!p0 $0x3D  }
0x81: {  	_ =	swait.ge @!p0 [sflag:s1], $0x400  }
0x82: {  	[sflag:s1] =	ssyncset.done @!p0 $0x0  }
0x83: {  	[sflag:s1] =	ssyncadd.s32 @!p0 $0xFFFFFC00  }
0x84: {  	[sflag:s1] =	ssyncpa.u1 @!p0 $0x1  }
0x85: {  	[bflag:$0x0] =	sbarrier.arrive @!p0 $0xFFFF  }
0x86: {  	_ =	strace @!p0 $0x90000062  }
0x87: {  	s0 =	sadd.s32 @!p0 $0x100000, s0;
	[bflag:$0x2] =	sbarrier.arrive @!p0 $0xFFFF  }
0x88: {  	[sflag:s0] =	ssyncadd.tile.s32 @!p0 $0x1;
	_ =	shalt  }
.Lfunc_end3:
_tile_overlayer_lowered:
.L_overlay_start_3:
0x89: {  	(tag) =	ssettag $0x3  }
0x8a: {  	s0 =	rddreg [dreg:$0x0];
	s2 =	stileid.u32  }
0x8b: {  	s1 =	rddreg [dreg:$0x1];
	p0 =	sne.s32 s2, $0x0  }
0x8c: {  	s3 =	rddreg [dreg:$0x2];
	[bflag:$0x3] =	sbarrier.arrive $0xFFFF;
	s2 =	simm.s32 @!p0 $0x1C01  }
0x8d: {  	[timem:s3], [sflag:s2] =	dma.local @!p0 [hbm:s0], s1  }
0x8e: {  	s0 =	simm.s32 @!p0 $0x1  }
0x8f: {  	_ =	swait.ge @!p0 [sflag:s0], s1  }
0x90: {  	s1 =	ssub.s32 @!p0 $0x0, s1;
	[sflag:s0] =	ssyncset.done @!p0 $0x0  }
0x91: {  	[sflag:s0] =	ssyncadd.s32 @!p0 s1  }
0x92: {  	[bflag:$0x3] =	sbarrier.arrive $0xFFFF  }
0x93: {  	_ =	shalt  }

// kernel: scatter_offload_async_start
scs
__scs_entry_jumppad:
0x0: {  	(pc) =	sbr.rel $0x88, $3  }
0x1: {  	(tag) =	ssettag $0x0;
	lr =	simm.s32 $0x1  }
0x2: {  	[smem:$0x3F97] =	sst lr;
	_ =	strace $0xD0000000  }
0x3: {  	_ = 	snop  }
0x4: {  	_ = 	snop  }
0x5: {  	_ = 	snop  }
0x6: {  	_ = 	snop  }
0x7: {  	_ = 	snop  }
__scs_overlays_trampoline_lowered:
0x8: {  	[smem:$0x3FA6] =	sst s0  }
0x9: {  	[smem:$0x3FA7] =	sst s1  }
0xa: {  	[smem:$0x3FA8] =	sst s2  }
0xb: {  	[smem:$0x3FA9] =	sst s3  }
0xc: {  	[smem:$0x3FAA] =	sst s4  }
0xd: {  	[smem:$0x3FAB] =	sst s5  }
0xe: {  	[smem:$0x3FAC] =	sst s6  }
0xf: {  	[smem:$0x3FAD] =	sst s7  }
0x10: {  	[smem:$0x3FAE] =	sst s8  }
0x11: {  	[smem:$0x3FAF] =	sst s9;
	s0 =	simm.s32 @!p0 $0x0  }
0x12: {  	s1 =	sld [smem:$0x3F95];
	s0 =	simm.s32 @p0 $0x1  }
0x13: {  	[smem:$0x3FB0] =	sst s0;
	s0 =	simm.s32 @!p1 $0x0  }
0x14: {  	s2 =	sld [smem:$0x3F94];
	s0 =	simm.s32 @p1 $0x1  }
0x15: {  	[smem:$0x3FB1] =	sst s0;
	s0 =	simm.s32 @!p2 $0x0  }
0x16: {  	s3 =	sld [smem:$0x3FDB];
	s0 =	simm.s32 @p2 $0x1  }
0x17: {  	s4 =	simm.s32 $0x1BF5;
	[smem:$0x3FB3] =	sst s0  }
0x18: {  	s0 =	sld [smem:$0x3F96];
	_ =	swait.ge [sflag:s4], $0x0  }
0x19: {  	s7 =	sld [smem:$0x3F97]  }
0x1a: {  	s8 =	sadd.s32 $0xFFFFE003, lr  }
0x1b: {  	s9 =	sadd.s32 $0xFFFFFEF7, lr;
	s5 =	simm.s32 $0xFFFFFFFF;
	p2 =	slt.u32 s8, $0xFFFFF086  }
0x1c: {  	p1 =	slt.u32 s9, $0xF7A;
	s5 =	simm.s32 @!p2 $0x0  }
0x1d: {  	s5 =	simm.s32 @p1 $0x1;
	p0 =	seq.s32 s7, s2  }
0x1e: {  	s7 =	smul.u32 @!p0 $0xF7A, s2;
	p2 =	seq.s32 @!p0 s5, $0x0  }
0x1f: {  	s9 =	smul.u32 $0xF7A, s1;
	s8 =	simm.s32 @!p0 $0x1BF5;
	p2 =	por !p2, p0  }
0x20: {  	[sflag:s8] =	ssyncset.s32 @!p0 $0xFFFFF086;
	s6 =	sadd.s32 @!p0 s3, s7;
	s7 =	simm.s32 @!p0 $0x108  }
0x21: {  	s3 =	sadd.s32 s3, s9;
	s6 =	sadd.s32 @!p0 $0x88, s6;
	s7 =	simm.s32 @p2 $0x1082  }
0x22: {  	[simem:s7], [sflag:s8] =	dma.local @!p0 [hbm:s6], $0xF7A  }
0x23: {  	s9 =	sor.u32 $0xD0000000, s2;
	s6 =	simm.s32 $0x108;
	_ =	swait.ge @!p0 [sflag:s8], $0x0  }
0x24: {  	s3 =	sadd.s32 $0x88, s3;
	s6 =	simm.s32 @!p1 $0x1082;
	[sflag:s4] =	ssyncset.s32 $0xFFFFF086  }
0x25: {  	[simem:s6], [sflag:s4] =	dma.local [hbm:s3], $0xF7A  }
0x26: {  	[smem:$0x3F97] =	sst s1;
	(tag) =	ssettag s2;
	_ =	strace s9  }
0x27: {  	s1 =	sld [smem:$0x3FA7]  }
0x28: {  	s2 =	sld [smem:$0x3FA8]  }
0x29: {  	s4 =	sld [smem:$0x3FAA]  }
0x2a: {  	p0 =	seq.s32 s5, $0x0;
	s5 =	sld [smem:$0x3FAB]  }
0x2b: {  	s6 =	sld [smem:$0x3FAC]  }
0x2c: {  	s7 =	sld [smem:$0x3FAD]  }
0x2d: {  	s3 =	simm.s32 $0x108;
	s8 =	sld [smem:$0x3FAE]  }
0x2e: {  	s3 =	simm.s32 @!p0 $0x1082;
	s9 =	sld [smem:$0x3FAF]  }
0x2f: {  	lr =	sadd.s32 s0, s3;
	s0 =	sld [smem:$0x3FA6]  }
0x30: {  	s3 =	sld [smem:$0x3FA9]  }
0x31: {  	[smem:$0x3FB2] =	sst s10  }
0x32: {  	s10 =	sld [smem:$0x3FB0];
	_ =	sdelay $0x3  }
0x33: {  	p0 =	seq.s32 s10, $0x1;
	s10 =	sld [smem:$0x3FB2];
	_ =	sdelay $0x3  }
0x34: {  	[smem:$0x3FB2] =	sst s10  }
0x35: {  	s10 =	sld [smem:$0x3FB1];
	_ =	sdelay $0x3  }
0x36: {  	p1 =	seq.s32 s10, $0x1;
	s10 =	sld [smem:$0x3FB2];
	_ =	sdelay $0x3  }
0x37: {  	[smem:$0x3FB2] =	sst s10  }
0x38: {  	s10 =	sld [smem:$0x3FB3]  }
0x39: {  	_ = 	snop;
	(pc) =	sbr.ind lr, $3  }
0x3a: {  	_ = 	snop  }
0x3b: {  	_ = 	snop  }
0x3c: {  	p2 =	seq.s32 s10, $0x1;
	s10 =	sld [smem:$0x3FB2]  }
0x3d: {  	_ =	shalt  }
0x3e: {  	_ =	shalt  }
0x3f: {  	_ =	shalt  }
0x40: {  	_ =	shalt  }
0x41: {  	_ =	shalt  }
0x42: {  	_ =	shalt  }
0x43: {  	_ =	shalt  }
0x44: {  	_ =	shalt  }
0x45: {  	_ =	shalt  }
0x46: {  	_ =	shalt  }
0x47: {  	_ =	shalt  }
0x48: {  	_ =	shalt  }
0x49: {  	_ =	shalt  }
0x4a: {  	_ =	shalt  }
0x4b: {  	_ =	shalt  }
0x4c: {  	_ =	shalt  }
0x4d: {  	_ =	shalt  }
0x4e: {  	_ =	shalt  }
0x4f: {  	_ =	shalt  }
0x50: {  	_ =	shalt  }
0x51: {  	_ =	shalt  }
0x52: {  	_ =	shalt  }
0x53: {  	_ =	shalt  }
0x54: {  	_ =	shalt  }
0x55: {  	_ =	shalt  }
0x56: {  	_ =	shalt  }
0x57: {  	_ =	shalt  }
0x58: {  	_ =	shalt  }
0x59: {  	_ =	shalt  }
0x5a: {  	_ =	shalt  }
0x5b: {  	_ =	shalt  }
0x5c: {  	_ =	shalt  }
0x5d: {  	_ =	shalt  }
0x5e: {  	_ =	shalt  }
0x5f: {  	_ =	shalt  }
0x60: {  	_ =	shalt  }
0x61: {  	_ =	shalt  }
0x62: {  	_ =	shalt  }
0x63: {  	_ =	shalt  }
0x64: {  	_ =	shalt  }
0x65: {  	_ =	shalt  }
0x66: {  	_ =	shalt  }
0x67: {  	_ =	shalt  }
0x68: {  	_ =	shalt  }
0x69: {  	_ =	shalt  }
0x6a: {  	_ =	shalt  }
0x6b: {  	_ =	shalt  }
0x6c: {  	_ =	shalt  }
0x6d: {  	_ =	shalt  }
0x6e: {  	_ =	shalt  }
0x6f: {  	_ =	shalt  }
0x70: {  	_ =	shalt  }
0x71: {  	_ =	shalt  }
0x72: {  	_ =	shalt  }
0x73: {  	_ =	shalt  }
0x74: {  	_ =	shalt  }
0x75: {  	_ =	shalt  }
0x76: {  	_ =	shalt  }
0x77: {  	_ =	shalt  }
0x78: {  	_ =	shalt  }
0x79: {  	_ =	shalt  }
0x7a: {  	_ =	shalt  }
0x7b: {  	_ =	shalt  }
0x7c: {  	_ =	shalt  }
0x7d: {  	_ =	shalt  }
0x7e: {  	_ =	shalt  }
0x7f: {  	_ =	shalt  }
0x80: {  	_ =	shalt  }
0x81: {  	_ =	shalt  }
0x82: {  	_ =	shalt  }
0x83: {  	_ =	shalt  }
0x84: {  	_ =	shalt  }
0x85: {  	_ =	shalt  }
0x86: {  	_ =	shalt  }
0x87: {  	_ =	shalt  }
.Lfunc_end0:
.L_simem_size_0:
called_computation_lowered:
.L_overlay_start_0:
0x88: {  	s0 =	sld [smem:$0x3FD9]  }
0x89: {  	s1 =	sld [smem:$0x3FFE];
	_ =	sdelay $0x3  }
0x8a: {  	s0 =	sadd.s32 s1, s0  }
0x8b: {  	[smem:$0x3FBE] =	sst s0  }
0x8c: {  	_ = 	snop  }
0x8d: {  	(tm) =	ssettm $0x1  }
0x8e: {  	s14 =	sld [smem:$0x3FFB];
	_ =	sdelay $0x3  }
0x8f: {  	_ =	strace s14  }
0x90: {  	s0 =	sld [smem:$0x3FFC];
	_ =	sdelay $0x3  }
0x91: {  	_ =	strace s0  }
0x92: {  	s0 =	sld [smem:$0x3FFD];
	_ =	sdelay $0x3  }
0x93: {  	_ =	strace s0  }
0x94: {  	_ =	strace $0x8FFFFFFF  }
0x95: {  	s15 =	sld [smem:$0x3FDB];
	_ =	sdelay $0x1  }
0x96: {  	s16 =	simm.s32 $_scs_section_size  }
0x97: {  	s2 =	simm.s32 $_size__tile_overlayer_lowered;
	s3 =	simm.s32 $_tile_overlayer_lowered  }
0x98: {  	s4 =	simm.s32 $0x1BFF;
	s17 =	sshll.u32 s3, $0x1;
	s1 =	sadd.s32 s16, s15  }
0x99: {  	s18 =	simm.s32 $0x0;
	s2 =	sshll.u32 s2, $0x1;
	s3 =	sadd.s32 s17, s1  }
0x9a: {  	[timem:s18], [sflag:s4] =	dma.local [hbm:s3], s2  }
0x9b: {  	_ =	swait.ge [sflag:s4], s2  }
0x9c: {  	s2 =	ssub.s32 $0x0, s2;
	[sflag:s4] =	ssyncset.done $0x0  }
0x9d: {  	[sflag:s4] =	ssyncadd.s32 s2;
	_ =	sdelay $0x1  }
0x9e: {  	s19 =	simm.s32 $0x1B8B  }
0x9f: {  	_ =	swait.ge [sflag:s19], $0x1  }
0xa0: {  	[sflag:s19] =	ssyncset.done $0x0  }
0xa1: {  	s21 =	simm.s32 $0x1B8E;
	s20 =	sld [smem:$0x3FFE];
	[sflag:s19] =	ssyncadd.s32 $0xFFFFFFFF  }
0xa2: {  	s22 =	simm.s32 $execute0_lowered;
	[smem:$0x3FD2] =	sst s21  }
0xa3: {  	s3 =	sshll.u32 s22, $0x1;
	_ =	strace $0x80000049;
	[dreg:$0x1] =	wrdreg $0xFFFFFFFF  }
0xa4: {  	s23 =	simm.s32 $_size_execute0_lowered;
	s3 =	sadd.s32 s1, s3;
	[dreg:$0x0] =	wrdreg $0x0  }
0xa5: {  	s4 =	sshll.u32 s23, $0x1;
	[dreg:$0x2] =	wrdreg s3  }
0xa6: {  	[dreg:$0x3] =	wrdreg s4  }
0xa7: {  	[dreg:$0x4] =	wrdreg $0xC0  }
0xa8: {  	s24 =	simm.s32 $execute1_lowered;
	_ =	task [dreg:s18], $0x5FFFF  }
0xa9: {  	s3 =	sshll.u32 s24, $0x1;
	[dreg:$0x1] =	wrdreg $0xFFFFFFFF  }
0xaa: {  	s1 =	sadd.s32 s1, s3;
	[dreg:$0x0] =	wrdreg $0x60  }
0xab: {  	[dreg:$0x2] =	wrdreg s1  }
0xac: {  	[dreg:$0x3] =	wrdreg s20  }
0xad: {  	[dreg:$0x4] =	wrdreg $0x9  }
0xae: {  	_ =	task.clear_ibuf [dreg:s18], $0x5FFFF;
	_ =	strace $0x90000049  }
0xaf: {  	s25 =	simm.s32 $0x9;
	_ =	strace $0x8000004B  }
0xb0: {  	_ =	swait.ge [sflag:s25], $0x1  }
0xb1: {  	[sflag:s25] =	ssyncadd.s32 $0xFFFFFFFF  }
0xb2: {  	_ =	strace $0x9000004B  }
0xb3: {  	_ =	strace $0x8000004C;
	[dreg:$0x1] =	wrdreg $0xFFFFFFFF  }
0xb4: {  	[dreg:$0x0] =	wrdreg $0x2030  }
0xb5: {  	[dreg:$0x2] =	wrdreg s20  }
0xb6: {  	[dreg:$0x3] =	wrdreg $0xA  }
0xb7: {  	_ =	task.clear_ibuf [dreg:s18], $0x4FFFF;
	_ =	strace $0x9000004C  }
0xb8: {  	s26 =	simm.s32 $0xA;
	_ =	strace $0x8000004E  }
0xb9: {  	_ =	swait.ge [sflag:s26], $0x1  }
0xba: {  	[sflag:s26] =	ssyncadd.s32 $0xFFFFFFFF  }
0xbb: {  	_ =	strace $0x9000004E  }
0xbc: {  	_ =	sfence  }
0xbd: {  	s28 =	sld [smem:$0x0];
	_ =	sdelay $0x1  }
0xbe: {  	s29 =	srdreg.scid  }
0xbf: {  	s30 =	sshll.u32 s29, $0xD;
	s31 =	sshrl.u32 s29, $0x2  }
0xc0: {  	s2 =	sand.u32 $0x1, s29;
	s3 =	sand.u32 $0x4000, s30;
	s1 =	sadd.s32 s31, s28  }
0xc1: {  	s2 =	sor.u32 s3, s2;
	s1 =	sshll.u32 s1, $0x11  }
0xc2: {  	s1 =	sor.u32 s1, s2  }
0xc3: {  	s1 =	sadd.s32 $0x8F2B, s1  }
0xc4: {  	[sflag:s1] =	ssyncadd.remote.s32 $0x1  }
0xc5: {  	_ =	sfence.sel $0xFFFF  }
0xc6: {  	[dreg:$0x0] =	wrdreg $0xFFFFFFFF;
	(pc) =	sbr.abs _section_cstart, $3  }
0xc7: {  	[dreg:$0x1] =	wrdreg $0xFFFFFFFF  }
0xc8: {  	_ =	task.clear_ibuf [dreg:s18], $0x2FFFF;
	_ =	strace $0x9FFFFFFF  }
0xc9: {  	(tm) =	ssettm $0x7FFFFFFF  }
tec
execute0_lowered:
.L_overlay_start_1:
0x0: {  	(tag) =	ssettag $0x1  }
0x1: {  	s2 =	rddreg [dreg:$0x0]  }
0x2: {  	s4 =	rddreg [dreg:$0x1]  }
0x3: {  	s0 =	rddreg [dreg:$0x2]  }
0x4: {  	s3 =	stileid.u32;
	[bflag:$0x3] =	sbarrier.arrive $0xFFFF;
	s1 =	simm.s32 $_size_execute1_lowered  }
0x5: {  	s8 =	simm.s32 $0x2;
	s9 =	simm.s32 $0x0;
	p0 =	sne.s32 s3, $0x0  }
0x6: {  	s1 =	sshll.u32 s1, $0x1;
	s5 =	simm.s32 @!p0 $0x1C3F;
	s6 =	simm.s32 @!p0 $0x4060  }
0x7: {  	[timem:s6], [sflag:s5] =	dma.local @!p0 [hbm:s2], s1  }
0x8: {  	s11 =	simm.s32 $0x0;
	s10 =	simm.s32 $0x0;
	s2 =	sshll.u32 s3, $0x9  }
0x9: {  	s3 =	sshll.u32 s3, $0x6;
	_ =	strace $0x8000004A;
	s30 =	ssub.s32 $0x2000, s2  }
.Ltmp0:
0xa: {  	s31 =	sadd.s32 s3, s4;
	s7 =	sand.u32 $0x1E00, s30;
	(pc) =	sbr.rel .LBB2_1-.Ltmp0, $4  }
0xb: {  	s3 =	simm.s32 $0x1;
	p1 =	sne.s32 s7, $0x0;
	s7 =	simm.s32 $0x1  }
0xc: {  	s4 =	sadd.s32 $0x14200, s4;
	s5 =	sshrl.u32 s30, $0xD;
	s7 =	simm.s32 @!p1 $0x0  }
0xd: {  	[sflag:s3] =	ssyncpa.u1 $0x0;
	s6 =	sadd.s32 $0x22A00, s31;
	s5 =	sadd.s32 s7, s5  }
0xe: {  	[sflag:s8] =	ssyncpa.u1 $0x0;
	s8 =	simm.s32 $0x0;
	s7 =	sadd.s32 $0x1, s5  }
.LBB2_3:
0xf: {  	p2 =	sne.s32 s10, s7  }
.Ltmp1:
0x10: {  	p1 =	slt.u32 s10, $0x2;
	(pc) =	sbr.rel @!p2 .LBB2_4-.Ltmp1, $4  }
0x11: {  	s11 =	simm.s32 @!p1 $0x2  }
0x12: {  	_ =	swait.ge @!p1 [sflag:s11], $0x200  }
0x13: {  	s9 =	sadd.s32 $0x200, s9;
	[sflag:s11] =	ssyncset.done @!p1 $0x0  }
0x14: {  	s10 =	sadd.s32 $0x1, s10;
	[sflag:s11] =	ssyncadd.s32 @!p1 $0xFFFFFE00;
	s11 =	smov.u32 s2  }
.LBB2_1:
0x15: {  	p1 =	sge.u32 s10, s5  }
0x16: {  	s12 =	sxor.u32 @!p1 $0xFFFFFFFF, s9  }
0x17: {  	s31 =	sadd.s32 $0xFFFFFFFF, s10;
	s13 =	simm.s32 @!p1 $0x0;
	s12 =	sand.u32 @!p1 $0x200, s12  }
0x18: {  	[tilespmem:s12], [sflag:$0x1] =	stream.linear.gather @!p1 [hbm4b:s6+s13], $0x200, $0x38;
	[tilespmem:$0x800] =	vst v63  }
0x19: {  	p1 =	sge.u32 s31, s5  }
.Ltmp2:
0x1a: {  	_ = 	snop;
	(pc) =	sbr.rel @p1 .LBB2_3-.Ltmp2, $1  }
0x1b: {  	_ =	sdelay $0x3  }
0x1c: {  	_ =	swait.ge [sflag:s3], $0x200  }
0x1d: {  	[sflag:s3] =	ssyncset.done $0x0  }
0x1e: {  	s12 =	sand.u32 $0x200, s9;
	[sflag:s3] =	ssyncadd.s32 $0xFFFFFE00  }
0x1f: {  	v0 =	vld [tilespmem:s12+$0x0]  }
0x20: {  	v1 =	vld [tilespmem:s12+$0x10]  }
0x21: {  	v2 =	vld [tilespmem:s12+$0x20]  }
0x22: {  	v3 =	vld [tilespmem:s12+$0x30]  }
0x23: {  	v4 =	vld [tilespmem:s12+$0x40]  }
0x24: {  	v37 =	vld [tilespmem:s12+$0x50];
	[tilespmem:s12+$0x400] =	vst v0  }
0x25: {  	v38 =	vld [tilespmem:s12+$0x60];
	[tilespmem:s12+$0x410] =	vst v1  }
0x26: {  	v39 =	vld [tilespmem:s12+$0x70];
	[tilespmem:s12+$0x420] =	vst v2  }
0x27: {  	v40 =	vld [tilespmem:s12+$0x80];
	[tilespmem:s12+$0x430] =	vst v3  }
0x28: {  	v41 =	vld [tilespmem:s12+$0x90];
	[tilespmem:s12+$0x440] =	vst v4  }
0x29: {  	v42 =	vld [tilespmem:s12+$0xA0];
	[tilespmem:s12+$0x450] =	vst v37  }
0x2a: {  	v43 =	vld [tilespmem:s12+$0xB0];
	[tilespmem:s12+$0x460] =	vst v38  }
0x2b: {  	v44 =	vld [tilespmem:s12+$0xC0];
	[tilespmem:s12+$0x470] =	vst v39  }
0x2c: {  	v45 =	vld [tilespmem:s12+$0xD0];
	[tilespmem:s12+$0x480] =	vst v40  }
0x2d: {  	v46 =	vld [tilespmem:s12+$0xE0];
	[tilespmem:s12+$0x490] =	vst v41  }
0x2e: {  	v47 =	vld [tilespmem:s12+$0xF0];
	[tilespmem:s12+$0x4A0] =	vst v42  }
0x2f: {  	v48 =	vld [tilespmem:s12+$0x100];
	[tilespmem:s12+$0x4B0] =	vst v43  }
0x30: {  	v49 =	vld [tilespmem:s12+$0x110];
	[tilespmem:s12+$0x4C0] =	vst v44  }
0x31: {  	v50 =	vld [tilespmem:s12+$0x120];
	[tilespmem:s12+$0x4D0] =	vst v45  }
0x32: {  	v51 =	vld [tilespmem:s12+$0x130];
	[tilespmem:s12+$0x4E0] =	vst v46  }
0x33: {  	v52 =	vld [tilespmem:s12+$0x140];
	[tilespmem:s12+$0x4F0] =	vst v47  }
0x34: {  	v53 =	vld [tilespmem:s12+$0x150];
	[tilespmem:s12+$0x500] =	vst v48  }
0x35: {  	v54 =	vld [tilespmem:s12+$0x160];
	[tilespmem:s12+$0x510] =	vst v49  }
0x36: {  	v55 =	vld [tilespmem:s12+$0x170];
	[tilespmem:s12+$0x520] =	vst v50  }
0x37: {  	v56 =	vld [tilespmem:s12+$0x180];
	[tilespmem:s12+$0x530] =	vst v51  }
0x38: {  	v57 =	vld [tilespmem:s12+$0x190];
	[tilespmem:s12+$0x540] =	vst v52  }
0x39: {  	v58 =	vld [tilespmem:s12+$0x1A0];
	[tilespmem:s12+$0x550] =	vst v53  }
0x3a: {  	v59 =	vld [tilespmem:s12+$0x1B0];
	[tilespmem:s12+$0x560] =	vst v54  }
0x3b: {  	v60 =	vld [tilespmem:s12+$0x1C0];
	[tilespmem:s12+$0x570] =	vst v55  }
0x3c: {  	v61 =	vld [tilespmem:s12+$0x1D0];
	[tilespmem:s12+$0x580] =	vst v56  }
0x3d: {  	v62 =	vld [tilespmem:s12+$0x1E0];
	[tilespmem:s12+$0x590] =	vst v57  }
0x3e: {  	v63 =	vld [tilespmem:s12+$0x1F0];
	[tilespmem:s12+$0x5A0] =	vst v58  }
0x3f: {  	[tilespmem:s12+$0x5B0] =	vst v59  }
.Ltmp3:
0x40: {  	[tilespmem:s12+$0x5C0] =	vst v60;
	(pc) =	sbr.rel .LBB2_3-.Ltmp3, $4  }
0x41: {  	[tilespmem:s12+$0x5D0] =	vst v61  }
0x42: {  	s11 =	sshrl.u32 s11, $0x3;
	[tilespmem:s12+$0x5E0] =	vst v62  }
0x43: {  	s13 =	sor.u32 $0x400, s12;
	s11 =	sadd.s32 s4, s11;
	[tilespmem:s12+$0x5F0] =	vst v63  }
0x44: {  	[hbm4b:s11+s8] =	stream.linear.scatter [tilespmem:s13], [sflag:$0x2], $0x200, $0x38;
	[tilespmem:$0x800] =	vst v63  }
.LBB2_4:
0x45: {  	_ =	sfence.sel $0x180000  }
0x46: {  	s2 =	simm.s32 $0x1;
	[bflag:$0x0] =	sbarrier.arrive $0xFFFF  }
0x47: {  	s31 =	simm.s32 $0x2;
	[sflag:s2] =	ssyncpa.u1 $0x1  }
0x48: {  	[sflag:s31] =	ssyncpa.u1 $0x1  }
0x49: {  	_ =	strace $0x9000004A  }
0x4a: {  	s0 =	sadd.s32 @!p0 $0x100000, s0;
	[bflag:$0x2] =	sbarrier.arrive $0xFFFF  }
0x4b: {  	[sflag:s0] =	ssyncadd.tile.s32 @!p0 $0x1;
	s0 =	simm.s32 @!p0 $0x3F  }
0x4c: {  	_ =	swait.ge @!p0 [sflag:s0], s1  }
0x4d: {  	s1 =	ssub.s32 @!p0 $0x0, s1;
	[sflag:s0] =	ssyncset.done @!p0 $0x0  }
0x4e: {  	[sflag:s0] =	ssyncadd.s32 @!p0 s1  }
0x4f: {  	[bflag:$0x3] =	sbarrier.arrive $0xFFFF  }
0x50: {  	_ =	shalt  }
.Lfunc_end2:
execute1_lowered:
.L_overlay_start_2:
0x51: {  	(tag) =	ssettag $0x2  }
0x52: {  	s7 =	rddreg [dreg:$0x0]  }
0x53: {  	s0 =	rddreg [dreg:$0x1];
	_ =	strace $0x8000004D  }
0x54: {  	s3 =	stileid.u32;
	s4 =	simm.s32 $0x3E;
	s1 =	sadd.s32 $0x14200, s7  }
0x55: {  	p0 =	sne.s32 s3, $0x0;
	[sflag:s4] =	ssyncpa.u1 $0x0;
	s29 =	smin.u32 s3, $0x8  }
0x56: {  	s30 =	sshll.u32 s3, $0x1;
	s2 =	simm.s32 @!p0 $0x1C3E;
	s5 =	simm.s32 @!p0 $0x0  }
0x57: {  	[spmem:s5], [sflag:s2] =	dma.local @!p0 [hbm:s1], $0x400  }
0x58: {  	s2 =	sadd.s32 s29, s30  }
0x59: {  	p1 =	slt.u32 s3, $0x8;
	s3 =	simm.s32 $0x5DC0;
	s2 =	smul.u32 $0x1F40, s2  }
0x5a: {  	s3 =	simm.s32 @!p1 $0x3E80  }
0x5b: {  	s3 =	sadd.s32 s3, s2  }
0x5c: {  	s3 =	smin.u32 s3, $0x4E200  }
0x5d: {  	s8 =	ssub.s32 s3, s2  }
0x5e: {  	p1 =	sgt.s32 s8, $0x0  }
0x5f: {  	s8 =	simm.s32 @!p1 $0x0  }
0x60: {  	s5 =	simm.s32 @!p0 $0x3E;
	s31 =	smulhi.u32 $0x10624DD3, s8  }
0x61: {  	_ =	swait.ge @!p0 [sflag:s5], $0x400  }
0x62: {  	s6 =	simm.s32 $0x2;
	[sflag:s5] =	ssyncset.done @!p0 $0x0;
	s9 =	sshrl.u32 s31, $0x9  }
0x63: {  	s11 =	simm.s32 $0x0;
	[sflag:s5] =	ssyncadd.s32 @!p0 $0xFFFFFC00;
	s10 =	smul.u32 $0x1F40, s9  }
.Ltmp4:
0x64: {  	s5 =	sadd.s32 $0x2D000, s7;
	[bflag:$0x0] =	sbarrier.arrive $0xFFFF;
	(pc) =	sbr.rel .LBB3_1-.Ltmp4, $4  }
0x65: {  	s7 =	sadd.s32 $0x22E00, s7;
	[sflag:s4] =	ssyncpa.u1 $0x1;
	s4 =	simm.s32 $0x1  }
0x66: {  	[sflag:s4] =	ssyncpa.u1 $0x0;
	p1 =	sne.s32 s8, s10;
	s8 =	simm.s32 $0x1  }
0x67: {  	(ifvalue) =	ssetifvalue $0x2000;
	[sflag:s6] =	ssyncpa.u1 $0x0;
	s8 =	simm.s32 @!p1 $0x0  }
0x68: {  	vm0 =	vmmov $0xffff;
	s10 =	smov.u32 s2;
	s8 =	sadd.s32 s8, s9;
	s9 =	simm.s32 $0x0  }
.LBB3_5:
0x69: {  	p2 =	sne.s32 s11, s8  }
.Ltmp5:
0x6a: {  	_ = 	snop;
	(pc) =	sbr.rel @!p2 .LBB3_6-.Ltmp5, $4  }
0x6b: {  	_ = 	snop  }
0x6c: {  	s12 =	sadd.s32 $0x1F40, s10  }
0x6d: {  	s10 =	smov.u32 s2;
	s13 =	sadd.s32 $0x1, s11;
	p1 =	slt.s32 s12, s3  }
0x6e: {  	s11 =	smov.u32 s13;
	s10 =	smov.u32 @p1 s12  }
.LBB3_1:
0x6f: {  	p1 =	sge.u32 s11, s8  }
0x70: {  	s12 =	sxor.u32 @!p1 $0xFFFFFFFF, s11  }
0x71: {  	s12 =	sand.u32 @!p1 $0x1, s12  }
0x72: {  	s12 =	smul.u32 @!p1 $0x1F40, s12  }
0x73: {  	s13 =	sshrl.u32 @!p1 s10, $0x3  }
0x74: {  	s16 =	sand.u32 @!p1 $0x7, s10;
	s14 =	sadd.s32 @!p1 s5, s13;
	s15 =	sadd.s32 @!p1 $0x200, s12  }
0x75: {  	[tilespmem:s15], [sflag:$0x2] =	stream.linear.gather @!p1 [hbm4b:s14+s16], $0x1F40, $0x38;
	[tilespmem:$0x7F00] =	vst v63  }
0x76: {  	s13 =	sadd.s32 @!p1 s7, s13;
	s12 =	sadd.s32 @!p1 $0x4080, s12  }
0x77: {  	[tilespmem:s12], [sflag:$0x2] =	stream.linear.gather @!p1 [hbm4b:s13+s16], $0x1F40, $0x38;
	[tilespmem:$0x7F00] =	vst v63  }
0x78: {  	p1 =	seq.s32 s11, $0x0  }
.Ltmp6:
0x79: {  	_ = 	snop;
	(pc) =	sbr.rel @p1 .LBB3_5-.Ltmp6, $1  }
0x7a: {  	_ =	sdelay $0x3  }
0x7b: {  	s12 =	sand.u32 $0x1, s11  }
0x7c: {  	_ =	swait.ge [sflag:s6], $0x3E80;
	p1 =	seq.s32 s12, $0x1;
	s12 =	simm.s32 $0x1F40  }
0x7d: {  	[sflag:s6] =	ssyncset.done $0x0;
	s12 =	simm.s32 @!p1 $0x0  }
0x7e: {  	[sflag:s6] =	ssyncadd.s32 $0xFFFFC180;
	s14 =	sadd.s32 $0x200, s12  }
0x7f: {  	v0 =	vld.msk [tilespmem:s14+$0x0 ss:$0x1], $0xffff;
	_ =	sdelay $0x4  }
0x80: {  	v0 =	vmin.u32 v0, $0x2000;
	_ =	sdelay $0x3  }
0x81: {  	s13 =	simm.s32 $0x0;
	s12 =	sor.u32 $0x4080, s12;
	s14 =	sadd.s32 $0x10, s14  }
0x82: {  	[spmem:s9] =	stream.indirect_vreg.scatter.add.s32 [tilespmem:s12], [sflag:$0x1], $0x1, v0, vm0, $0x4038;
	[tilespmem:$0x7F00] =	vst v63  }
.LBB3_3:
0x83: {  	v0 =	vld.msk [tilespmem:s14+$0x0 ss:$0x1], $0xffff;
	s13 =	sadd.s32 $0x10, s13  }
0x84: {  	p1 =	slt.u32 s13, $0x1F30;
	_ =	sdelay $0x4  }
0x85: {  	v0 =	vmin.u32 v0, $0x2000  }
.Ltmp7:
0x86: {  	(pc) =	sbr.rel @p1 .LBB3_3-.Ltmp7, $3  }
0x87: {  	_ =	sdelay $0x1  }
0x88: {  	s14 =	sadd.s32 $0x10, s14;
	s12 =	sadd.s32 $0x10, s12  }
0x89: {  	[spmem:s9] =	stream.indirect_vreg.scatter.add.s32 [tilespmem:s12], [sflag:$0x1], $0x1, v0, vm0, $0x4038;
	[tilespmem:$0x7F00] =	vst v63  }
.Ltmp8:
0x8a: {  	(pc) =	sbr.rel .LBB3_5-.Ltmp8, $4  }
0x8b: {  	_ = 	snop  }
0x8c: {  	_ =	swait.ge [sflag:s4], $0x1F40  }
0x8d: {  	[sflag:s4] =	ssyncset.done $0x0  }
0x8e: {  	[sflag:s4] =	ssyncadd.s32 $0xFFFFE0C0  }
.LBB3_6:
0x8f: {  	_ =	sfence.sel $0x180000  }
0x90: {  	s2 =	simm.s32 $0x2;
	[bflag:$0x0] =	sbarrier.arrive $0xFFFF  }
0x91: {  	s30 =	simm.s32 $0x1;
	[sflag:s2] =	ssyncpa.u1 $0x1  }
0x92: {  	[sflag:s30] =	ssyncpa.u1 $0x1  }
0x93: {  	_ =	sfence.stream.spmem  }
0x94: {  	s31 =	simm.s32 $0x3D;
	[bflag:$0x0] =	sbarrier.arrive $0xFFFF  }
0x95: {  	s2 =	simm.s32 @p0 $0x3D;
	[sflag:s31] =	ssyncpa.u1 $0x0  }
0x96: {  	[sflag:s2] =	ssyncpa.u1 @p0 $0x1  }
0x97: {  	[bflag:$0x0] =	sbarrier.arrive @p0 $0xFFFF  }
0x98: {  	_ =	strace @p0 $0x9000004D  }
0x99: {  	s3 =	simm.s32 @!p0 $0x1C3D;
	s2 =	simm.s32 @!p0 $0x0;
	[bflag:$0x2] =	sbarrier.arrive @p0 $0xFFFF  }
0x9a: {  	[hbm:s1], [sflag:s3] =	dma.local @!p0 [spmem:s2], $0x400  }
0x9b: {  	s1 =	simm.s32 @!p0 $0x3D  }
0x9c: {  	_ =	swait.ge @!p0 [sflag:s1], $0x400  }
0x9d: {  	[sflag:s1] =	ssyncset.done @!p0 $0x0  }
0x9e: {  	[sflag:s1] =	ssyncadd.s32 @!p0 $0xFFFFFC00  }
0x9f: {  	[sflag:s1] =	ssyncpa.u1 @!p0 $0x1  }
0xa0: {  	[bflag:$0x0] =	sbarrier.arrive @!p0 $0xFFFF  }
0xa1: {  	_ =	strace @!p0 $0x9000004D  }
0xa2: {  	s0 =	sadd.s32 @!p0 $0x100000, s0;
	[bflag:$0x2] =	sbarrier.arrive @!p0 $0xFFFF  }
0xa3: {  	[sflag:s0] =	ssyncadd.tile.s32 @!p0 $0x1;
	_ =	shalt  }
.Lfunc_end3:
_tile_overlayer_lowered:
.L_overlay_start_3:
0xa4: {  	(tag) =	ssettag $0x3  }
0xa5: {  	s0 =	rddreg [dreg:$0x0];
	s2 =	stileid.u32  }
0xa6: {  	s1 =	rddreg [dreg:$0x1];
	p0 =	sne.s32 s2, $0x0  }
0xa7: {  	s3 =	rddreg [dreg:$0x2];
	[bflag:$0x3] =	sbarrier.arrive $0xFFFF;
	s2 =	simm.s32 @!p0 $0x1C01  }
0xa8: {  	[timem:s3], [sflag:s2] =	dma.local @!p0 [hbm:s0], s1  }
0xa9: {  	s0 =	simm.s32 @!p0 $0x1  }
0xaa: {  	_ =	swait.ge @!p0 [sflag:s0], s1  }
0xab: {  	s1 =	ssub.s32 @!p0 $0x0, s1;
	[sflag:s0] =	ssyncset.done @!p0 $0x0  }
0xac: {  	[sflag:s0] =	ssyncadd.s32 @!p0 s1  }
0xad: {  	[bflag:$0x3] =	sbarrier.arrive $0xFFFF  }
0xae: {  	_ =	shalt  }

</sc_bundles>
